<compile_context>
chip_gen: v7x
topology: tpu7x:2x2x1
jax: 0.10.2.dev20260603
libtpu: 0.0.44.dev20260713+nightly
codegen_flags: <defaults>
</compile_context>

<pallas_src>
import functools

import jax
import jax.numpy as jnp
from jax import lax
from jax.experimental import pallas as pl
from jax.experimental.pallas import tpu as pltpu
from jax.experimental.pallas import tpu_sc as plsc

L, B, NP, NG, S, P, C = 6, 4, 1000, 50, 20, 20, 3
D = P * 2
ALPHA, GAMMA = 0.25, 2.0
W_CLS, W_PTS, W_DIR = 2.0, 5.0, 0.005
COST_CLS, COST_PTS = 2.0, 5.0
EPS = 1e-8

NTC = 768
NSC = NP - NTC
NSCP = 256
DP = 48
PROBS = L * B


def _cls_rows(clsT_r):
    x = clsT_r[0, 0]
    p = jax.nn.sigmoid(x)
    one_m_p = 1.0 - p
    pos = ALPHA * (one_m_p * one_m_p) * (-jnp.log(p + EPS))
    neg = (1.0 - ALPHA) * (p * p) * (-jnp.log(one_m_p + EPS))
    return pos - neg, neg


def _cls_T(pn, oh):
    return (oh[:, 0:1] * pn[0:1, :]
            + oh[:, 1:2] * pn[1:2, :]
            + oh[:, 2:3] * pn[2:3, :])


def _rowmin_arg_pts(cost, rm, n):
    rowmin = jnp.min(cost, axis=1, keepdims=True)
    l_iota = jax.lax.broadcasted_iota(jnp.int32, cost.shape, 1)
    argidx = jnp.min(jnp.where(cost == rowmin, l_iota, n),
                     axis=1, keepdims=True)
    ptsv = jnp.sum(jnp.where(l_iota == argidx, rm, 0.0),
                   axis=1, keepdims=True)
    return rowmin, argidx, ptsv


def _tc_cost_kernel(predT_r, gt3_r, clsT_r, oh_r, out_r, cand_r, rm_ref):
    pred = predT_r[0, 0]
    big = jnp.float32(3.4e38)
    LC = 256

    def s_body(s, _):
        gts = gt3_r[0, s]
        for lo in range(0, NTC, LC):
            hi = lo + LC
            acc = jnp.abs(gts[:, 0:1] - pred[0:1, lo:hi])
            for d in range(1, D):
                acc = acc + jnp.abs(gts[:, d:d + 1] - pred[d:d + 1, lo:hi])
            rm_ref[:, lo:hi] = jnp.minimum(rm_ref[:, lo:hi], acc)
        return 0

    rm_ref[...] = jnp.full((NG, NTC), big, jnp.float32)
    jax.lax.fori_loop(0, S, s_body, 0)
    runmin = rm_ref[...]

    pn, neg = _cls_rows(clsT_r)
    cls_T = _cls_T(pn, oh_r[0])
    cost = cls_T[:, :NTC] * COST_CLS + runmin * COST_PTS
    rowmin, argidx, ptsv = _rowmin_arg_pts(cost, runmin, NTC)

    bg = jnp.sum(neg)
    riota = jax.lax.broadcasted_iota(jnp.int32, (8, 128), 0)
    out_r[0, 0] = jnp.where(riota == 3, bg, 0.0)

    ciota = jax.lax.broadcasted_iota(jnp.int32, (NG, 8), 1)
    cand_r[0, 0] = (jnp.where(ciota == 0, rowmin, 0.0)
                    + jnp.where(ciota == 1, argidx.astype(jnp.float32), 0.0)
                    + jnp.where(ciota == 2, ptsv, 0.0))


NGC = 10
NCHUNK = NG // NGC


def _sc_runmin_body(pred_hbm, gt_hbm, out_hbm, gtbuf, predv, outv):
    c = lax.axis_index("c")
    sid = lax.axis_index("s")

    def k_body(k, _):
        p = 2 * k + c
        b = p % B
        pltpu.sync_copy(pred_hbm.at[p, sid], predv)

        def cg_body(cg, _):
            pltpu.sync_copy(gt_hbm.at[b, pl.ds(cg * NGC * S, NGC * S)],
                            gtbuf)

            def ng_body(ngl, _):
                def s_body(s, rm):
                    j = ngl * S + s
                    g0 = gtbuf[j, pl.ds(0, 16)]
                    g1 = gtbuf[j, pl.ds(16, 16)]
                    g2 = gtbuf[j, pl.ds(32, 16)]
                    gc = (g0, g1, g2)
                    acc = jnp.abs(predv[0, :] - g0[0])
                    for d in range(1, D):
                        acc = acc + jnp.abs(predv[d, :] - gc[d // 16][d % 16])
                    return jnp.minimum(rm, acc)

                rm = jax.lax.fori_loop(
                    0, S, s_body, jnp.full((16,), 3.4e38, jnp.float32))
                outv[cg * NGC + ngl, :] = rm
                return 0

            jax.lax.fori_loop(0, NGC, ng_body, 0)
            return 0

        jax.lax.fori_loop(0, NCHUNK, cg_body, 0)
        pltpu.sync_copy(outv, out_hbm.at[p, sid])
        return 0

    jax.lax.fori_loop(0, PROBS // 2, k_body, 0)


def _merge_kernel(scrm_r, cand_r, predT_r, gt3_r, gtflat_r, clsT_r, oh_r,
                  out_r):
    big = jnp.float32(3.4e38)
    pred = predT_r[0, 0]
    pn, _ = _cls_rows(clsT_r)
    cls_T = _cls_T(pn, oh_r[0])

    sc_rm = scrm_r[0, 0][:, :NSC]
    sc_cost = cls_T[:, NTC:] * COST_CLS + sc_rm * COST_PTS
    sc_min, sc_idx, sc_pts = _rowmin_arg_pts(sc_cost, sc_rm, NSC)

    cand = cand_r[0, 0]
    tc_min = cand[:, 0:1]
    tc_idx = cand[:, 1:2].astype(jnp.int32)
    tc_pts = cand[:, 2:3]

    take_sc = sc_min < tc_min
    m_idx = jnp.where(take_sc, sc_idx + NTC, tc_idx)
    m_pts = jnp.where(take_sc, sc_pts, tc_pts)

    l_iota = jax.lax.broadcasted_iota(jnp.int32, (NG, NP), 1)
    onehot_assign = l_iota == m_idx

    ng_iota = jax.lax.broadcasted_iota(jnp.int32, (NG, NP), 0)
    colmax = jnp.max(jnp.where(onehot_assign, ng_iota, -1),
                     axis=0, keepdims=True)
    winner = onehot_assign & (ng_iota == colmax)
    wf = winner.astype(jnp.float32)

    roww = jnp.max(wf, axis=1, keepdims=True)
    num_pos = jnp.sum(roww)
    sum_pts = jnp.sum(roww * m_pts)
    sum_corr = jnp.sum(wf * cls_T)

    gpred = jax.lax.dot_general(
        wf, pred, (((1,), (1,)), ((), ())),
        preferred_element_type=jnp.float32)

    srunmin = jnp.full((NG, 1), big, jnp.float32)
    srunarg = jnp.zeros((NG, 1), jnp.int32)
    for s in range(S):
        g = gt3_r[0, s]
        dsum = jnp.sum(jnp.abs(gpred - g), axis=1, keepdims=True)
        better = dsum < srunmin
        srunarg = jnp.where(better, s, srunarg)
        srunmin = jnp.minimum(srunmin, dsum)

    ng_col = jax.lax.broadcasted_iota(jnp.int32, (NG, 1), 0)
    jcol = ng_col * S + srunarg
    j_iota = jax.lax.broadcasted_iota(jnp.int32, (NG, NG * S), 1)
    ohns = (j_iota == jcol).astype(jnp.float32)
    gtd = jax.lax.dot_general(
        ohns, gtflat_r[0], (((1,), (0,)), ((), ())),
        preferred_element_type=jnp.float32)

    pd = gpred[:, 2:] - gpred[:, :-2]
    td = gtd[:, 2:] - gtd[:, :-2]
    r2 = jax.lax.broadcasted_iota(jnp.int32, (D - 2, P - 1), 0) // 2
    c2 = jax.lax.broadcasted_iota(jnp.int32, (D - 2, P - 1), 1)
    pair_m = (r2 == c2).astype(jnp.float32)
    stk = jnp.concatenate([pd * td, pd * pd, td * td], axis=0)
    res = jax.lax.dot_general(stk, pair_m, (((1,), (0,)), ((), ())),
                              preferred_element_type=jnp.float32)
    dots = res[0:NG]
    pdn = res[NG:2 * NG]
    tdn = res[2 * NG:3 * NG]
    cos = dots / (jnp.sqrt(pdn) * jnp.sqrt(tdn) + EPS)
    sum_dir = jnp.sum((1.0 - cos) * roww)

    riota = jax.lax.broadcasted_iota(jnp.int32, (8, 128), 0)
    out_r[0, 0] = (jnp.where(riota == 0, num_pos, 0.0)
                   + jnp.where(riota == 1, sum_pts, 0.0)
                   + jnp.where(riota == 2, sum_corr, 0.0)
                   + jnp.where(riota == 4, sum_dir, 0.0))


def _sc_call(pred_sc, gtflat):
    mesh = plsc.VectorSubcoreMesh(core_axis_name="c", subcore_axis_name="s")
    fn = functools.partial(
        pl.kernel,
        mesh=mesh,
        out_type=jax.ShapeDtypeStruct((PROBS, 16, NG, 16), jnp.float32),
        scratch_types=[
            pltpu.VMEM((NGC * S, DP), jnp.float32),
            pltpu.VMEM((D, 16), jnp.float32),
            pltpu.VMEM((NG, 16), jnp.float32),
        ],
    )(_sc_runmin_body)
    return fn(pred_sc, gtflat)


@jax.jit
def kernel(all_cls_scores, all_line_preds, gt_labels, gt_shifts_pts):
    predT = all_line_preds.reshape(L, B, NP, D).transpose(0, 1, 3, 2)
    gt3 = gt_shifts_pts.reshape(B, NG, S, D).transpose(0, 2, 1, 3)
    gtflat = gt_shifts_pts.reshape(B, NG * S, D)
    clsT = all_cls_scores.transpose(0, 1, 3, 2)
    oh = jax.nn.one_hot(gt_labels, C, dtype=jnp.float32)
    pred_sc = jnp.pad(predT[:, :, :, NTC:].reshape(PROBS, D, NSC),
                      ((0, 0), (0, 0), (0, NSCP - NSC)))
    pred_sc4 = pred_sc.reshape(PROBS, D, 16, 16).transpose(0, 2, 1, 3)

    gtflat48 = jnp.pad(gtflat, ((0, 0), (0, 0), (0, DP - D)))
    scrm = _sc_call(pred_sc4, gtflat48)
    scrm4 = scrm.transpose(0, 2, 1, 3).reshape(L, B, NG, NSCP)

    bgp, cand = pl.pallas_call(
        _tc_cost_kernel,
        grid=(B, L),
        in_specs=[
            pl.BlockSpec((1, 1, D, NP), lambda b, l: (l, b, 0, 0)),
            pl.BlockSpec((1, S, NG, D), lambda b, l: (b, 0, 0, 0)),
            pl.BlockSpec((1, 1, C, NP), lambda b, l: (l, b, 0, 0)),
            pl.BlockSpec((1, NG, C), lambda b, l: (b, 0, 0)),
        ],
        out_specs=[
            pl.BlockSpec((1, 1, 8, 128), lambda b, l: (l, b, 0, 0)),
            pl.BlockSpec((1, 1, NG, 8), lambda b, l: (l, b, 0, 0)),
        ],
        out_shape=[
            jax.ShapeDtypeStruct((L, B, 8, 128), jnp.float32),
            jax.ShapeDtypeStruct((L, B, NG, 8), jnp.float32),
        ],
        scratch_shapes=[pltpu.VMEM((NG, NTC), jnp.float32)],
    )(predT, gt3, clsT, oh)

    parts = pl.pallas_call(
        _merge_kernel,
        grid=(B, L),
        in_specs=[
            pl.BlockSpec((1, 1, NG, NSCP), lambda b, l: (l, b, 0, 0)),
            pl.BlockSpec((1, 1, NG, 8), lambda b, l: (l, b, 0, 0)),
            pl.BlockSpec((1, 1, D, NP), lambda b, l: (l, b, 0, 0)),
            pl.BlockSpec((1, S, NG, D), lambda b, l: (b, 0, 0, 0)),
            pl.BlockSpec((1, NG * S, D), lambda b, l: (b, 0, 0)),
            pl.BlockSpec((1, 1, C, NP), lambda b, l: (l, b, 0, 0)),
            pl.BlockSpec((1, NG, C), lambda b, l: (b, 0, 0)),
        ],
        out_specs=pl.BlockSpec((1, 1, 8, 128), lambda b, l: (l, b, 0, 0)),
        out_shape=jax.ShapeDtypeStruct((L, B, 8, 128), jnp.float32),
    )(scrm4, cand, predT, gt3, gtflat, clsT, oh)

    v = parts[:, :, :, 0]
    bg = bgp[:, :, 3, 0]
    num_pos = jnp.maximum(v[:, :, 0].sum(axis=1), 1.0)
    loss_cls = (bg.sum(axis=1) + v[:, :, 2].sum(axis=1)) / num_pos * W_CLS
    loss_pts = v[:, :, 1].sum(axis=1) / num_pos * W_PTS
    loss_dir = v[:, :, 4].sum(axis=1) / num_pos * W_DIR
    out = jnp.stack([loss_cls, loss_pts, loss_dir], axis=1)
    return jnp.nan_to_num(out)

# --- scband reference (transcript-rebuilt; emitter-appended) ---
"""Pipeline reference for scband-map-head-72172630442091 (READ-ONLY COPY).

The authoritative reference and input builder live on the scoring server;
editing this copy changes nothing except your own understanding.
"""

import jax, jax.numpy as jnp
import numpy as np

L, B, NP, NG, S, P, C = 6, 4, 1000, 50, 20, 20, 3
ALPHA, GAMMA = 0.25, 2.0
W_CLS, W_PTS, W_DIR = 2.0, 5.0, 0.005
COST_CLS, COST_PTS = 2.0, 5.0
EPS = 1e-8


def setup_inputs(seed: int = 0) -> dict:
    key = jax.random.key(seed)
    k1, k2, k3, k4 = jax.random.split(key, 4)
    return {
        "all_cls_scores": jax.random.normal(k1, (L, B, NP, C), dtype=jnp.float32),
        "all_line_preds": jax.random.uniform(k2, (L, B, NP, P, 2), dtype=jnp.float32),
        "gt_labels": jax.random.randint(k3, (B, NG), 0, C, dtype=jnp.int32),
        "gt_shifts_pts": jax.random.uniform(k4, (B, NG, S, P, 2), dtype=jnp.float32),
    }


def _get_targets_single(cls_score, pts_pred, gt_labels_i, gt_pts_i):
    # FocalLossCost (use_sigmoid): [NP, NG]
    p = jax.nn.sigmoid(cls_score)
    pos_cost = ALPHA * ((1.0 - p) ** GAMMA) * (-jnp.log(p + EPS))
    neg_cost = (1.0 - ALPHA) * (p ** GAMMA) * (-jnp.log(1.0 - p + EPS))
    cls_cost = (pos_cost[:, gt_labels_i] - neg_cost[:, gt_labels_i]) * COST_CLS
    # OrderedPtsL1Cost: min over shift permutations, scan over S to bound memory
    gt_s = jnp.moveaxis(gt_pts_i, 1, 0)  # [S, NG, P, 2]
    def step(g):
        return jnp.abs(pts_pred[:, None, :, :] - g[None, :, :, :]).sum(axis=(-1, -2))  # [NP, NG]
    costs = jax.lax.map(step, gt_s)  # [S, NP, NG]
    pts_cost = costs.min(axis=0) * COST_PTS
    order_index = jnp.argmin(costs, axis=0)  # [NP, NG]
    cost = cls_cost + pts_cost
    # per-GT greedy assignment (approximates Hungarian matching)
    assigned_pred = jnp.argmin(cost, axis=0)  # [NG]
    assigned_shift = order_index[assigned_pred, jnp.arange(NG)]  # [NG]
    labels = jnp.full((NP,), C, dtype=jnp.int32).at[assigned_pred].set(gt_labels_i.astype(jnp.int32))
    tgt = gt_pts_i[jnp.arange(NG), assigned_shift]  # [NG, P, 2]
    pts_targets = jnp.zeros((NP, P, 2), jnp.float32).at[assigned_pred].set(tgt)
    pts_weights = jnp.zeros((NP, P, 2), jnp.float32).at[assigned_pred].set(1.0)
    return labels, pts_targets, pts_weights


def _loss_single(cls_scores, pts_preds, gt_labels, gt_pts):
    labels, pts_targets, pts_weights = jax.vmap(_get_targets_single)(cls_scores, pts_preds, gt_labels, gt_pts)
    labels = labels.reshape(-1)
    cls_flat = cls_scores.reshape(-1, C)
    pts_preds_f = pts_preds.reshape(-1, P, 2)
    pts_targets = pts_targets.reshape(-1, P, 2)
    pts_weights = pts_weights.reshape(-1, P, 2)
    num_pos = jnp.maximum(pts_weights[:, 0, 0].sum(), 1.0)
    # sigmoid focal classification loss
    t = jax.nn.one_hot(labels, C)  # background label == C -> zero vector
    p = jax.nn.sigmoid(cls_flat)
    ce = -(t * jnp.log(p + EPS) + (1.0 - t) * jnp.log(1.0 - p + EPS))
    fw = t * ALPHA * ((1.0 - p) ** GAMMA) + (1.0 - t) * (1.0 - ALPHA) * (p ** GAMMA)
    loss_cls = (fw * ce).sum() / num_pos * W_CLS
    # PtsL1Loss
    isnotnan = jnp.isfinite(pts_targets.reshape(pts_targets.shape[0], -1)).all(axis=-1).astype(jnp.float32)
    m = isnotnan[:, None, None]
    loss_pts = (jnp.abs(pts_preds_f - pts_targets) * pts_weights * m).sum() / num_pos * W_PTS
    # PtsDirCosLoss (dir_interval = 1)
    pd = pts_preds_f[:, 1:, :] - pts_preds_f[:, :-1, :]
    td = pts_targets[:, 1:, :] - pts_targets[:, :-1, :]
    dw = pts_weights[:, :-1, 0] * isnotnan[:, None]
    cos = (pd * td).sum(-1) / (jnp.linalg.norm(pd, axis=-1) * jnp.linalg.norm(td, axis=-1) + EPS)
    loss_dir = ((1.0 - cos) * dw).sum() / num_pos * W_DIR
    return jnp.stack([jnp.nan_to_num(loss_cls), jnp.nan_to_num(loss_pts), jnp.nan_to_num(loss_dir)])


def reference(all_cls_scores, all_line_preds, gt_labels, gt_shifts_pts):
    outs = [_loss_single(all_cls_scores[l], all_line_preds[l], gt_labels, gt_shifts_pts) for l in range(L)]
    return jnp.stack(outs)  # [L, 3]: (loss_cls, loss_pts, loss_dir) per decoder layer

if __name__ == "__main__":
    import jax
    _d = setup_inputs()
    print(jax.jit(kernel)(*tuple(_d.values())))

</pallas_src>

<mosaic_0001>
#map = affine_map<(d0, d1) -> (0, 0, 0, 0)>
#map1 = affine_map<(d0, d1) -> (0, 0, 0)>
module attributes {stable_mosaic.version = 14 : i64} {
  func.func @_sc_runmin_body(%arg0: i32, %arg1: i32, %arg2: memref<24x16x40x16xf32, #tpu.memory_space<hbm>>, %arg3: memref<4x1000x48xf32, #tpu.memory_space<hbm>>, %arg4: memref<24x16x50x16xf32, #tpu.memory_space<hbm>>, %arg5: memref<200x48xf32, #tpu.memory_space<vmem>>, %arg6: memref<40x16xf32, #tpu.memory_space<vmem>>, %arg7: memref<50x16xf32, #tpu.memory_space<vmem>>) attributes {dimension_semantics = [#tpu.dimension_semantics<core_parallel>, #tpu.dimension_semantics<subcore_parallel>], iteration_bounds = array<i64: 2, 16>, scalar_prefetch = 0 : i64, scratch_operands = 3 : i64, tpu.core_type = #tpu.core_type<sc_vector_subcore>, window_params = [{transform_indices = #map}, {transform_indices = #map1}, {transform_indices = #map}]} {
    %scan3A = arith.constant 0 : i32
    %scan3A_0 = arith.constant 0 : i32
    %scan3A_1 = arith.constant 12 : i32
    %scan3A_2 = arith.addi %scan3A_0, %scan3A_1 : i32
    %scan3A_3 = arith.constant 1 : i32
    %scan3A_4 = scf.for %scan3A_6 = %scan3A_0 to %scan3A_2 step %scan3A_3 iter_args(%scan3A_7 = %scan3A) -> (i32)  : i32 {
      %mul3A = arith.constant 2 : i32
      %mul3A_8 = arith.muli %mul3A, %scan3A_6 : i32
      %add3A = arith.addi %mul3A_8, %arg0 : i32
      %jit3A = arith.constant 4 : i32
      %eq3A = arith.constant 0 : i32
      %eq3A_9 = arith.cmpi eq, %jit3A, %eq3A : i32
      %jit3A_10 = arith.constant 1 : i32
      %select_n3A = arith.select %eq3A_9, %jit3A_10, %jit3A : i32
      %rem3A = arith.remsi %add3A, %select_n3A : i32
      %ne3A = arith.constant 0 : i32
      %ne3A_11 = arith.cmpi ne, %rem3A, %ne3A : i32
      %lt3A = arith.constant 0 : i32
      %lt3A_12 = arith.cmpi slt, %rem3A, %lt3A : i32
      %lt3A_13 = arith.constant 0 : i32
      %lt3A_14 = arith.cmpi slt, %select_n3A, %lt3A_13 : i32
      %ne3A_15 = arith.xori %lt3A_12, %lt3A_14 : i1
      %and3A = arith.andi %ne3A_15, %ne3A_11 : i1
      %add3A_16 = arith.addi %rem3A, %select_n3A : i32
      %select_n3A_17 = arith.select %and3A, %add3A_16, %rem3A : i32
      "tpu.region"() ({
        %run_scoped3A = tpu.sem_alloc : memref<!tpu.dma_semaphore, #tpu.memory_space<semaphore_mem>>
        %dma_start3A = arith.constant 0 : i32
        %dma_start3A_26 = arith.constant 0 : i32
        %dma_start3A_27 = tpu.memref_slice %arg2[%add3A, %arg1, %dma_start3A, %dma_start3A_26] : memref<24x16x40x16xf32, #tpu.memory_space<hbm>> -> memref<1x1x40x16xf32, #tpu.memory_space<hbm>>
        %dma_start3A_28 = tpu.memref_squeeze %dma_start3A_27 : memref<1x1x40x16xf32, #tpu.memory_space<hbm>> -> memref<40x16xf32, #tpu.memory_space<hbm>>
        %dma_start3A_29 = arith.constant 0 : i32
        %dma_start3A_30 = arith.constant 0 : i32
        %dma_start3A_31 = tpu.memref_slice %arg2[%add3A, %arg1, %dma_start3A_29, %dma_start3A_30] : memref<24x16x40x16xf32, #tpu.memory_space<hbm>> -> memref<1x1x40x16xf32, #tpu.memory_space<hbm>>
        %dma_start3A_32 = tpu.memref_squeeze %dma_start3A_31 : memref<1x1x40x16xf32, #tpu.memory_space<hbm>> -> memref<40x16xf32, #tpu.memory_space<hbm>>
        tpu.enqueue_dma source(%dma_start3A_32 : memref<40x16xf32, #tpu.memory_space<hbm>>) target(%arg6 : memref<40x16xf32, #tpu.memory_space<vmem>>) target_semaphore(%run_scoped3A : memref<!tpu.dma_semaphore, #tpu.memory_space<semaphore_mem>>)
        %dma_wait3A = arith.constant 0 : i32
        %dma_wait3A_33 = arith.constant 0 : i32
        %dma_wait3A_34 = tpu.memref_slice %arg2[%add3A, %arg1, %dma_wait3A, %dma_wait3A_33] : memref<24x16x40x16xf32, #tpu.memory_space<hbm>> -> memref<1x1x40x16xf32, #tpu.memory_space<hbm>>
        %dma_wait3A_35 = tpu.memref_squeeze %dma_wait3A_34 : memref<1x1x40x16xf32, #tpu.memory_space<hbm>> -> memref<40x16xf32, #tpu.memory_space<hbm>>
        %dma_wait3A_36 = arith.constant 0 : i32
        %dma_wait3A_37 = arith.constant 0 : i32
        %dma_wait3A_38 = tpu.memref_slice %arg2[%add3A, %arg1, %dma_wait3A_36, %dma_wait3A_37] : memref<24x16x40x16xf32, #tpu.memory_space<hbm>> -> memref<1x1x40x16xf32, #tpu.memory_space<hbm>>
        %dma_wait3A_39 = tpu.memref_squeeze %dma_wait3A_38 : memref<1x1x40x16xf32, #tpu.memory_space<hbm>> -> memref<40x16xf32, #tpu.memory_space<hbm>>
        tpu.wait_dma2 semaphore(%run_scoped3A : memref<!tpu.dma_semaphore, #tpu.memory_space<semaphore_mem>>) src(%dma_wait3A_39 : memref<40x16xf32, #tpu.memory_space<hbm>>) dst(%arg6 : memref<40x16xf32, #tpu.memory_space<vmem>>)
        tpu.yield
      }) : () -> ()
      %scan3A_18 = arith.constant 0 : i32
      %scan3A_19 = arith.constant 0 : i32
      %scan3A_20 = arith.constant 5 : i32
      %scan3A_21 = arith.addi %scan3A_19, %scan3A_20 : i32
      %scan3A_22 = arith.constant 1 : i32
      %scan3A_23 = scf.for %scan3A_26 = %scan3A_19 to %scan3A_21 step %scan3A_22 iter_args(%scan3A_27 = %scan3A_18) -> (i32)  : i32 {
        %mul3A_28 = arith.constant 10 : i32
        %mul3A_29 = arith.muli %scan3A_26, %mul3A_28 : i32
        %mul3A_30 = arith.constant 20 : i32
        %mul3A_31 = arith.muli %mul3A_29, %mul3A_30 : i32
        "tpu.region"() ({
          %run_scoped3A = tpu.sem_alloc : memref<!tpu.dma_semaphore, #tpu.memory_space<semaphore_mem>>
          %dma_start3A = arith.constant 0 : i32
          %dma_start3A_40 = tpu.memref_slice %arg3[%select_n3A_17, %mul3A_31, %dma_start3A] : memref<4x1000x48xf32, #tpu.memory_space<hbm>> -> memref<1x200x48xf32, #tpu.memory_space<hbm>>
          %dma_start3A_41 = tpu.memref_squeeze %dma_start3A_40 : memref<1x200x48xf32, #tpu.memory_space<hbm>> -> memref<200x48xf32, #tpu.memory_space<hbm>>
          %dma_start3A_42 = arith.constant 0 : i32
          %dma_start3A_43 = tpu.memref_slice %arg3[%select_n3A_17, %mul3A_31, %dma_start3A_42] : memref<4x1000x48xf32, #tpu.memory_space<hbm>> -> memref<1x200x48xf32, #tpu.memory_space<hbm>>
          %dma_start3A_44 = tpu.memref_squeeze %dma_start3A_43 : memref<1x200x48xf32, #tpu.memory_space<hbm>> -> memref<200x48xf32, #tpu.memory_space<hbm>>
          tpu.enqueue_dma source(%dma_start3A_44 : memref<200x48xf32, #tpu.memory_space<hbm>>) target(%arg5 : memref<200x48xf32, #tpu.memory_space<vmem>>) target_semaphore(%run_scoped3A : memref<!tpu.dma_semaphore, #tpu.memory_space<semaphore_mem>>)
          %dma_wait3A = arith.constant 0 : i32
          %dma_wait3A_45 = tpu.memref_slice %arg3[%select_n3A_17, %mul3A_31, %dma_wait3A] : memref<4x1000x48xf32, #tpu.memory_space<hbm>> -> memref<1x200x48xf32, #tpu.memory_space<hbm>>
          %dma_wait3A_46 = tpu.memref_squeeze %dma_wait3A_45 : memref<1x200x48xf32, #tpu.memory_space<hbm>> -> memref<200x48xf32, #tpu.memory_space<hbm>>
          %dma_wait3A_47 = arith.constant 0 : i32
          %dma_wait3A_48 = tpu.memref_slice %arg3[%select_n3A_17, %mul3A_31, %dma_wait3A_47] : memref<4x1000x48xf32, #tpu.memory_space<hbm>> -> memref<1x200x48xf32, #tpu.memory_space<hbm>>
          %dma_wait3A_49 = tpu.memref_squeeze %dma_wait3A_48 : memref<1x200x48xf32, #tpu.memory_space<hbm>> -> memref<200x48xf32, #tpu.memory_space<hbm>>
          tpu.wait_dma2 semaphore(%run_scoped3A : memref<!tpu.dma_semaphore, #tpu.memory_space<semaphore_mem>>) src(%dma_wait3A_49 : memref<200x48xf32, #tpu.memory_space<hbm>>) dst(%arg5 : memref<200x48xf32, #tpu.memory_space<vmem>>)
          tpu.yield
        }) : () -> ()
        %scan3A_32 = arith.constant 0 : i32
        %scan3A_33 = arith.constant 0 : i32
        %scan3A_34 = arith.constant 10 : i32
        %scan3A_35 = arith.addi %scan3A_33, %scan3A_34 : i32
        %scan3A_36 = arith.constant 1 : i32
        %scan3A_37 = scf.for %scan3A_40 = %scan3A_33 to %scan3A_35 step %scan3A_36 iter_args(%scan3A_41 = %scan3A_32) -> (i32)  : i32 {
          %broadcast_in_dim3A = arith.constant 3.400000e+38 : f32
          %broadcast_in_dim3A_42 = vector.broadcast %broadcast_in_dim3A : f32 to vector<16xf32>
          %scan3A_43 = arith.constant 0 : i32
          %scan3A_44 = arith.constant 20 : i32
          %scan3A_45 = arith.addi %scan3A_43, %scan3A_44 : i32
          %scan3A_46 = arith.constant 1 : i32
          %scan3A_47 = scf.for %scan3A_57 = %scan3A_43 to %scan3A_45 step %scan3A_46 iter_args(%scan3A_58 = %broadcast_in_dim3A_42) -> (vector<16xf32>)  : i32 {
            %mul3A_59 = arith.constant 20 : i32
            %mul3A_60 = arith.muli %scan3A_40, %mul3A_59 : i32
            %add3A_61 = arith.addi %mul3A_60, %scan3A_57 : i32
            %get3A = arith.index_cast %add3A_61 : i32 to index
            %get3A_62 = arith.constant 0 : index
            %get3A_63 = tpu.vector_load %arg5[%get3A, %get3A_62] {strides = array<i32>} : memref<200x48xf32, #tpu.memory_space<vmem>>, vector<1x16xf32>,
            %get3A_64 = vector.shape_cast %get3A_63 : vector<1x16xf32> to vector<16xf32>
            %get3A_65 = arith.index_cast %add3A_61 : i32 to index
            %get3A_66 = arith.constant 16 : index
            %get3A_67 = tpu.vector_load %arg5[%get3A_65, %get3A_66] {strides = array<i32>} : memref<200x48xf32, #tpu.memory_space<vmem>>, vector<1x16xf32>,
            %get3A_68 = vector.shape_cast %get3A_67 : vector<1x16xf32> to vector<16xf32>
            %get3A_69 = arith.index_cast %add3A_61 : i32 to index
            %get3A_70 = arith.constant 32 : index
            %get3A_71 = tpu.vector_load %arg5[%get3A_69, %get3A_70] {strides = array<i32>} : memref<200x48xf32, #tpu.memory_space<vmem>>, vector<1x16xf32>,
            %get3A_72 = vector.shape_cast %get3A_71 : vector<1x16xf32> to vector<16xf32>
            %get3A_73 = arith.constant 0 : i32
            %get3A_74 = arith.index_cast %get3A_73 : i32 to index
            %get3A_75 = arith.constant 0 : index
            %get3A_76 = tpu.vector_load %arg6[%get3A_74, %get3A_75] {strides = array<i32>} : memref<40x16xf32, #tpu.memory_space<vmem>>, vector<1x16xf32>,
            %get3A_77 = vector.shape_cast %get3A_76 : vector<1x16xf32> to vector<16xf32>
            %slice3A = vector.extract_strided_slice %get3A_64 {offsets = [0], sizes = [1], strides = [1]} : vector<16xf32> to vector<1xf32>
            %squeeze3A = vector.extract %slice3A[0] : f32 from vector<1xf32>
            %sub3A = vector.broadcast %squeeze3A : f32 to vector<16xf32>
            %sub3A_78 = arith.subf %get3A_77, %sub3A : vector<16xf32>
            %abs3A = math.absf %sub3A_78 : vector<16xf32>
            %get3A_79 = arith.constant 1 : i32
            %get3A_80 = arith.index_cast %get3A_79 : i32 to index
            %get3A_81 = arith.constant 0 : index
            %get3A_82 = tpu.vector_load %arg6[%get3A_80, %get3A_81] {strides = array<i32>} : memref<40x16xf32, #tpu.memory_space<vmem>>, vector<1x16xf32>,
            %get3A_83 = vector.shape_cast %get3A_82 : vector<1x16xf32> to vector<16xf32>
            %slice3A_84 = vector.extract_strided_slice %get3A_64 {offsets = [1], sizes = [1], strides = [1]} : vector<16xf32> to vector<1xf32>
            %squeeze3A_85 = vector.extract %slice3A_84[0] : f32 from vector<1xf32>
            %sub3A_86 = vector.broadcast %squeeze3A_85 : f32 to vector<16xf32>
            %sub3A_87 = arith.subf %get3A_83, %sub3A_86 : vector<16xf32>
            %abs3A_88 = math.absf %sub3A_87 : vector<16xf32>
            %add3A_89 = arith.addf %abs3A, %abs3A_88 : vector<16xf32>
            %get3A_90 = arith.constant 2 : i32
            %get3A_91 = arith.index_cast %get3A_90 : i32 to index
            %get3A_92 = arith.constant 0 : index
            %get3A_93 = tpu.vector_load %arg6[%get3A_91, %get3A_92] {strides = array<i32>} : memref<40x16xf32, #tpu.memory_space<vmem>>, vector<1x16xf32>,
            %get3A_94 = vector.shape_cast %get3A_93 : vector<1x16xf32> to vector<16xf32>
            %slice3A_95 = vector.extract_strided_slice %get3A_64 {offsets = [2], sizes = [1], strides = [1]} : vector<16xf32> to vector<1xf32>
            %squeeze3A_96 = vector.extract %slice3A_95[0] : f32 from vector<1xf32>
            %sub3A_97 = vector.broadcast %squeeze3A_96 : f32 to vector<16xf32>
            %sub3A_98 = arith.subf %get3A_94, %sub3A_97 : vector<16xf32>
            %abs3A_99 = math.absf %sub3A_98 : vector<16xf32>
            %add3A_100 = arith.addf %add3A_89, %abs3A_99 : vector<16xf32>
            %get3A_101 = arith.constant 3 : i32
            %get3A_102 = arith.index_cast %get3A_101 : i32 to index
            %get3A_103 = arith.constant 0 : index
            %get3A_104 = tpu.vector_load %arg6[%get3A_102, %get3A_103] {strides = array<i32>} : memref<40x16xf32, #tpu.memory_space<vmem>>, vector<1x16xf32>,
            %get3A_105 = vector.shape_cast %get3A_104 : vector<1x16xf32> to vector<16xf32>
            %slice3A_106 = vector.extract_strided_slice %get3A_64 {offsets = [3], sizes = [1], strides = [1]} : vector<16xf32> to vector<1xf32>
            %squeeze3A_107 = vector.extract %slice3A_106[0] : f32 from vector<1xf32>
            %sub3A_108 = vector.broadcast %squeeze3A_107 : f32 to vector<16xf32>
            %sub3A_109 = arith.subf %get3A_105, %sub3A_108 : vector<16xf32>
            %abs3A_110 = math.absf %sub3A_109 : vector<16xf32>
            %add3A_111 = arith.addf %add3A_100, %abs3A_110 : vector<16xf32>
            %get3A_112 = arith.constant 4 : i32
            %get3A_113 = arith.index_cast %get3A_112 : i32 to index
            %get3A_114 = arith.constant 0 : index
            %get3A_115 = tpu.vector_load %arg6[%get3A_113, %get3A_114] {strides = array<i32>} : memref<40x16xf32, #tpu.memory_space<vmem>>, vector<1x16xf32>,
            %get3A_116 = vector.shape_cast %get3A_115 : vector<1x16xf32> to vector<16xf32>
            %slice3A_117 = vector.extract_strided_slice %get3A_64 {offsets = [4], sizes = [1], strides = [1]} : vector<16xf32> to vector<1xf32>
            %squeeze3A_118 = vector.extract %slice3A_117[0] : f32 from vector<1xf32>
            %sub3A_119 = vector.broadcast %squeeze3A_118 : f32 to vector<16xf32>
            %sub3A_120 = arith.subf %get3A_116, %sub3A_119 : vector<16xf32>
            %abs3A_121 = math.absf %sub3A_120 : vector<16xf32>
            %add3A_122 = arith.addf %add3A_111, %abs3A_121 : vector<16xf32>
            %get3A_123 = arith.constant 5 : i32
            %get3A_124 = arith.index_cast %get3A_123 : i32 to index
            %get3A_125 = arith.constant 0 : index
            %get3A_126 = tpu.vector_load %arg6[%get3A_124, %get3A_125] {strides = array<i32>} : memref<40x16xf32, #tpu.memory_space<vmem>>, vector<1x16xf32>,
            %get3A_127 = vector.shape_cast %get3A_126 : vector<1x16xf32> to vector<16xf32>
            %slice3A_128 = vector.extract_strided_slice %get3A_64 {offsets = [5], sizes = [1], strides = [1]} : vector<16xf32> to vector<1xf32>
            %squeeze3A_129 = vector.extract %slice3A_128[0] : f32 from vector<1xf32>
            %sub3A_130 = vector.broadcast %squeeze3A_129 : f32 to vector<16xf32>
            %sub3A_131 = arith.subf %get3A_127, %sub3A_130 : vector<16xf32>
            %abs3A_132 = math.absf %sub3A_131 : vector<16xf32>
            %add3A_133 = arith.addf %add3A_122, %abs3A_132 : vector<16xf32>
            %get3A_134 = arith.constant 6 : i32
            %get3A_135 = arith.index_cast %get3A_134 : i32 to index
            %get3A_136 = arith.constant 0 : index
            %get3A_137 = tpu.vector_load %arg6[%get3A_135, %get3A_136] {strides = array<i32>} : memref<40x16xf32, #tpu.memory_space<vmem>>, vector<1x16xf32>,
            %get3A_138 = vector.shape_cast %get3A_137 : vector<1x16xf32> to vector<16xf32>
            %slice3A_139 = vector.extract_strided_slice %get3A_64 {offsets = [6], sizes = [1], strides = [1]} : vector<16xf32> to vector<1xf32>
            %squeeze3A_140 = vector.extract %slice3A_139[0] : f32 from vector<1xf32>
            %sub3A_141 = vector.broadcast %squeeze3A_140 : f32 to vector<16xf32>
            %sub3A_142 = arith.subf %get3A_138, %sub3A_141 : vector<16xf32>
            %abs3A_143 = math.absf %sub3A_142 : vector<16xf32>
            %add3A_144 = arith.addf %add3A_133, %abs3A_143 : vector<16xf32>
            %get3A_145 = arith.constant 7 : i32
            %get3A_146 = arith.index_cast %get3A_145 : i32 to index
            %get3A_147 = arith.constant 0 : index
            %get3A_148 = tpu.vector_load %arg6[%get3A_146, %get3A_147] {strides = array<i32>} : memref<40x16xf32, #tpu.memory_space<vmem>>, vector<1x16xf32>,
            %get3A_149 = vector.shape_cast %get3A_148 : vector<1x16xf32> to vector<16xf32>
            %slice3A_150 = vector.extract_strided_slice %get3A_64 {offsets = [7], sizes = [1], strides = [1]} : vector<16xf32> to vector<1xf32>
            %squeeze3A_151 = vector.extract %slice3A_150[0] : f32 from vector<1xf32>
            %sub3A_152 = vector.broadcast %squeeze3A_151 : f32 to vector<16xf32>
            %sub3A_153 = arith.subf %get3A_149, %sub3A_152 : vector<16xf32>
            %abs3A_154 = math.absf %sub3A_153 : vector<16xf32>
            %add3A_155 = arith.addf %add3A_144, %abs3A_154 : vector<16xf32>
            %get3A_156 = arith.constant 8 : i32
            %get3A_157 = arith.index_cast %get3A_156 : i32 to index
            %get3A_158 = arith.constant 0 : index
            %get3A_159 = tpu.vector_load %arg6[%get3A_157, %get3A_158] {strides = array<i32>} : memref<40x16xf32, #tpu.memory_space<vmem>>, vector<1x16xf32>,
            %get3A_160 = vector.shape_cast %get3A_159 : vector<1x16xf32> to vector<16xf32>
            %slice3A_161 = vector.extract_strided_slice %get3A_64 {offsets = [8], sizes = [1], strides = [1]} : vector<16xf32> to vector<1xf32>
            %squeeze3A_162 = vector.extract %slice3A_161[0] : f32 from vector<1xf32>
            %sub3A_163 = vector.broadcast %squeeze3A_162 : f32 to vector<16xf32>
            %sub3A_164 = arith.subf %get3A_160, %sub3A_163 : vector<16xf32>
            %abs3A_165 = math.absf %sub3A_164 : vector<16xf32>
            %add3A_166 = arith.addf %add3A_155, %abs3A_165 : vector<16xf32>
            %get3A_167 = arith.constant 9 : i32
            %get3A_168 = arith.index_cast %get3A_167 : i32 to index
            %get3A_169 = arith.constant 0 : index
            %get3A_170 = tpu.vector_load %arg6[%get3A_168, %get3A_169] {strides = array<i32>} : memref<40x16xf32, #tpu.memory_space<vmem>>, vector<1x16xf32>,
            %get3A_171 = vector.shape_cast %get3A_170 : vector<1x16xf32> to vector<16xf32>
            %slice3A_172 = vector.extract_strided_slice %get3A_64 {offsets = [9], sizes = [1], strides = [1]} : vector<16xf32> to vector<1xf32>
            %squeeze3A_173 = vector.extract %slice3A_172[0] : f32 from vector<1xf32>
            %sub3A_174 = vector.broadcast %squeeze3A_173 : f32 to vector<16xf32>
            %sub3A_175 = arith.subf %get3A_171, %sub3A_174 : vector<16xf32>
            %abs3A_176 = math.absf %sub3A_175 : vector<16xf32>
            %add3A_177 = arith.addf %add3A_166, %abs3A_176 : vector<16xf32>
            %get3A_178 = arith.constant 10 : i32
            %get3A_179 = arith.index_cast %get3A_178 : i32 to index
            %get3A_180 = arith.constant 0 : index
            %get3A_181 = tpu.vector_load %arg6[%get3A_179, %get3A_180] {strides = array<i32>} : memref<40x16xf32, #tpu.memory_space<vmem>>, vector<1x16xf32>,
            %get3A_182 = vector.shape_cast %get3A_181 : vector<1x16xf32> to vector<16xf32>
            %slice3A_183 = vector.extract_strided_slice %get3A_64 {offsets = [10], sizes = [1], strides = [1]} : vector<16xf32> to vector<1xf32>
            %squeeze3A_184 = vector.extract %slice3A_183[0] : f32 from vector<1xf32>
            %sub3A_185 = vector.broadcast %squeeze3A_184 : f32 to vector<16xf32>
            %sub3A_186 = arith.subf %get3A_182, %sub3A_185 : vector<16xf32>
            %abs3A_187 = math.absf %sub3A_186 : vector<16xf32>
            %add3A_188 = arith.addf %add3A_177, %abs3A_187 : vector<16xf32>
            %get3A_189 = arith.constant 11 : i32
            %get3A_190 = arith.index_cast %get3A_189 : i32 to index
            %get3A_191 = arith.constant 0 : index
            %get3A_192 = tpu.vector_load %arg6[%get3A_190, %get3A_191] {strides = array<i32>} : memref<40x16xf32, #tpu.memory_space<vmem>>, vector<1x16xf32>,
            %get3A_193 = vector.shape_cast %get3A_192 : vector<1x16xf32> to vector<16xf32>
            %slice3A_194 = vector.extract_strided_slice %get3A_64 {offsets = [11], sizes = [1], strides = [1]} : vector<16xf32> to vector<1xf32>
            %squeeze3A_195 = vector.extract %slice3A_194[0] : f32 from vector<1xf32>
            %sub3A_196 = vector.broadcast %squeeze3A_195 : f32 to vector<16xf32>
            %sub3A_197 = arith.subf %get3A_193, %sub3A_196 : vector<16xf32>
            %abs3A_198 = math.absf %sub3A_197 : vector<16xf32>
            %add3A_199 = arith.addf %add3A_188, %abs3A_198 : vector<16xf32>
            %get3A_200 = arith.constant 12 : i32
            %get3A_201 = arith.index_cast %get3A_200 : i32 to index
            %get3A_202 = arith.constant 0 : index
            %get3A_203 = tpu.vector_load %arg6[%get3A_201, %get3A_202] {strides = array<i32>} : memref<40x16xf32, #tpu.memory_space<vmem>>, vector<1x16xf32>,
            %get3A_204 = vector.shape_cast %get3A_203 : vector<1x16xf32> to vector<16xf32>
            %slice3A_205 = vector.extract_strided_slice %get3A_64 {offsets = [12], sizes = [1], strides = [1]} : vector<16xf32> to vector<1xf32>
            %squeeze3A_206 = vector.extract %slice3A_205[0] : f32 from vector<1xf32>
            %sub3A_207 = vector.broadcast %squeeze3A_206 : f32 to vector<16xf32>
            %sub3A_208 = arith.subf %get3A_204, %sub3A_207 : vector<16xf32>
            %abs3A_209 = math.absf %sub3A_208 : vector<16xf32>
            %add3A_210 = arith.addf %add3A_199, %abs3A_209 : vector<16xf32>
            %get3A_211 = arith.constant 13 : i32
            %get3A_212 = arith.index_cast %get3A_211 : i32 to index
            %get3A_213 = arith.constant 0 : index
            %get3A_214 = tpu.vector_load %arg6[%get3A_212, %get3A_213] {strides = array<i32>} : memref<40x16xf32, #tpu.memory_space<vmem>>, vector<1x16xf32>,
            %get3A_215 = vector.shape_cast %get3A_214 : vector<1x16xf32> to vector<16xf32>
            %slice3A_216 = vector.extract_strided_slice %get3A_64 {offsets = [13], sizes = [1], strides = [1]} : vector<16xf32> to vector<1xf32>
            %squeeze3A_217 = vector.extract %slice3A_216[0] : f32 from vector<1xf32>
            %sub3A_218 = vector.broadcast %squeeze3A_217 : f32 to vector<16xf32>
            %sub3A_219 = arith.subf %get3A_215, %sub3A_218 : vector<16xf32>
            %abs3A_220 = math.absf %sub3A_219 : vector<16xf32>
            %add3A_221 = arith.addf %add3A_210, %abs3A_220 : vector<16xf32>
            %get3A_222 = arith.constant 14 : i32
            %get3A_223 = arith.index_cast %get3A_222 : i32 to index
            %get3A_224 = arith.constant 0 : index
            %get3A_225 = tpu.vector_load %arg6[%get3A_223, %get3A_224] {strides = array<i32>} : memref<40x16xf32, #tpu.memory_space<vmem>>, vector<1x16xf32>,
            %get3A_226 = vector.shape_cast %get3A_225 : vector<1x16xf32> to vector<16xf32>
            %slice3A_227 = vector.extract_strided_slice %get3A_64 {offsets = [14], sizes = [1], strides = [1]} : vector<16xf32> to vector<1xf32>
            %squeeze3A_228 = vector.extract %slice3A_227[0] : f32 from vector<1xf32>
            %sub3A_229 = vector.broadcast %squeeze3A_228 : f32 to vector<16xf32>
            %sub3A_230 = arith.subf %get3A_226, %sub3A_229 : vector<16xf32>
            %abs3A_231 = math.absf %sub3A_230 : vector<16xf32>
            %add3A_232 = arith.addf %add3A_221, %abs3A_231 : vector<16xf32>
            %get3A_233 = arith.constant 15 : i32
            %get3A_234 = arith.index_cast %get3A_233 : i32 to index
            %get3A_235 = arith.constant 0 : index
            %get3A_236 = tpu.vector_load %arg6[%get3A_234, %get3A_235] {strides = array<i32>} : memref<40x16xf32, #tpu.memory_space<vmem>>, vector<1x16xf32>,
            %get3A_237 = vector.shape_cast %get3A_236 : vector<1x16xf32> to vector<16xf32>
            %slice3A_238 = vector.extract_strided_slice %get3A_64 {offsets = [15], sizes = [1], strides = [1]} : vector<16xf32> to vector<1xf32>
            %squeeze3A_239 = vector.extract %slice3A_238[0] : f32 from vector<1xf32>
            %sub3A_240 = vector.broadcast %squeeze3A_239 : f32 to vector<16xf32>
            %sub3A_241 = arith.subf %get3A_237, %sub3A_240 : vector<16xf32>
            %abs3A_242 = math.absf %sub3A_241 : vector<16xf32>
            %add3A_243 = arith.addf %add3A_232, %abs3A_242 : vector<16xf32>
            %get3A_244 = arith.constant 16 : i32
            %get3A_245 = arith.index_cast %get3A_244 : i32 to index
            %get3A_246 = arith.constant 0 : index
            %get3A_247 = tpu.vector_load %arg6[%get3A_245, %get3A_246] {strides = array<i32>} : memref<40x16xf32, #tpu.memory_space<vmem>>, vector<1x16xf32>,
            %get3A_248 = vector.shape_cast %get3A_247 : vector<1x16xf32> to vector<16xf32>
            %slice3A_249 = vector.extract_strided_slice %get3A_68 {offsets = [0], sizes = [1], strides = [1]} : vector<16xf32> to vector<1xf32>
            %squeeze3A_250 = vector.extract %slice3A_249[0] : f32 from vector<1xf32>
            %sub3A_251 = vector.broadcast %squeeze3A_250 : f32 to vector<16xf32>
            %sub3A_252 = arith.subf %get3A_248, %sub3A_251 : vector<16xf32>
            %abs3A_253 = math.absf %sub3A_252 : vector<16xf32>
            %add3A_254 = arith.addf %add3A_243, %abs3A_253 : vector<16xf32>
            %get3A_255 = arith.constant 17 : i32
            %get3A_256 = arith.index_cast %get3A_255 : i32 to index
            %get3A_257 = arith.constant 0 : index
            %get3A_258 = tpu.vector_load %arg6[%get3A_256, %get3A_257] {strides = array<i32>} : memref<40x16xf32, #tpu.memory_space<vmem>>, vector<1x16xf32>,
            %get3A_259 = vector.shape_cast %get3A_258 : vector<1x16xf32> to vector<16xf32>
            %slice3A_260 = vector.extract_strided_slice %get3A_68 {offsets = [1], sizes = [1], strides = [1]} : vector<16xf32> to vector<1xf32>
            %squeeze3A_261 = vector.extract %slice3A_260[0] : f32 from vector<1xf32>
            %sub3A_262 = vector.broadcast %squeeze3A_261 : f32 to vector<16xf32>
            %sub3A_263 = arith.subf %get3A_259, %sub3A_262 : vector<16xf32>
            %abs3A_264 = math.absf %sub3A_263 : vector<16xf32>
            %add3A_265 = arith.addf %add3A_254, %abs3A_264 : vector<16xf32>
            %get3A_266 = arith.constant 18 : i32
            %get3A_267 = arith.index_cast %get3A_266 : i32 to index
            %get3A_268 = arith.constant 0 : index
            %get3A_269 = tpu.vector_load %arg6[%get3A_267, %get3A_268] {strides = array<i32>} : memref<40x16xf32, #tpu.memory_space<vmem>>, vector<1x16xf32>,
            %get3A_270 = vector.shape_cast %get3A_269 : vector<1x16xf32> to vector<16xf32>
            %slice3A_271 = vector.extract_strided_slice %get3A_68 {offsets = [2], sizes = [1], strides = [1]} : vector<16xf32> to vector<1xf32>
            %squeeze3A_272 = vector.extract %slice3A_271[0] : f32 from vector<1xf32>
            %sub3A_273 = vector.broadcast %squeeze3A_272 : f32 to vector<16xf32>
            %sub3A_274 = arith.subf %get3A_270, %sub3A_273 : vector<16xf32>
            %abs3A_275 = math.absf %sub3A_274 : vector<16xf32>
            %add3A_276 = arith.addf %add3A_265, %abs3A_275 : vector<16xf32>
            %get3A_277 = arith.constant 19 : i32
            %get3A_278 = arith.index_cast %get3A_277 : i32 to index
            %get3A_279 = arith.constant 0 : index
            %get3A_280 = tpu.vector_load %arg6[%get3A_278, %get3A_279] {strides = array<i32>} : memref<40x16xf32, #tpu.memory_space<vmem>>, vector<1x16xf32>,
            %get3A_281 = vector.shape_cast %get3A_280 : vector<1x16xf32> to vector<16xf32>
            %slice3A_282 = vector.extract_strided_slice %get3A_68 {offsets = [3], sizes = [1], strides = [1]} : vector<16xf32> to vector<1xf32>
            %squeeze3A_283 = vector.extract %slice3A_282[0] : f32 from vector<1xf32>
            %sub3A_284 = vector.broadcast %squeeze3A_283 : f32 to vector<16xf32>
            %sub3A_285 = arith.subf %get3A_281, %sub3A_284 : vector<16xf32>
            %abs3A_286 = math.absf %sub3A_285 : vector<16xf32>
            %add3A_287 = arith.addf %add3A_276, %abs3A_286 : vector<16xf32>
            %get3A_288 = arith.constant 20 : i32
            %get3A_289 = arith.index_cast %get3A_288 : i32 to index
            %get3A_290 = arith.constant 0 : index
            %get3A_291 = tpu.vector_load %arg6[%get3A_289, %get3A_290] {strides = array<i32>} : memref<40x16xf32, #tpu.memory_space<vmem>>, vector<1x16xf32>,
            %get3A_292 = vector.shape_cast %get3A_291 : vector<1x16xf32> to vector<16xf32>
            %slice3A_293 = vector.extract_strided_slice %get3A_68 {offsets = [4], sizes = [1], strides = [1]} : vector<16xf32> to vector<1xf32>
            %squeeze3A_294 = vector.extract %slice3A_293[0] : f32 from vector<1xf32>
            %sub3A_295 = vector.broadcast %squeeze3A_294 : f32 to vector<16xf32>
            %sub3A_296 = arith.subf %get3A_292, %sub3A_295 : vector<16xf32>
            %abs3A_297 = math.absf %sub3A_296 : vector<16xf32>
            %add3A_298 = arith.addf %add3A_287, %abs3A_297 : vector<16xf32>
            %get3A_299 = arith.constant 21 : i32
            %get3A_300 = arith.index_cast %get3A_299 : i32 to index
            %get3A_301 = arith.constant 0 : index
            %get3A_302 = tpu.vector_load %arg6[%get3A_300, %get3A_301] {strides = array<i32>} : memref<40x16xf32, #tpu.memory_space<vmem>>, vector<1x16xf32>,
            %get3A_303 = vector.shape_cast %get3A_302 : vector<1x16xf32> to vector<16xf32>
            %slice3A_304 = vector.extract_strided_slice %get3A_68 {offsets = [5], sizes = [1], strides = [1]} : vector<16xf32> to vector<1xf32>
            %squeeze3A_305 = vector.extract %slice3A_304[0] : f32 from vector<1xf32>
            %sub3A_306 = vector.broadcast %squeeze3A_305 : f32 to vector<16xf32>
            %sub3A_307 = arith.subf %get3A_303, %sub3A_306 : vector<16xf32>
            %abs3A_308 = math.absf %sub3A_307 : vector<16xf32>
            %add3A_309 = arith.addf %add3A_298, %abs3A_308 : vector<16xf32>
            %get3A_310 = arith.constant 22 : i32
            %get3A_311 = arith.index_cast %get3A_310 : i32 to index
            %get3A_312 = arith.constant 0 : index
            %get3A_313 = tpu.vector_load %arg6[%get3A_311, %get3A_312] {strides = array<i32>} : memref<40x16xf32, #tpu.memory_space<vmem>>, vector<1x16xf32>,
            %get3A_314 = vector.shape_cast %get3A_313 : vector<1x16xf32> to vector<16xf32>
            %slice3A_315 = vector.extract_strided_slice %get3A_68 {offsets = [6], sizes = [1], strides = [1]} : vector<16xf32> to vector<1xf32>
            %squeeze3A_316 = vector.extract %slice3A_315[0] : f32 from vector<1xf32>
            %sub3A_317 = vector.broadcast %squeeze3A_316 : f32 to vector<16xf32>
            %sub3A_318 = arith.subf %get3A_314, %sub3A_317 : vector<16xf32>
            %abs3A_319 = math.absf %sub3A_318 : vector<16xf32>
            %add3A_320 = arith.addf %add3A_309, %abs3A_319 : vector<16xf32>
            %get3A_321 = arith.constant 23 : i32
            %get3A_322 = arith.index_cast %get3A_321 : i32 to index
            %get3A_323 = arith.constant 0 : index
            %get3A_324 = tpu.vector_load %arg6[%get3A_322, %get3A_323] {strides = array<i32>} : memref<40x16xf32, #tpu.memory_space<vmem>>, vector<1x16xf32>,
            %get3A_325 = vector.shape_cast %get3A_324 : vector<1x16xf32> to vector<16xf32>
            %slice3A_326 = vector.extract_strided_slice %get3A_68 {offsets = [7], sizes = [1], strides = [1]} : vector<16xf32> to vector<1xf32>
            %squeeze3A_327 = vector.extract %slice3A_326[0] : f32 from vector<1xf32>
            %sub3A_328 = vector.broadcast %squeeze3A_327 : f32 to vector<16xf32>
            %sub3A_329 = arith.subf %get3A_325, %sub3A_328 : vector<16xf32>
            %abs3A_330 = math.absf %sub3A_329 : vector<16xf32>
            %add3A_331 = arith.addf %add3A_320, %abs3A_330 : vector<16xf32>
            %get3A_332 = arith.constant 24 : i32
            %get3A_333 = arith.index_cast %get3A_332 : i32 to index
            %get3A_334 = arith.constant 0 : index
            %get3A_335 = tpu.vector_load %arg6[%get3A_333, %get3A_334] {strides = array<i32>} : memref<40x16xf32, #tpu.memory_space<vmem>>, vector<1x16xf32>,
            %get3A_336 = vector.shape_cast %get3A_335 : vector<1x16xf32> to vector<16xf32>
            %slice3A_337 = vector.extract_strided_slice %get3A_68 {offsets = [8], sizes = [1], strides = [1]} : vector<16xf32> to vector<1xf32>
            %squeeze3A_338 = vector.extract %slice3A_337[0] : f32 from vector<1xf32>
            %sub3A_339 = vector.broadcast %squeeze3A_338 : f32 to vector<16xf32>
            %sub3A_340 = arith.subf %get3A_336, %sub3A_339 : vector<16xf32>
            %abs3A_341 = math.absf %sub3A_340 : vector<16xf32>
            %add3A_342 = arith.addf %add3A_331, %abs3A_341 : vector<16xf32>
            %get3A_343 = arith.constant 25 : i32
            %get3A_344 = arith.index_cast %get3A_343 : i32 to index
            %get3A_345 = arith.constant 0 : index
            %get3A_346 = tpu.vector_load %arg6[%get3A_344, %get3A_345] {strides = array<i32>} : memref<40x16xf32, #tpu.memory_space<vmem>>, vector<1x16xf32>,
            %get3A_347 = vector.shape_cast %get3A_346 : vector<1x16xf32> to vector<16xf32>
            %slice3A_348 = vector.extract_strided_slice %get3A_68 {offsets = [9], sizes = [1], strides = [1]} : vector<16xf32> to vector<1xf32>
            %squeeze3A_349 = vector.extract %slice3A_348[0] : f32 from vector<1xf32>
            %sub3A_350 = vector.broadcast %squeeze3A_349 : f32 to vector<16xf32>
            %sub3A_351 = arith.subf %get3A_347, %sub3A_350 : vector<16xf32>
            %abs3A_352 = math.absf %sub3A_351 : vector<16xf32>
            %add3A_353 = arith.addf %add3A_342, %abs3A_352 : vector<16xf32>
            %get3A_354 = arith.constant 26 : i32
            %get3A_355 = arith.index_cast %get3A_354 : i32 to index
            %get3A_356 = arith.constant 0 : index
            %get3A_357 = tpu.vector_load %arg6[%get3A_355, %get3A_356] {strides = array<i32>} : memref<40x16xf32, #tpu.memory_space<vmem>>, vector<1x16xf32>,
            %get3A_358 = vector.shape_cast %get3A_357 : vector<1x16xf32> to vector<16xf32>
            %slice3A_359 = vector.extract_strided_slice %get3A_68 {offsets = [10], sizes = [1], strides = [1]} : vector<16xf32> to vector<1xf32>
            %squeeze3A_360 = vector.extract %slice3A_359[0] : f32 from vector<1xf32>
            %sub3A_361 = vector.broadcast %squeeze3A_360 : f32 to vector<16xf32>
            %sub3A_362 = arith.subf %get3A_358, %sub3A_361 : vector<16xf32>
            %abs3A_363 = math.absf %sub3A_362 : vector<16xf32>
            %add3A_364 = arith.addf %add3A_353, %abs3A_363 : vector<16xf32>
            %get3A_365 = arith.constant 27 : i32
            %get3A_366 = arith.index_cast %get3A_365 : i32 to index
            %get3A_367 = arith.constant 0 : index
            %get3A_368 = tpu.vector_load %arg6[%get3A_366, %get3A_367] {strides = array<i32>} : memref<40x16xf32, #tpu.memory_space<vmem>>, vector<1x16xf32>,
            %get3A_369 = vector.shape_cast %get3A_368 : vector<1x16xf32> to vector<16xf32>
            %slice3A_370 = vector.extract_strided_slice %get3A_68 {offsets = [11], sizes = [1], strides = [1]} : vector<16xf32> to vector<1xf32>
            %squeeze3A_371 = vector.extract %slice3A_370[0] : f32 from vector<1xf32>
            %sub3A_372 = vector.broadcast %squeeze3A_371 : f32 to vector<16xf32>
            %sub3A_373 = arith.subf %get3A_369, %sub3A_372 : vector<16xf32>
            %abs3A_374 = math.absf %sub3A_373 : vector<16xf32>
            %add3A_375 = arith.addf %add3A_364, %abs3A_374 : vector<16xf32>
            %get3A_376 = arith.constant 28 : i32
            %get3A_377 = arith.index_cast %get3A_376 : i32 to index
            %get3A_378 = arith.constant 0 : index
            %get3A_379 = tpu.vector_load %arg6[%get3A_377, %get3A_378] {strides = array<i32>} : memref<40x16xf32, #tpu.memory_space<vmem>>, vector<1x16xf32>,
            %get3A_380 = vector.shape_cast %get3A_379 : vector<1x16xf32> to vector<16xf32>
            %slice3A_381 = vector.extract_strided_slice %get3A_68 {offsets = [12], sizes = [1], strides = [1]} : vector<16xf32> to vector<1xf32>
            %squeeze3A_382 = vector.extract %slice3A_381[0] : f32 from vector<1xf32>
            %sub3A_383 = vector.broadcast %squeeze3A_382 : f32 to vector<16xf32>
            %sub3A_384 = arith.subf %get3A_380, %sub3A_383 : vector<16xf32>
            %abs3A_385 = math.absf %sub3A_384 : vector<16xf32>
            %add3A_386 = arith.addf %add3A_375, %abs3A_385 : vector<16xf32>
            %get3A_387 = arith.constant 29 : i32
            %get3A_388 = arith.index_cast %get3A_387 : i32 to index
            %get3A_389 = arith.constant 0 : index
            %get3A_390 = tpu.vector_load %arg6[%get3A_388, %get3A_389] {strides = array<i32>} : memref<40x16xf32, #tpu.memory_space<vmem>>, vector<1x16xf32>,
            %get3A_391 = vector.shape_cast %get3A_390 : vector<1x16xf32> to vector<16xf32>
            %slice3A_392 = vector.extract_strided_slice %get3A_68 {offsets = [13], sizes = [1], strides = [1]} : vector<16xf32> to vector<1xf32>
            %squeeze3A_393 = vector.extract %slice3A_392[0] : f32 from vector<1xf32>
            %sub3A_394 = vector.broadcast %squeeze3A_393 : f32 to vector<16xf32>
            %sub3A_395 = arith.subf %get3A_391, %sub3A_394 : vector<16xf32>
            %abs3A_396 = math.absf %sub3A_395 : vector<16xf32>
            %add3A_397 = arith.addf %add3A_386, %abs3A_396 : vector<16xf32>
            %get3A_398 = arith.constant 30 : i32
            %get3A_399 = arith.index_cast %get3A_398 : i32 to index
            %get3A_400 = arith.constant 0 : index
            %get3A_401 = tpu.vector_load %arg6[%get3A_399, %get3A_400] {strides = array<i32>} : memref<40x16xf32, #tpu.memory_space<vmem>>, vector<1x16xf32>,
            %get3A_402 = vector.shape_cast %get3A_401 : vector<1x16xf32> to vector<16xf32>
            %slice3A_403 = vector.extract_strided_slice %get3A_68 {offsets = [14], sizes = [1], strides = [1]} : vector<16xf32> to vector<1xf32>
            %squeeze3A_404 = vector.extract %slice3A_403[0] : f32 from vector<1xf32>
            %sub3A_405 = vector.broadcast %squeeze3A_404 : f32 to vector<16xf32>
            %sub3A_406 = arith.subf %get3A_402, %sub3A_405 : vector<16xf32>
            %abs3A_407 = math.absf %sub3A_406 : vector<16xf32>
            %add3A_408 = arith.addf %add3A_397, %abs3A_407 : vector<16xf32>
            %get3A_409 = arith.constant 31 : i32
            %get3A_410 = arith.index_cast %get3A_409 : i32 to index
            %get3A_411 = arith.constant 0 : index
            %get3A_412 = tpu.vector_load %arg6[%get3A_410, %get3A_411] {strides = array<i32>} : memref<40x16xf32, #tpu.memory_space<vmem>>, vector<1x16xf32>,
            %get3A_413 = vector.shape_cast %get3A_412 : vector<1x16xf32> to vector<16xf32>
            %slice3A_414 = vector.extract_strided_slice %get3A_68 {offsets = [15], sizes = [1], strides = [1]} : vector<16xf32> to vector<1xf32>
            %squeeze3A_415 = vector.extract %slice3A_414[0] : f32 from vector<1xf32>
            %sub3A_416 = vector.broadcast %squeeze3A_415 : f32 to vector<16xf32>
            %sub3A_417 = arith.subf %get3A_413, %sub3A_416 : vector<16xf32>
            %abs3A_418 = math.absf %sub3A_417 : vector<16xf32>
            %add3A_419 = arith.addf %add3A_408, %abs3A_418 : vector<16xf32>
            %get3A_420 = arith.constant 32 : i32
            %get3A_421 = arith.index_cast %get3A_420 : i32 to index
            %get3A_422 = arith.constant 0 : index
            %get3A_423 = tpu.vector_load %arg6[%get3A_421, %get3A_422] {strides = array<i32>} : memref<40x16xf32, #tpu.memory_space<vmem>>, vector<1x16xf32>,
            %get3A_424 = vector.shape_cast %get3A_423 : vector<1x16xf32> to vector<16xf32>
            %slice3A_425 = vector.extract_strided_slice %get3A_72 {offsets = [0], sizes = [1], strides = [1]} : vector<16xf32> to vector<1xf32>
            %squeeze3A_426 = vector.extract %slice3A_425[0] : f32 from vector<1xf32>
            %sub3A_427 = vector.broadcast %squeeze3A_426 : f32 to vector<16xf32>
            %sub3A_428 = arith.subf %get3A_424, %sub3A_427 : vector<16xf32>
            %abs3A_429 = math.absf %sub3A_428 : vector<16xf32>
            %add3A_430 = arith.addf %add3A_419, %abs3A_429 : vector<16xf32>
            %get3A_431 = arith.constant 33 : i32
            %get3A_432 = arith.index_cast %get3A_431 : i32 to index
            %get3A_433 = arith.constant 0 : index
            %get3A_434 = tpu.vector_load %arg6[%get3A_432, %get3A_433] {strides = array<i32>} : memref<40x16xf32, #tpu.memory_space<vmem>>, vector<1x16xf32>,
            %get3A_435 = vector.shape_cast %get3A_434 : vector<1x16xf32> to vector<16xf32>
            %slice3A_436 = vector.extract_strided_slice %get3A_72 {offsets = [1], sizes = [1], strides = [1]} : vector<16xf32> to vector<1xf32>
            %squeeze3A_437 = vector.extract %slice3A_436[0] : f32 from vector<1xf32>
            %sub3A_438 = vector.broadcast %squeeze3A_437 : f32 to vector<16xf32>
            %sub3A_439 = arith.subf %get3A_435, %sub3A_438 : vector<16xf32>
            %abs3A_440 = math.absf %sub3A_439 : vector<16xf32>
            %add3A_441 = arith.addf %add3A_430, %abs3A_440 : vector<16xf32>
            %get3A_442 = arith.constant 34 : i32
            %get3A_443 = arith.index_cast %get3A_442 : i32 to index
            %get3A_444 = arith.constant 0 : index
            %get3A_445 = tpu.vector_load %arg6[%get3A_443, %get3A_444] {strides = array<i32>} : memref<40x16xf32, #tpu.memory_space<vmem>>, vector<1x16xf32>,
            %get3A_446 = vector.shape_cast %get3A_445 : vector<1x16xf32> to vector<16xf32>
            %slice3A_447 = vector.extract_strided_slice %get3A_72 {offsets = [2], sizes = [1], strides = [1]} : vector<16xf32> to vector<1xf32>
            %squeeze3A_448 = vector.extract %slice3A_447[0] : f32 from vector<1xf32>
            %sub3A_449 = vector.broadcast %squeeze3A_448 : f32 to vector<16xf32>
            %sub3A_450 = arith.subf %get3A_446, %sub3A_449 : vector<16xf32>
            %abs3A_451 = math.absf %sub3A_450 : vector<16xf32>
            %add3A_452 = arith.addf %add3A_441, %abs3A_451 : vector<16xf32>
            %get3A_453 = arith.constant 35 : i32
            %get3A_454 = arith.index_cast %get3A_453 : i32 to index
            %get3A_455 = arith.constant 0 : index
            %get3A_456 = tpu.vector_load %arg6[%get3A_454, %get3A_455] {strides = array<i32>} : memref<40x16xf32, #tpu.memory_space<vmem>>, vector<1x16xf32>,
            %get3A_457 = vector.shape_cast %get3A_456 : vector<1x16xf32> to vector<16xf32>
            %slice3A_458 = vector.extract_strided_slice %get3A_72 {offsets = [3], sizes = [1], strides = [1]} : vector<16xf32> to vector<1xf32>
            %squeeze3A_459 = vector.extract %slice3A_458[0] : f32 from vector<1xf32>
            %sub3A_460 = vector.broadcast %squeeze3A_459 : f32 to vector<16xf32>
            %sub3A_461 = arith.subf %get3A_457, %sub3A_460 : vector<16xf32>
            %abs3A_462 = math.absf %sub3A_461 : vector<16xf32>
            %add3A_463 = arith.addf %add3A_452, %abs3A_462 : vector<16xf32>
            %get3A_464 = arith.constant 36 : i32
            %get3A_465 = arith.index_cast %get3A_464 : i32 to index
            %get3A_466 = arith.constant 0 : index
            %get3A_467 = tpu.vector_load %arg6[%get3A_465, %get3A_466] {strides = array<i32>} : memref<40x16xf32, #tpu.memory_space<vmem>>, vector<1x16xf32>,
            %get3A_468 = vector.shape_cast %get3A_467 : vector<1x16xf32> to vector<16xf32>
            %slice3A_469 = vector.extract_strided_slice %get3A_72 {offsets = [4], sizes = [1], strides = [1]} : vector<16xf32> to vector<1xf32>
            %squeeze3A_470 = vector.extract %slice3A_469[0] : f32 from vector<1xf32>
            %sub3A_471 = vector.broadcast %squeeze3A_470 : f32 to vector<16xf32>
            %sub3A_472 = arith.subf %get3A_468, %sub3A_471 : vector<16xf32>
            %abs3A_473 = math.absf %sub3A_472 : vector<16xf32>
            %add3A_474 = arith.addf %add3A_463, %abs3A_473 : vector<16xf32>
            %get3A_475 = arith.constant 37 : i32
            %get3A_476 = arith.index_cast %get3A_475 : i32 to index
            %get3A_477 = arith.constant 0 : index
            %get3A_478 = tpu.vector_load %arg6[%get3A_476, %get3A_477] {strides = array<i32>} : memref<40x16xf32, #tpu.memory_space<vmem>>, vector<1x16xf32>,
            %get3A_479 = vector.shape_cast %get3A_478 : vector<1x16xf32> to vector<16xf32>
            %slice3A_480 = vector.extract_strided_slice %get3A_72 {offsets = [5], sizes = [1], strides = [1]} : vector<16xf32> to vector<1xf32>
            %squeeze3A_481 = vector.extract %slice3A_480[0] : f32 from vector<1xf32>
            %sub3A_482 = vector.broadcast %squeeze3A_481 : f32 to vector<16xf32>
            %sub3A_483 = arith.subf %get3A_479, %sub3A_482 : vector<16xf32>
            %abs3A_484 = math.absf %sub3A_483 : vector<16xf32>
            %add3A_485 = arith.addf %add3A_474, %abs3A_484 : vector<16xf32>
            %get3A_486 = arith.constant 38 : i32
            %get3A_487 = arith.index_cast %get3A_486 : i32 to index
            %get3A_488 = arith.constant 0 : index
            %get3A_489 = tpu.vector_load %arg6[%get3A_487, %get3A_488] {strides = array<i32>} : memref<40x16xf32, #tpu.memory_space<vmem>>, vector<1x16xf32>,
            %get3A_490 = vector.shape_cast %get3A_489 : vector<1x16xf32> to vector<16xf32>
            %slice3A_491 = vector.extract_strided_slice %get3A_72 {offsets = [6], sizes = [1], strides = [1]} : vector<16xf32> to vector<1xf32>
            %squeeze3A_492 = vector.extract %slice3A_491[0] : f32 from vector<1xf32>
            %sub3A_493 = vector.broadcast %squeeze3A_492 : f32 to vector<16xf32>
            %sub3A_494 = arith.subf %get3A_490, %sub3A_493 : vector<16xf32>
            %abs3A_495 = math.absf %sub3A_494 : vector<16xf32>
            %add3A_496 = arith.addf %add3A_485, %abs3A_495 : vector<16xf32>
            %get3A_497 = arith.constant 39 : i32
            %get3A_498 = arith.index_cast %get3A_497 : i32 to index
            %get3A_499 = arith.constant 0 : index
            %get3A_500 = tpu.vector_load %arg6[%get3A_498, %get3A_499] {strides = array<i32>} : memref<40x16xf32, #tpu.memory_space<vmem>>, vector<1x16xf32>,
            %get3A_501 = vector.shape_cast %get3A_500 : vector<1x16xf32> to vector<16xf32>
            %slice3A_502 = vector.extract_strided_slice %get3A_72 {offsets = [7], sizes = [1], strides = [1]} : vector<16xf32> to vector<1xf32>
            %squeeze3A_503 = vector.extract %slice3A_502[0] : f32 from vector<1xf32>
            %sub3A_504 = vector.broadcast %squeeze3A_503 : f32 to vector<16xf32>
            %sub3A_505 = arith.subf %get3A_501, %sub3A_504 : vector<16xf32>
            %abs3A_506 = math.absf %sub3A_505 : vector<16xf32>
            %add3A_507 = arith.addf %add3A_496, %abs3A_506 : vector<16xf32>
            %min3A = arith.minimumf %scan3A_58, %add3A_507 : vector<16xf32>
            scf.yield %min3A : vector<16xf32>
          }
          %scan3A_48 = arith.constant 20 : i32
          %mul3A_49 = arith.constant 10 : i32
          %mul3A_50 = arith.muli %scan3A_26, %mul3A_49 : i32
          %add3A_51 = arith.addi %mul3A_50, %scan3A_40 : i32
          %swap3A = arith.index_cast %add3A_51 : i32 to index
          %swap3A_52 = arith.constant 0 : index
          %swap3A_53 = tpu.vector_load %arg7[%swap3A, %swap3A_52] {strides = array<i32>} : memref<50x16xf32, #tpu.memory_space<vmem>>, vector<1x16xf32>,
          %swap3A_54 = vector.shape_cast %swap3A_53 : vector<1x16xf32> to vector<16xf32>
          %swap3A_55 = vector.shape_cast %scan3A_47 : vector<16xf32> to vector<1x16xf32>
          tpu.vector_store %arg7[%swap3A, %swap3A_52], %swap3A_55 {strides = array<i32>} : memref<50x16xf32, #tpu.memory_space<vmem>>, vector<1x16xf32>,
          %scan3A_56 = arith.constant 0 : i32
          scf.yield %scan3A_56 : i32
        }
        %scan3A_38 = arith.constant 10 : i32
        %scan3A_39 = arith.constant 0 : i32
        scf.yield %scan3A_39 : i32
      }
      %scan3A_24 = arith.constant 5 : i32
      "tpu.region"() ({
        %run_scoped3A = tpu.sem_alloc : memref<!tpu.dma_semaphore, #tpu.memory_space<semaphore_mem>>
        %dma_start3A = arith.constant 0 : i32
        %dma_start3A_26 = arith.constant 0 : i32
        %dma_start3A_27 = tpu.memref_slice %arg4[%add3A, %arg1, %dma_start3A, %dma_start3A_26] : memref<24x16x50x16xf32, #tpu.memory_space<hbm>> -> memref<1x1x50x16xf32, #tpu.memory_space<hbm>>
        %dma_start3A_28 = tpu.memref_squeeze %dma_start3A_27 : memref<1x1x50x16xf32, #tpu.memory_space<hbm>> -> memref<50x16xf32, #tpu.memory_space<hbm>>
        %dma_start3A_29 = arith.constant 0 : i32
        %dma_start3A_30 = arith.constant 0 : i32
        %dma_start3A_31 = tpu.memref_slice %arg4[%add3A, %arg1, %dma_start3A_29, %dma_start3A_30] : memref<24x16x50x16xf32, #tpu.memory_space<hbm>> -> memref<1x1x50x16xf32, #tpu.memory_space<hbm>>
        %dma_start3A_32 = tpu.memref_squeeze %dma_start3A_31 : memref<1x1x50x16xf32, #tpu.memory_space<hbm>> -> memref<50x16xf32, #tpu.memory_space<hbm>>
        tpu.enqueue_dma source(%arg7 : memref<50x16xf32, #tpu.memory_space<vmem>>) target(%dma_start3A_32 : memref<50x16xf32, #tpu.memory_space<hbm>>) target_semaphore(%run_scoped3A : memref<!tpu.dma_semaphore, #tpu.memory_space<semaphore_mem>>)
        %dma_wait3A = arith.constant 0 : i32
        %dma_wait3A_33 = arith.constant 0 : i32
        %dma_wait3A_34 = tpu.memref_slice %arg4[%add3A, %arg1, %dma_wait3A, %dma_wait3A_33] : memref<24x16x50x16xf32, #tpu.memory_space<hbm>> -> memref<1x1x50x16xf32, #tpu.memory_space<hbm>>
        %dma_wait3A_35 = tpu.memref_squeeze %dma_wait3A_34 : memref<1x1x50x16xf32, #tpu.memory_space<hbm>> -> memref<50x16xf32, #tpu.memory_space<hbm>>
        %dma_wait3A_36 = arith.constant 0 : i32
        %dma_wait3A_37 = arith.constant 0 : i32
        %dma_wait3A_38 = tpu.memref_slice %arg4[%add3A, %arg1, %dma_wait3A_36, %dma_wait3A_37] : memref<24x16x50x16xf32, #tpu.memory_space<hbm>> -> memref<1x1x50x16xf32, #tpu.memory_space<hbm>>
        %dma_wait3A_39 = tpu.memref_squeeze %dma_wait3A_38 : memref<1x1x50x16xf32, #tpu.memory_space<hbm>> -> memref<50x16xf32, #tpu.memory_space<hbm>>
        tpu.wait_dma2 semaphore(%run_scoped3A : memref<!tpu.dma_semaphore, #tpu.memory_space<semaphore_mem>>) src(%arg7 : memref<50x16xf32, #tpu.memory_space<vmem>>) dst(%dma_wait3A_39 : memref<50x16xf32, #tpu.memory_space<hbm>>)
        tpu.yield
      }) : () -> ()
      %scan3A_25 = arith.constant 0 : i32
      scf.yield %scan3A_25 : i32
    }
    %scan3A_5 = arith.constant 12 : i32
    return
  }
}

module attributes {stable_mosaic.version = 14 : i64} {
  func.func @_tc_cost_kernel(%arg0: i32, %arg1: i32, %arg2: memref<1x1x40x1000xf32, #tpu.memory_space<vmem>>, %arg3: memref<1x20x50x40xf32, #tpu.memory_space<vmem>>, %arg4: memref<1x1x3x1000xf32, #tpu.memory_space<vmem>>, %arg5: memref<1x50x3xf32, #tpu.memory_space<vmem>>, %arg6: memref<1x1x8x128xf32, #tpu.memory_space<vmem>>, %arg7: memref<1x1x50x8xf32, #tpu.memory_space<vmem>>, %arg8: memref<50x768xf32, #tpu.memory_space<vmem>>) attributes {dimension_semantics = [#tpu.dimension_semantics<arbitrary>, #tpu.dimension_semantics<arbitrary>], iteration_bounds = array<i64: 4, 6>, scalar_prefetch = 0 : i64, scratch_operands = 1 : i64, tpu.core_type = #tpu.core_type<tc>, window_params = [{transform_indices = @transform_0, window_bounds = array<i64: 1, 1, 40, 1000>}, {transform_indices = @transform_1, window_bounds = array<i64: 1, 20, 50, 40>}, {transform_indices = @transform_2, window_bounds = array<i64: 1, 1, 3, 1000>}, {transform_indices = @transform_3, window_bounds = array<i64: 1, 50, 3>}, {transform_indices = @transform_4, window_bounds = array<i64: 1, 1, 8, 128>}, {transform_indices = @transform_5, window_bounds = array<i64: 1, 1, 50, 8>}]} {
    %get3A = arith.constant 0 : index
    %get3A_0 = arith.constant 0 : index
    %get3A_1 = arith.constant 0 : index
    %get3A_2 = arith.constant 0 : index
    %get3A_3 = vector.load %arg2[%get3A, %get3A_0, %get3A_1, %get3A_2] : memref<1x1x40x1000xf32, #tpu.memory_space<vmem>>, vector<1x1x40x1000xf32>
    %get3A_4 = vector.shape_cast %get3A_3 : vector<1x1x40x1000xf32> to vector<40x1000xf32>
    %broadcast_in_dim3A = arith.constant 3.400000e+38 : f32
    %broadcast_in_dim3A_5 = vector.broadcast %broadcast_in_dim3A : f32 to vector<50x768xf32>
    %swap3A = arith.constant 0 : index
    %swap3A_6 = arith.constant 0 : index
    %swap3A_7 = vector.load %arg8[%swap3A, %swap3A_6] : memref<50x768xf32, #tpu.memory_space<vmem>>, vector<50x768xf32>
    tpu.vector_store %arg8[%swap3A, %swap3A_6], %broadcast_in_dim3A_5 {strides = array<i32>} : memref<50x768xf32, #tpu.memory_space<vmem>>, vector<50x768xf32>,
    %scan3A = arith.constant 0 : i32
    %scan3A_8 = arith.constant 20 : i32
    %scan3A_9 = arith.addi %scan3A, %scan3A_8 : i32
    %scan3A_10 = arith.constant 1 : i32
    scf.for %scan3A_146 = %scan3A to %scan3A_9 step %scan3A_10  : i32 {
      %get3A_147 = arith.constant 0 : index
      %get3A_148 = arith.index_cast %scan3A_146 : i32 to index
      %get3A_149 = arith.constant 0 : index
      %get3A_150 = arith.constant 0 : index
      %get3A_151 = vector.load %arg3[%get3A_147, %get3A_148, %get3A_149, %get3A_150] : memref<1x20x50x40xf32, #tpu.memory_space<vmem>>, vector<1x1x50x40xf32>
      %get3A_152 = vector.shape_cast %get3A_151 : vector<1x1x50x40xf32> to vector<50x40xf32>
      %slice3A_153 = vector.extract_strided_slice %get3A_152 {offsets = [0, 0], sizes = [50, 1], strides = [1, 1]} : vector<50x40xf32> to vector<50x1xf32>
      %slice3A_154 = vector.extract_strided_slice %get3A_4 {offsets = [0, 0], sizes = [1, 256], strides = [1, 1]} : vector<40x1000xf32> to vector<1x256xf32>
      %sub3A_155 = vector.broadcast %slice3A_153 : vector<50x1xf32> to vector<50x256xf32>
      %sub3A_156 = vector.broadcast %slice3A_154 : vector<1x256xf32> to vector<50x256xf32>
      %sub3A_157 = arith.subf %sub3A_155, %sub3A_156 : vector<50x256xf32>
      %abs3A = math.absf %sub3A_157 : vector<50x256xf32>
      %slice3A_158 = vector.extract_strided_slice %get3A_152 {offsets = [0, 1], sizes = [50, 1], strides = [1, 1]} : vector<50x40xf32> to vector<50x1xf32>
      %slice3A_159 = vector.extract_strided_slice %get3A_4 {offsets = [1, 0], sizes = [1, 256], strides = [1, 1]} : vector<40x1000xf32> to vector<1x256xf32>
      %sub3A_160 = vector.broadcast %slice3A_158 : vector<50x1xf32> to vector<50x256xf32>
      %sub3A_161 = vector.broadcast %slice3A_159 : vector<1x256xf32> to vector<50x256xf32>
      %sub3A_162 = arith.subf %sub3A_160, %sub3A_161 : vector<50x256xf32>
      %abs3A_163 = math.absf %sub3A_162 : vector<50x256xf32>
      %add3A_164 = arith.addf %abs3A, %abs3A_163 : vector<50x256xf32>
      %slice3A_165 = vector.extract_strided_slice %get3A_152 {offsets = [0, 2], sizes = [50, 1], strides = [1, 1]} : vector<50x40xf32> to vector<50x1xf32>
      %slice3A_166 = vector.extract_strided_slice %get3A_4 {offsets = [2, 0], sizes = [1, 256], strides = [1, 1]} : vector<40x1000xf32> to vector<1x256xf32>
      %sub3A_167 = vector.broadcast %slice3A_165 : vector<50x1xf32> to vector<50x256xf32>
      %sub3A_168 = vector.broadcast %slice3A_166 : vector<1x256xf32> to vector<50x256xf32>
      %sub3A_169 = arith.subf %sub3A_167, %sub3A_168 : vector<50x256xf32>
      %abs3A_170 = math.absf %sub3A_169 : vector<50x256xf32>
      %add3A_171 = arith.addf %add3A_164, %abs3A_170 : vector<50x256xf32>
      %slice3A_172 = vector.extract_strided_slice %get3A_152 {offsets = [0, 3], sizes = [50, 1], strides = [1, 1]} : vector<50x40xf32> to vector<50x1xf32>
      %slice3A_173 = vector.extract_strided_slice %get3A_4 {offsets = [3, 0], sizes = [1, 256], strides = [1, 1]} : vector<40x1000xf32> to vector<1x256xf32>
      %sub3A_174 = vector.broadcast %slice3A_172 : vector<50x1xf32> to vector<50x256xf32>
      %sub3A_175 = vector.broadcast %slice3A_173 : vector<1x256xf32> to vector<50x256xf32>
      %sub3A_176 = arith.subf %sub3A_174, %sub3A_175 : vector<50x256xf32>
      %abs3A_177 = math.absf %sub3A_176 : vector<50x256xf32>
      %add3A_178 = arith.addf %add3A_171, %abs3A_177 : vector<50x256xf32>
      %slice3A_179 = vector.extract_strided_slice %get3A_152 {offsets = [0, 4], sizes = [50, 1], strides = [1, 1]} : vector<50x40xf32> to vector<50x1xf32>
      %slice3A_180 = vector.extract_strided_slice %get3A_4 {offsets = [4, 0], sizes = [1, 256], strides = [1, 1]} : vector<40x1000xf32> to vector<1x256xf32>
      %sub3A_181 = vector.broadcast %slice3A_179 : vector<50x1xf32> to vector<50x256xf32>
      %sub3A_182 = vector.broadcast %slice3A_180 : vector<1x256xf32> to vector<50x256xf32>
      %sub3A_183 = arith.subf %sub3A_181, %sub3A_182 : vector<50x256xf32>
      %abs3A_184 = math.absf %sub3A_183 : vector<50x256xf32>
      %add3A_185 = arith.addf %add3A_178, %abs3A_184 : vector<50x256xf32>
      %slice3A_186 = vector.extract_strided_slice %get3A_152 {offsets = [0, 5], sizes = [50, 1], strides = [1, 1]} : vector<50x40xf32> to vector<50x1xf32>
      %slice3A_187 = vector.extract_strided_slice %get3A_4 {offsets = [5, 0], sizes = [1, 256], strides = [1, 1]} : vector<40x1000xf32> to vector<1x256xf32>
      %sub3A_188 = vector.broadcast %slice3A_186 : vector<50x1xf32> to vector<50x256xf32>
      %sub3A_189 = vector.broadcast %slice3A_187 : vector<1x256xf32> to vector<50x256xf32>
      %sub3A_190 = arith.subf %sub3A_188, %sub3A_189 : vector<50x256xf32>
      %abs3A_191 = math.absf %sub3A_190 : vector<50x256xf32>
      %add3A_192 = arith.addf %add3A_185, %abs3A_191 : vector<50x256xf32>
      %slice3A_193 = vector.extract_strided_slice %get3A_152 {offsets = [0, 6], sizes = [50, 1], strides = [1, 1]} : vector<50x40xf32> to vector<50x1xf32>
      %slice3A_194 = vector.extract_strided_slice %get3A_4 {offsets = [6, 0], sizes = [1, 256], strides = [1, 1]} : vector<40x1000xf32> to vector<1x256xf32>
      %sub3A_195 = vector.broadcast %slice3A_193 : vector<50x1xf32> to vector<50x256xf32>
      %sub3A_196 = vector.broadcast %slice3A_194 : vector<1x256xf32> to vector<50x256xf32>
      %sub3A_197 = arith.subf %sub3A_195, %sub3A_196 : vector<50x256xf32>
      %abs3A_198 = math.absf %sub3A_197 : vector<50x256xf32>
      %add3A_199 = arith.addf %add3A_192, %abs3A_198 : vector<50x256xf32>
      %slice3A_200 = vector.extract_strided_slice %get3A_152 {offsets = [0, 7], sizes = [50, 1], strides = [1, 1]} : vector<50x40xf32> to vector<50x1xf32>
      %slice3A_201 = vector.extract_strided_slice %get3A_4 {offsets = [7, 0], sizes = [1, 256], strides = [1, 1]} : vector<40x1000xf32> to vector<1x256xf32>
      %sub3A_202 = vector.broadcast %slice3A_200 : vector<50x1xf32> to vector<50x256xf32>
      %sub3A_203 = vector.broadcast %slice3A_201 : vector<1x256xf32> to vector<50x256xf32>
      %sub3A_204 = arith.subf %sub3A_202, %sub3A_203 : vector<50x256xf32>
      %abs3A_205 = math.absf %sub3A_204 : vector<50x256xf32>
      %add3A_206 = arith.addf %add3A_199, %abs3A_205 : vector<50x256xf32>
      %slice3A_207 = vector.extract_strided_slice %get3A_152 {offsets = [0, 8], sizes = [50, 1], strides = [1, 1]} : vector<50x40xf32> to vector<50x1xf32>
      %slice3A_208 = vector.extract_strided_slice %get3A_4 {offsets = [8, 0], sizes = [1, 256], strides = [1, 1]} : vector<40x1000xf32> to vector<1x256xf32>
      %sub3A_209 = vector.broadcast %slice3A_207 : vector<50x1xf32> to vector<50x256xf32>
      %sub3A_210 = vector.broadcast %slice3A_208 : vector<1x256xf32> to vector<50x256xf32>
      %sub3A_211 = arith.subf %sub3A_209, %sub3A_210 : vector<50x256xf32>
      %abs3A_212 = math.absf %sub3A_211 : vector<50x256xf32>
      %add3A_213 = arith.addf %add3A_206, %abs3A_212 : vector<50x256xf32>
      %slice3A_214 = vector.extract_strided_slice %get3A_152 {offsets = [0, 9], sizes = [50, 1], strides = [1, 1]} : vector<50x40xf32> to vector<50x1xf32>
      %slice3A_215 = vector.extract_strided_slice %get3A_4 {offsets = [9, 0], sizes = [1, 256], strides = [1, 1]} : vector<40x1000xf32> to vector<1x256xf32>
      %sub3A_216 = vector.broadcast %slice3A_214 : vector<50x1xf32> to vector<50x256xf32>
      %sub3A_217 = vector.broadcast %slice3A_215 : vector<1x256xf32> to vector<50x256xf32>
      %sub3A_218 = arith.subf %sub3A_216, %sub3A_217 : vector<50x256xf32>
      %abs3A_219 = math.absf %sub3A_218 : vector<50x256xf32>
      %add3A_220 = arith.addf %add3A_213, %abs3A_219 : vector<50x256xf32>
      %slice3A_221 = vector.extract_strided_slice %get3A_152 {offsets = [0, 10], sizes = [50, 1], strides = [1, 1]} : vector<50x40xf32> to vector<50x1xf32>
      %slice3A_222 = vector.extract_strided_slice %get3A_4 {offsets = [10, 0], sizes = [1, 256], strides = [1, 1]} : vector<40x1000xf32> to vector<1x256xf32>
      %sub3A_223 = vector.broadcast %slice3A_221 : vector<50x1xf32> to vector<50x256xf32>
      %sub3A_224 = vector.broadcast %slice3A_222 : vector<1x256xf32> to vector<50x256xf32>
      %sub3A_225 = arith.subf %sub3A_223, %sub3A_224 : vector<50x256xf32>
      %abs3A_226 = math.absf %sub3A_225 : vector<50x256xf32>
      %add3A_227 = arith.addf %add3A_220, %abs3A_226 : vector<50x256xf32>
      %slice3A_228 = vector.extract_strided_slice %get3A_152 {offsets = [0, 11], sizes = [50, 1], strides = [1, 1]} : vector<50x40xf32> to vector<50x1xf32>
      %slice3A_229 = vector.extract_strided_slice %get3A_4 {offsets = [11, 0], sizes = [1, 256], strides = [1, 1]} : vector<40x1000xf32> to vector<1x256xf32>
      %sub3A_230 = vector.broadcast %slice3A_228 : vector<50x1xf32> to vector<50x256xf32>
      %sub3A_231 = vector.broadcast %slice3A_229 : vector<1x256xf32> to vector<50x256xf32>
      %sub3A_232 = arith.subf %sub3A_230, %sub3A_231 : vector<50x256xf32>
      %abs3A_233 = math.absf %sub3A_232 : vector<50x256xf32>
      %add3A_234 = arith.addf %add3A_227, %abs3A_233 : vector<50x256xf32>
      %slice3A_235 = vector.extract_strided_slice %get3A_152 {offsets = [0, 12], sizes = [50, 1], strides = [1, 1]} : vector<50x40xf32> to vector<50x1xf32>
      %slice3A_236 = vector.extract_strided_slice %get3A_4 {offsets = [12, 0], sizes = [1, 256], strides = [1, 1]} : vector<40x1000xf32> to vector<1x256xf32>
      %sub3A_237 = vector.broadcast %slice3A_235 : vector<50x1xf32> to vector<50x256xf32>
      %sub3A_238 = vector.broadcast %slice3A_236 : vector<1x256xf32> to vector<50x256xf32>
      %sub3A_239 = arith.subf %sub3A_237, %sub3A_238 : vector<50x256xf32>
      %abs3A_240 = math.absf %sub3A_239 : vector<50x256xf32>
      %add3A_241 = arith.addf %add3A_234, %abs3A_240 : vector<50x256xf32>
      %slice3A_242 = vector.extract_strided_slice %get3A_152 {offsets = [0, 13], sizes = [50, 1], strides = [1, 1]} : vector<50x40xf32> to vector<50x1xf32>
      %slice3A_243 = vector.extract_strided_slice %get3A_4 {offsets = [13, 0], sizes = [1, 256], strides = [1, 1]} : vector<40x1000xf32> to vector<1x256xf32>
      %sub3A_244 = vector.broadcast %slice3A_242 : vector<50x1xf32> to vector<50x256xf32>
      %sub3A_245 = vector.broadcast %slice3A_243 : vector<1x256xf32> to vector<50x256xf32>
      %sub3A_246 = arith.subf %sub3A_244, %sub3A_245 : vector<50x256xf32>
      %abs3A_247 = math.absf %sub3A_246 : vector<50x256xf32>
      %add3A_248 = arith.addf %add3A_241, %abs3A_247 : vector<50x256xf32>
      %slice3A_249 = vector.extract_strided_slice %get3A_152 {offsets = [0, 14], sizes = [50, 1], strides = [1, 1]} : vector<50x40xf32> to vector<50x1xf32>
      %slice3A_250 = vector.extract_strided_slice %get3A_4 {offsets = [14, 0], sizes = [1, 256], strides = [1, 1]} : vector<40x1000xf32> to vector<1x256xf32>
      %sub3A_251 = vector.broadcast %slice3A_249 : vector<50x1xf32> to vector<50x256xf32>
      %sub3A_252 = vector.broadcast %slice3A_250 : vector<1x256xf32> to vector<50x256xf32>
      %sub3A_253 = arith.subf %sub3A_251, %sub3A_252 : vector<50x256xf32>
      %abs3A_254 = math.absf %sub3A_253 : vector<50x256xf32>
      %add3A_255 = arith.addf %add3A_248, %abs3A_254 : vector<50x256xf32>
      %slice3A_256 = vector.extract_strided_slice %get3A_152 {offsets = [0, 15], sizes = [50, 1], strides = [1, 1]} : vector<50x40xf32> to vector<50x1xf32>
      %slice3A_257 = vector.extract_strided_slice %get3A_4 {offsets = [15, 0], sizes = [1, 256], strides = [1, 1]} : vector<40x1000xf32> to vector<1x256xf32>
      %sub3A_258 = vector.broadcast %slice3A_256 : vector<50x1xf32> to vector<50x256xf32>
      %sub3A_259 = vector.broadcast %slice3A_257 : vector<1x256xf32> to vector<50x256xf32>
      %sub3A_260 = arith.subf %sub3A_258, %sub3A_259 : vector<50x256xf32>
      %abs3A_261 = math.absf %sub3A_260 : vector<50x256xf32>
      %add3A_262 = arith.addf %add3A_255, %abs3A_261 : vector<50x256xf32>
      %slice3A_263 = vector.extract_strided_slice %get3A_152 {offsets = [0, 16], sizes = [50, 1], strides = [1, 1]} : vector<50x40xf32> to vector<50x1xf32>
      %slice3A_264 = vector.extract_strided_slice %get3A_4 {offsets = [16, 0], sizes = [1, 256], strides = [1, 1]} : vector<40x1000xf32> to vector<1x256xf32>
      %sub3A_265 = vector.broadcast %slice3A_263 : vector<50x1xf32> to vector<50x256xf32>
      %sub3A_266 = vector.broadcast %slice3A_264 : vector<1x256xf32> to vector<50x256xf32>
      %sub3A_267 = arith.subf %sub3A_265, %sub3A_266 : vector<50x256xf32>
      %abs3A_268 = math.absf %sub3A_267 : vector<50x256xf32>
      %add3A_269 = arith.addf %add3A_262, %abs3A_268 : vector<50x256xf32>
      %slice3A_270 = vector.extract_strided_slice %get3A_152 {offsets = [0, 17], sizes = [50, 1], strides = [1, 1]} : vector<50x40xf32> to vector<50x1xf32>
      %slice3A_271 = vector.extract_strided_slice %get3A_4 {offsets = [17, 0], sizes = [1, 256], strides = [1, 1]} : vector<40x1000xf32> to vector<1x256xf32>
      %sub3A_272 = vector.broadcast %slice3A_270 : vector<50x1xf32> to vector<50x256xf32>
      %sub3A_273 = vector.broadcast %slice3A_271 : vector<1x256xf32> to vector<50x256xf32>
      %sub3A_274 = arith.subf %sub3A_272, %sub3A_273 : vector<50x256xf32>
      %abs3A_275 = math.absf %sub3A_274 : vector<50x256xf32>
      %add3A_276 = arith.addf %add3A_269, %abs3A_275 : vector<50x256xf32>
      %slice3A_277 = vector.extract_strided_slice %get3A_152 {offsets = [0, 18], sizes = [50, 1], strides = [1, 1]} : vector<50x40xf32> to vector<50x1xf32>
      %slice3A_278 = vector.extract_strided_slice %get3A_4 {offsets = [18, 0], sizes = [1, 256], strides = [1, 1]} : vector<40x1000xf32> to vector<1x256xf32>
      %sub3A_279 = vector.broadcast %slice3A_277 : vector<50x1xf32> to vector<50x256xf32>
      %sub3A_280 = vector.broadcast %slice3A_278 : vector<1x256xf32> to vector<50x256xf32>
      %sub3A_281 = arith.subf %sub3A_279, %sub3A_280 : vector<50x256xf32>
      %abs3A_282 = math.absf %sub3A_281 : vector<50x256xf32>
      %add3A_283 = arith.addf %add3A_276, %abs3A_282 : vector<50x256xf32>
      %slice3A_284 = vector.extract_strided_slice %get3A_152 {offsets = [0, 19], sizes = [50, 1], strides = [1, 1]} : vector<50x40xf32> to vector<50x1xf32>
      %slice3A_285 = vector.extract_strided_slice %get3A_4 {offsets = [19, 0], sizes = [1, 256], strides = [1, 1]} : vector<40x1000xf32> to vector<1x256xf32>
      %sub3A_286 = vector.broadcast %slice3A_284 : vector<50x1xf32> to vector<50x256xf32>
      %sub3A_287 = vector.broadcast %slice3A_285 : vector<1x256xf32> to vector<50x256xf32>
      %sub3A_288 = arith.subf %sub3A_286, %sub3A_287 : vector<50x256xf32>
      %abs3A_289 = math.absf %sub3A_288 : vector<50x256xf32>
      %add3A_290 = arith.addf %add3A_283, %abs3A_289 : vector<50x256xf32>
      %slice3A_291 = vector.extract_strided_slice %get3A_152 {offsets = [0, 20], sizes = [50, 1], strides = [1, 1]} : vector<50x40xf32> to vector<50x1xf32>
      %slice3A_292 = vector.extract_strided_slice %get3A_4 {offsets = [20, 0], sizes = [1, 256], strides = [1, 1]} : vector<40x1000xf32> to vector<1x256xf32>
      %sub3A_293 = vector.broadcast %slice3A_291 : vector<50x1xf32> to vector<50x256xf32>
      %sub3A_294 = vector.broadcast %slice3A_292 : vector<1x256xf32> to vector<50x256xf32>
      %sub3A_295 = arith.subf %sub3A_293, %sub3A_294 : vector<50x256xf32>
      %abs3A_296 = math.absf %sub3A_295 : vector<50x256xf32>
      %add3A_297 = arith.addf %add3A_290, %abs3A_296 : vector<50x256xf32>
      %slice3A_298 = vector.extract_strided_slice %get3A_152 {offsets = [0, 21], sizes = [50, 1], strides = [1, 1]} : vector<50x40xf32> to vector<50x1xf32>
      %slice3A_299 = vector.extract_strided_slice %get3A_4 {offsets = [21, 0], sizes = [1, 256], strides = [1, 1]} : vector<40x1000xf32> to vector<1x256xf32>
      %sub3A_300 = vector.broadcast %slice3A_298 : vector<50x1xf32> to vector<50x256xf32>
      %sub3A_301 = vector.broadcast %slice3A_299 : vector<1x256xf32> to vector<50x256xf32>
      %sub3A_302 = arith.subf %sub3A_300, %sub3A_301 : vector<50x256xf32>
      %abs3A_303 = math.absf %sub3A_302 : vector<50x256xf32>
      %add3A_304 = arith.addf %add3A_297, %abs3A_303 : vector<50x256xf32>
      %slice3A_305 = vector.extract_strided_slice %get3A_152 {offsets = [0, 22], sizes = [50, 1], strides = [1, 1]} : vector<50x40xf32> to vector<50x1xf32>
      %slice3A_306 = vector.extract_strided_slice %get3A_4 {offsets = [22, 0], sizes = [1, 256], strides = [1, 1]} : vector<40x1000xf32> to vector<1x256xf32>
      %sub3A_307 = vector.broadcast %slice3A_305 : vector<50x1xf32> to vector<50x256xf32>
      %sub3A_308 = vector.broadcast %slice3A_306 : vector<1x256xf32> to vector<50x256xf32>
      %sub3A_309 = arith.subf %sub3A_307, %sub3A_308 : vector<50x256xf32>
      %abs3A_310 = math.absf %sub3A_309 : vector<50x256xf32>
      %add3A_311 = arith.addf %add3A_304, %abs3A_310 : vector<50x256xf32>
      %slice3A_312 = vector.extract_strided_slice %get3A_152 {offsets = [0, 23], sizes = [50, 1], strides = [1, 1]} : vector<50x40xf32> to vector<50x1xf32>
      %slice3A_313 = vector.extract_strided_slice %get3A_4 {offsets = [23, 0], sizes = [1, 256], strides = [1, 1]} : vector<40x1000xf32> to vector<1x256xf32>
      %sub3A_314 = vector.broadcast %slice3A_312 : vector<50x1xf32> to vector<50x256xf32>
      %sub3A_315 = vector.broadcast %slice3A_313 : vector<1x256xf32> to vector<50x256xf32>
      %sub3A_316 = arith.subf %sub3A_314, %sub3A_315 : vector<50x256xf32>
      %abs3A_317 = math.absf %sub3A_316 : vector<50x256xf32>
      %add3A_318 = arith.addf %add3A_311, %abs3A_317 : vector<50x256xf32>
      %slice3A_319 = vector.extract_strided_slice %get3A_152 {offsets = [0, 24], sizes = [50, 1], strides = [1, 1]} : vector<50x40xf32> to vector<50x1xf32>
      %slice3A_320 = vector.extract_strided_slice %get3A_4 {offsets = [24, 0], sizes = [1, 256], strides = [1, 1]} : vector<40x1000xf32> to vector<1x256xf32>
      %sub3A_321 = vector.broadcast %slice3A_319 : vector<50x1xf32> to vector<50x256xf32>
      %sub3A_322 = vector.broadcast %slice3A_320 : vector<1x256xf32> to vector<50x256xf32>
      %sub3A_323 = arith.subf %sub3A_321, %sub3A_322 : vector<50x256xf32>
      %abs3A_324 = math.absf %sub3A_323 : vector<50x256xf32>
      %add3A_325 = arith.addf %add3A_318, %abs3A_324 : vector<50x256xf32>
      %slice3A_326 = vector.extract_strided_slice %get3A_152 {offsets = [0, 25], sizes = [50, 1], strides = [1, 1]} : vector<50x40xf32> to vector<50x1xf32>
      %slice3A_327 = vector.extract_strided_slice %get3A_4 {offsets = [25, 0], sizes = [1, 256], strides = [1, 1]} : vector<40x1000xf32> to vector<1x256xf32>
      %sub3A_328 = vector.broadcast %slice3A_326 : vector<50x1xf32> to vector<50x256xf32>
      %sub3A_329 = vector.broadcast %slice3A_327 : vector<1x256xf32> to vector<50x256xf32>
      %sub3A_330 = arith.subf %sub3A_328, %sub3A_329 : vector<50x256xf32>
      %abs3A_331 = math.absf %sub3A_330 : vector<50x256xf32>
      %add3A_332 = arith.addf %add3A_325, %abs3A_331 : vector<50x256xf32>
      %slice3A_333 = vector.extract_strided_slice %get3A_152 {offsets = [0, 26], sizes = [50, 1], strides = [1, 1]} : vector<50x40xf32> to vector<50x1xf32>
      %slice3A_334 = vector.extract_strided_slice %get3A_4 {offsets = [26, 0], sizes = [1, 256], strides = [1, 1]} : vector<40x1000xf32> to vector<1x256xf32>
      %sub3A_335 = vector.broadcast %slice3A_333 : vector<50x1xf32> to vector<50x256xf32>
      %sub3A_336 = vector.broadcast %slice3A_334 : vector<1x256xf32> to vector<50x256xf32>
      %sub3A_337 = arith.subf %sub3A_335, %sub3A_336 : vector<50x256xf32>
      %abs3A_338 = math.absf %sub3A_337 : vector<50x256xf32>
      %add3A_339 = arith.addf %add3A_332, %abs3A_338 : vector<50x256xf32>
      %slice3A_340 = vector.extract_strided_slice %get3A_152 {offsets = [0, 27], sizes = [50, 1], strides = [1, 1]} : vector<50x40xf32> to vector<50x1xf32>
      %slice3A_341 = vector.extract_strided_slice %get3A_4 {offsets = [27, 0], sizes = [1, 256], strides = [1, 1]} : vector<40x1000xf32> to vector<1x256xf32>
      %sub3A_342 = vector.broadcast %slice3A_340 : vector<50x1xf32> to vector<50x256xf32>
      %sub3A_343 = vector.broadcast %slice3A_341 : vector<1x256xf32> to vector<50x256xf32>
      %sub3A_344 = arith.subf %sub3A_342, %sub3A_343 : vector<50x256xf32>
      %abs3A_345 = math.absf %sub3A_344 : vector<50x256xf32>
      %add3A_346 = arith.addf %add3A_339, %abs3A_345 : vector<50x256xf32>
      %slice3A_347 = vector.extract_strided_slice %get3A_152 {offsets = [0, 28], sizes = [50, 1], strides = [1, 1]} : vector<50x40xf32> to vector<50x1xf32>
      %slice3A_348 = vector.extract_strided_slice %get3A_4 {offsets = [28, 0], sizes = [1, 256], strides = [1, 1]} : vector<40x1000xf32> to vector<1x256xf32>
      %sub3A_349 = vector.broadcast %slice3A_347 : vector<50x1xf32> to vector<50x256xf32>
      %sub3A_350 = vector.broadcast %slice3A_348 : vector<1x256xf32> to vector<50x256xf32>
      %sub3A_351 = arith.subf %sub3A_349, %sub3A_350 : vector<50x256xf32>
      %abs3A_352 = math.absf %sub3A_351 : vector<50x256xf32>
      %add3A_353 = arith.addf %add3A_346, %abs3A_352 : vector<50x256xf32>
      %slice3A_354 = vector.extract_strided_slice %get3A_152 {offsets = [0, 29], sizes = [50, 1], strides = [1, 1]} : vector<50x40xf32> to vector<50x1xf32>
      %slice3A_355 = vector.extract_strided_slice %get3A_4 {offsets = [29, 0], sizes = [1, 256], strides = [1, 1]} : vector<40x1000xf32> to vector<1x256xf32>
      %sub3A_356 = vector.broadcast %slice3A_354 : vector<50x1xf32> to vector<50x256xf32>
      %sub3A_357 = vector.broadcast %slice3A_355 : vector<1x256xf32> to vector<50x256xf32>
      %sub3A_358 = arith.subf %sub3A_356, %sub3A_357 : vector<50x256xf32>
      %abs3A_359 = math.absf %sub3A_358 : vector<50x256xf32>
      %add3A_360 = arith.addf %add3A_353, %abs3A_359 : vector<50x256xf32>
      %slice3A_361 = vector.extract_strided_slice %get3A_152 {offsets = [0, 30], sizes = [50, 1], strides = [1, 1]} : vector<50x40xf32> to vector<50x1xf32>
      %slice3A_362 = vector.extract_strided_slice %get3A_4 {offsets = [30, 0], sizes = [1, 256], strides = [1, 1]} : vector<40x1000xf32> to vector<1x256xf32>
      %sub3A_363 = vector.broadcast %slice3A_361 : vector<50x1xf32> to vector<50x256xf32>
      %sub3A_364 = vector.broadcast %slice3A_362 : vector<1x256xf32> to vector<50x256xf32>
      %sub3A_365 = arith.subf %sub3A_363, %sub3A_364 : vector<50x256xf32>
      %abs3A_366 = math.absf %sub3A_365 : vector<50x256xf32>
      %add3A_367 = arith.addf %add3A_360, %abs3A_366 : vector<50x256xf32>
      %slice3A_368 = vector.extract_strided_slice %get3A_152 {offsets = [0, 31], sizes = [50, 1], strides = [1, 1]} : vector<50x40xf32> to vector<50x1xf32>
      %slice3A_369 = vector.extract_strided_slice %get3A_4 {offsets = [31, 0], sizes = [1, 256], strides = [1, 1]} : vector<40x1000xf32> to vector<1x256xf32>
      %sub3A_370 = vector.broadcast %slice3A_368 : vector<50x1xf32> to vector<50x256xf32>
      %sub3A_371 = vector.broadcast %slice3A_369 : vector<1x256xf32> to vector<50x256xf32>
      %sub3A_372 = arith.subf %sub3A_370, %sub3A_371 : vector<50x256xf32>
      %abs3A_373 = math.absf %sub3A_372 : vector<50x256xf32>
      %add3A_374 = arith.addf %add3A_367, %abs3A_373 : vector<50x256xf32>
      %slice3A_375 = vector.extract_strided_slice %get3A_152 {offsets = [0, 32], sizes = [50, 1], strides = [1, 1]} : vector<50x40xf32> to vector<50x1xf32>
      %slice3A_376 = vector.extract_strided_slice %get3A_4 {offsets = [32, 0], sizes = [1, 256], strides = [1, 1]} : vector<40x1000xf32> to vector<1x256xf32>
      %sub3A_377 = vector.broadcast %slice3A_375 : vector<50x1xf32> to vector<50x256xf32>
      %sub3A_378 = vector.broadcast %slice3A_376 : vector<1x256xf32> to vector<50x256xf32>
      %sub3A_379 = arith.subf %sub3A_377, %sub3A_378 : vector<50x256xf32>
      %abs3A_380 = math.absf %sub3A_379 : vector<50x256xf32>
      %add3A_381 = arith.addf %add3A_374, %abs3A_380 : vector<50x256xf32>
      %slice3A_382 = vector.extract_strided_slice %get3A_152 {offsets = [0, 33], sizes = [50, 1], strides = [1, 1]} : vector<50x40xf32> to vector<50x1xf32>
      %slice3A_383 = vector.extract_strided_slice %get3A_4 {offsets = [33, 0], sizes = [1, 256], strides = [1, 1]} : vector<40x1000xf32> to vector<1x256xf32>
      %sub3A_384 = vector.broadcast %slice3A_382 : vector<50x1xf32> to vector<50x256xf32>
      %sub3A_385 = vector.broadcast %slice3A_383 : vector<1x256xf32> to vector<50x256xf32>
      %sub3A_386 = arith.subf %sub3A_384, %sub3A_385 : vector<50x256xf32>
      %abs3A_387 = math.absf %sub3A_386 : vector<50x256xf32>
      %add3A_388 = arith.addf %add3A_381, %abs3A_387 : vector<50x256xf32>
      %slice3A_389 = vector.extract_strided_slice %get3A_152 {offsets = [0, 34], sizes = [50, 1], strides = [1, 1]} : vector<50x40xf32> to vector<50x1xf32>
      %slice3A_390 = vector.extract_strided_slice %get3A_4 {offsets = [34, 0], sizes = [1, 256], strides = [1, 1]} : vector<40x1000xf32> to vector<1x256xf32>
      %sub3A_391 = vector.broadcast %slice3A_389 : vector<50x1xf32> to vector<50x256xf32>
      %sub3A_392 = vector.broadcast %slice3A_390 : vector<1x256xf32> to vector<50x256xf32>
      %sub3A_393 = arith.subf %sub3A_391, %sub3A_392 : vector<50x256xf32>
      %abs3A_394 = math.absf %sub3A_393 : vector<50x256xf32>
      %add3A_395 = arith.addf %add3A_388, %abs3A_394 : vector<50x256xf32>
      %slice3A_396 = vector.extract_strided_slice %get3A_152 {offsets = [0, 35], sizes = [50, 1], strides = [1, 1]} : vector<50x40xf32> to vector<50x1xf32>
      %slice3A_397 = vector.extract_strided_slice %get3A_4 {offsets = [35, 0], sizes = [1, 256], strides = [1, 1]} : vector<40x1000xf32> to vector<1x256xf32>
      %sub3A_398 = vector.broadcast %slice3A_396 : vector<50x1xf32> to vector<50x256xf32>
      %sub3A_399 = vector.broadcast %slice3A_397 : vector<1x256xf32> to vector<50x256xf32>
      %sub3A_400 = arith.subf %sub3A_398, %sub3A_399 : vector<50x256xf32>
      %abs3A_401 = math.absf %sub3A_400 : vector<50x256xf32>
      %add3A_402 = arith.addf %add3A_395, %abs3A_401 : vector<50x256xf32>
      %slice3A_403 = vector.extract_strided_slice %get3A_152 {offsets = [0, 36], sizes = [50, 1], strides = [1, 1]} : vector<50x40xf32> to vector<50x1xf32>
      %slice3A_404 = vector.extract_strided_slice %get3A_4 {offsets = [36, 0], sizes = [1, 256], strides = [1, 1]} : vector<40x1000xf32> to vector<1x256xf32>
      %sub3A_405 = vector.broadcast %slice3A_403 : vector<50x1xf32> to vector<50x256xf32>
      %sub3A_406 = vector.broadcast %slice3A_404 : vector<1x256xf32> to vector<50x256xf32>
      %sub3A_407 = arith.subf %sub3A_405, %sub3A_406 : vector<50x256xf32>
      %abs3A_408 = math.absf %sub3A_407 : vector<50x256xf32>
      %add3A_409 = arith.addf %add3A_402, %abs3A_408 : vector<50x256xf32>
      %slice3A_410 = vector.extract_strided_slice %get3A_152 {offsets = [0, 37], sizes = [50, 1], strides = [1, 1]} : vector<50x40xf32> to vector<50x1xf32>
      %slice3A_411 = vector.extract_strided_slice %get3A_4 {offsets = [37, 0], sizes = [1, 256], strides = [1, 1]} : vector<40x1000xf32> to vector<1x256xf32>
      %sub3A_412 = vector.broadcast %slice3A_410 : vector<50x1xf32> to vector<50x256xf32>
      %sub3A_413 = vector.broadcast %slice3A_411 : vector<1x256xf32> to vector<50x256xf32>
      %sub3A_414 = arith.subf %sub3A_412, %sub3A_413 : vector<50x256xf32>
      %abs3A_415 = math.absf %sub3A_414 : vector<50x256xf32>
      %add3A_416 = arith.addf %add3A_409, %abs3A_415 : vector<50x256xf32>
      %slice3A_417 = vector.extract_strided_slice %get3A_152 {offsets = [0, 38], sizes = [50, 1], strides = [1, 1]} : vector<50x40xf32> to vector<50x1xf32>
      %slice3A_418 = vector.extract_strided_slice %get3A_4 {offsets = [38, 0], sizes = [1, 256], strides = [1, 1]} : vector<40x1000xf32> to vector<1x256xf32>
      %sub3A_419 = vector.broadcast %slice3A_417 : vector<50x1xf32> to vector<50x256xf32>
      %sub3A_420 = vector.broadcast %slice3A_418 : vector<1x256xf32> to vector<50x256xf32>
      %sub3A_421 = arith.subf %sub3A_419, %sub3A_420 : vector<50x256xf32>
      %abs3A_422 = math.absf %sub3A_421 : vector<50x256xf32>
      %add3A_423 = arith.addf %add3A_416, %abs3A_422 : vector<50x256xf32>
      %slice3A_424 = vector.extract_strided_slice %get3A_152 {offsets = [0, 39], sizes = [50, 1], strides = [1, 1]} : vector<50x40xf32> to vector<50x1xf32>
      %slice3A_425 = vector.extract_strided_slice %get3A_4 {offsets = [39, 0], sizes = [1, 256], strides = [1, 1]} : vector<40x1000xf32> to vector<1x256xf32>
      %sub3A_426 = vector.broadcast %slice3A_424 : vector<50x1xf32> to vector<50x256xf32>
      %sub3A_427 = vector.broadcast %slice3A_425 : vector<1x256xf32> to vector<50x256xf32>
      %sub3A_428 = arith.subf %sub3A_426, %sub3A_427 : vector<50x256xf32>
      %abs3A_429 = math.absf %sub3A_428 : vector<50x256xf32>
      %add3A_430 = arith.addf %add3A_423, %abs3A_429 : vector<50x256xf32>
      %get3A_431 = arith.constant 0 : index
      %get3A_432 = arith.constant 0 : index
      %get3A_433 = vector.load %arg8[%get3A_431, %get3A_432] : memref<50x768xf32, #tpu.memory_space<vmem>>, vector<50x256xf32>
      %min3A = arith.minimumf %get3A_433, %add3A_430 : vector<50x256xf32>
      %swap3A_434 = arith.constant 0 : index
      %swap3A_435 = arith.constant 0 : index
      %swap3A_436 = vector.load %arg8[%swap3A_434, %swap3A_435] : memref<50x768xf32, #tpu.memory_space<vmem>>, vector<50x256xf32>
      tpu.vector_store %arg8[%swap3A_434, %swap3A_435], %min3A {strides = array<i32>} : memref<50x768xf32, #tpu.memory_space<vmem>>, vector<50x256xf32>,
      %slice3A_437 = vector.extract_strided_slice %get3A_152 {offsets = [0, 0], sizes = [50, 1], strides = [1, 1]} : vector<50x40xf32> to vector<50x1xf32>
      %slice3A_438 = vector.extract_strided_slice %get3A_4 {offsets = [0, 256], sizes = [1, 256], strides = [1, 1]} : vector<40x1000xf32> to vector<1x256xf32>
      %sub3A_439 = vector.broadcast %slice3A_437 : vector<50x1xf32> to vector<50x256xf32>
      %sub3A_440 = vector.broadcast %slice3A_438 : vector<1x256xf32> to vector<50x256xf32>
      %sub3A_441 = arith.subf %sub3A_439, %sub3A_440 : vector<50x256xf32>
      %abs3A_442 = math.absf %sub3A_441 : vector<50x256xf32>
      %slice3A_443 = vector.extract_strided_slice %get3A_152 {offsets = [0, 1], sizes = [50, 1], strides = [1, 1]} : vector<50x40xf32> to vector<50x1xf32>
      %slice3A_444 = vector.extract_strided_slice %get3A_4 {offsets = [1, 256], sizes = [1, 256], strides = [1, 1]} : vector<40x1000xf32> to vector<1x256xf32>
      %sub3A_445 = vector.broadcast %slice3A_443 : vector<50x1xf32> to vector<50x256xf32>
      %sub3A_446 = vector.broadcast %slice3A_444 : vector<1x256xf32> to vector<50x256xf32>
      %sub3A_447 = arith.subf %sub3A_445, %sub3A_446 : vector<50x256xf32>
      %abs3A_448 = math.absf %sub3A_447 : vector<50x256xf32>
      %add3A_449 = arith.addf %abs3A_442, %abs3A_448 : vector<50x256xf32>
      %slice3A_450 = vector.extract_strided_slice %get3A_152 {offsets = [0, 2], sizes = [50, 1], strides = [1, 1]} : vector<50x40xf32> to vector<50x1xf32>
      %slice3A_451 = vector.extract_strided_slice %get3A_4 {offsets = [2, 256], sizes = [1, 256], strides = [1, 1]} : vector<40x1000xf32> to vector<1x256xf32>
      %sub3A_452 = vector.broadcast %slice3A_450 : vector<50x1xf32> to vector<50x256xf32>
      %sub3A_453 = vector.broadcast %slice3A_451 : vector<1x256xf32> to vector<50x256xf32>
      %sub3A_454 = arith.subf %sub3A_452, %sub3A_453 : vector<50x256xf32>
      %abs3A_455 = math.absf %sub3A_454 : vector<50x256xf32>
      %add3A_456 = arith.addf %add3A_449, %abs3A_455 : vector<50x256xf32>
      %slice3A_457 = vector.extract_strided_slice %get3A_152 {offsets = [0, 3], sizes = [50, 1], strides = [1, 1]} : vector<50x40xf32> to vector<50x1xf32>
      %slice3A_458 = vector.extract_strided_slice %get3A_4 {offsets = [3, 256], sizes = [1, 256], strides = [1, 1]} : vector<40x1000xf32> to vector<1x256xf32>
      %sub3A_459 = vector.broadcast %slice3A_457 : vector<50x1xf32> to vector<50x256xf32>
      %sub3A_460 = vector.broadcast %slice3A_458 : vector<1x256xf32> to vector<50x256xf32>
      %sub3A_461 = arith.subf %sub3A_459, %sub3A_460 : vector<50x256xf32>
      %abs3A_462 = math.absf %sub3A_461 : vector<50x256xf32>
      %add3A_463 = arith.addf %add3A_456, %abs3A_462 : vector<50x256xf32>
      %slice3A_464 = vector.extract_strided_slice %get3A_152 {offsets = [0, 4], sizes = [50, 1], strides = [1, 1]} : vector<50x40xf32> to vector<50x1xf32>
      %slice3A_465 = vector.extract_strided_slice %get3A_4 {offsets = [4, 256], sizes = [1, 256], strides = [1, 1]} : vector<40x1000xf32> to vector<1x256xf32>
      %sub3A_466 = vector.broadcast %slice3A_464 : vector<50x1xf32> to vector<50x256xf32>
      %sub3A_467 = vector.broadcast %slice3A_465 : vector<1x256xf32> to vector<50x256xf32>
      %sub3A_468 = arith.subf %sub3A_466, %sub3A_467 : vector<50x256xf32>
      %abs3A_469 = math.absf %sub3A_468 : vector<50x256xf32>
      %add3A_470 = arith.addf %add3A_463, %abs3A_469 : vector<50x256xf32>
      %slice3A_471 = vector.extract_strided_slice %get3A_152 {offsets = [0, 5], sizes = [50, 1], strides = [1, 1]} : vector<50x40xf32> to vector<50x1xf32>
      %slice3A_472 = vector.extract_strided_slice %get3A_4 {offsets = [5, 256], sizes = [1, 256], strides = [1, 1]} : vector<40x1000xf32> to vector<1x256xf32>
      %sub3A_473 = vector.broadcast %slice3A_471 : vector<50x1xf32> to vector<50x256xf32>
      %sub3A_474 = vector.broadcast %slice3A_472 : vector<1x256xf32> to vector<50x256xf32>
      %sub3A_475 = arith.subf %sub3A_473, %sub3A_474 : vector<50x256xf32>
      %abs3A_476 = math.absf %sub3A_475 : vector<50x256xf32>
      %add3A_477 = arith.addf %add3A_470, %abs3A_476 : vector<50x256xf32>
      %slice3A_478 = vector.extract_strided_slice %get3A_152 {offsets = [0, 6], sizes = [50, 1], strides = [1, 1]} : vector<50x40xf32> to vector<50x1xf32>
      %slice3A_479 = vector.extract_strided_slice %get3A_4 {offsets = [6, 256], sizes = [1, 256], strides = [1, 1]} : vector<40x1000xf32> to vector<1x256xf32>
      %sub3A_480 = vector.broadcast %slice3A_478 : vector<50x1xf32> to vector<50x256xf32>
      %sub3A_481 = vector.broadcast %slice3A_479 : vector<1x256xf32> to vector<50x256xf32>
      %sub3A_482 = arith.subf %sub3A_480, %sub3A_481 : vector<50x256xf32>
      %abs3A_483 = math.absf %sub3A_482 : vector<50x256xf32>
      %add3A_484 = arith.addf %add3A_477, %abs3A_483 : vector<50x256xf32>
      %slice3A_485 = vector.extract_strided_slice %get3A_152 {offsets = [0, 7], sizes = [50, 1], strides = [1, 1]} : vector<50x40xf32> to vector<50x1xf32>
      %slice3A_486 = vector.extract_strided_slice %get3A_4 {offsets = [7, 256], sizes = [1, 256], strides = [1, 1]} : vector<40x1000xf32> to vector<1x256xf32>
      %sub3A_487 = vector.broadcast %slice3A_485 : vector<50x1xf32> to vector<50x256xf32>
      %sub3A_488 = vector.broadcast %slice3A_486 : vector<1x256xf32> to vector<50x256xf32>
      %sub3A_489 = arith.subf %sub3A_487, %sub3A_488 : vector<50x256xf32>
      %abs3A_490 = math.absf %sub3A_489 : vector<50x256xf32>
      %add3A_491 = arith.addf %add3A_484, %abs3A_490 : vector<50x256xf32>
      %slice3A_492 = vector.extract_strided_slice %get3A_152 {offsets = [0, 8], sizes = [50, 1], strides = [1, 1]} : vector<50x40xf32> to vector<50x1xf32>
      %slice3A_493 = vector.extract_strided_slice %get3A_4 {offsets = [8, 256], sizes = [1, 256], strides = [1, 1]} : vector<40x1000xf32> to vector<1x256xf32>
      %sub3A_494 = vector.broadcast %slice3A_492 : vector<50x1xf32> to vector<50x256xf32>
      %sub3A_495 = vector.broadcast %slice3A_493 : vector<1x256xf32> to vector<50x256xf32>
      %sub3A_496 = arith.subf %sub3A_494, %sub3A_495 : vector<50x256xf32>
      %abs3A_497 = math.absf %sub3A_496 : vector<50x256xf32>
      %add3A_498 = arith.addf %add3A_491, %abs3A_497 : vector<50x256xf32>
      %slice3A_499 = vector.extract_strided_slice %get3A_152 {offsets = [0, 9], sizes = [50, 1], strides = [1, 1]} : vector<50x40xf32> to vector<50x1xf32>
      %slice3A_500 = vector.extract_strided_slice %get3A_4 {offsets = [9, 256], sizes = [1, 256], strides = [1, 1]} : vector<40x1000xf32> to vector<1x256xf32>
      %sub3A_501 = vector.broadcast %slice3A_499 : vector<50x1xf32> to vector<50x256xf32>
      %sub3A_502 = vector.broadcast %slice3A_500 : vector<1x256xf32> to vector<50x256xf32>
      %sub3A_503 = arith.subf %sub3A_501, %sub3A_502 : vector<50x256xf32>
      %abs3A_504 = math.absf %sub3A_503 : vector<50x256xf32>
      %add3A_505 = arith.addf %add3A_498, %abs3A_504 : vector<50x256xf32>
      %slice3A_506 = vector.extract_strided_slice %get3A_152 {offsets = [0, 10], sizes = [50, 1], strides = [1, 1]} : vector<50x40xf32> to vector<50x1xf32>
      %slice3A_507 = vector.extract_strided_slice %get3A_4 {offsets = [10, 256], sizes = [1, 256], strides = [1, 1]} : vector<40x1000xf32> to vector<1x256xf32>
      %sub3A_508 = vector.broadcast %slice3A_506 : vector<50x1xf32> to vector<50x256xf32>
      %sub3A_509 = vector.broadcast %slice3A_507 : vector<1x256xf32> to vector<50x256xf32>
      %sub3A_510 = arith.subf %sub3A_508, %sub3A_509 : vector<50x256xf32>
      %abs3A_511 = math.absf %sub3A_510 : vector<50x256xf32>
      %add3A_512 = arith.addf %add3A_505, %abs3A_511 : vector<50x256xf32>
      %slice3A_513 = vector.extract_strided_slice %get3A_152 {offsets = [0, 11], sizes = [50, 1], strides = [1, 1]} : vector<50x40xf32> to vector<50x1xf32>
      %slice3A_514 = vector.extract_strided_slice %get3A_4 {offsets = [11, 256], sizes = [1, 256], strides = [1, 1]} : vector<40x1000xf32> to vector<1x256xf32>
      %sub3A_515 = vector.broadcast %slice3A_513 : vector<50x1xf32> to vector<50x256xf32>
      %sub3A_516 = vector.broadcast %slice3A_514 : vector<1x256xf32> to vector<50x256xf32>
      %sub3A_517 = arith.subf %sub3A_515, %sub3A_516 : vector<50x256xf32>
      %abs3A_518 = math.absf %sub3A_517 : vector<50x256xf32>
      %add3A_519 = arith.addf %add3A_512, %abs3A_518 : vector<50x256xf32>
      %slice3A_520 = vector.extract_strided_slice %get3A_152 {offsets = [0, 12], sizes = [50, 1], strides = [1, 1]} : vector<50x40xf32> to vector<50x1xf32>
      %slice3A_521 = vector.extract_strided_slice %get3A_4 {offsets = [12, 256], sizes = [1, 256], strides = [1, 1]} : vector<40x1000xf32> to vector<1x256xf32>
      %sub3A_522 = vector.broadcast %slice3A_520 : vector<50x1xf32> to vector<50x256xf32>
      %sub3A_523 = vector.broadcast %slice3A_521 : vector<1x256xf32> to vector<50x256xf32>
      %sub3A_524 = arith.subf %sub3A_522, %sub3A_523 : vector<50x256xf32>
      %abs3A_525 = math.absf %sub3A_524 : vector<50x256xf32>
      %add3A_526 = arith.addf %add3A_519, %abs3A_525 : vector<50x256xf32>
      %slice3A_527 = vector.extract_strided_slice %get3A_152 {offsets = [0, 13], sizes = [50, 1], strides = [1, 1]} : vector<50x40xf32> to vector<50x1xf32>
      %slice3A_528 = vector.extract_strided_slice %get3A_4 {offsets = [13, 256], sizes = [1, 256], strides = [1, 1]} : vector<40x1000xf32> to vector<1x256xf32>
      %sub3A_529 = vector.broadcast %slice3A_527 : vector<50x1xf32> to vector<50x256xf32>
      %sub3A_530 = vector.broadcast %slice3A_528 : vector<1x256xf32> to vector<50x256xf32>
      %sub3A_531 = arith.subf %sub3A_529, %sub3A_530 : vector<50x256xf32>
      %abs3A_532 = math.absf %sub3A_531 : vector<50x256xf32>
      %add3A_533 = arith.addf %add3A_526, %abs3A_532 : vector<50x256xf32>
      %slice3A_534 = vector.extract_strided_slice %get3A_152 {offsets = [0, 14], sizes = [50, 1], strides = [1, 1]} : vector<50x40xf32> to vector<50x1xf32>
      %slice3A_535 = vector.extract_strided_slice %get3A_4 {offsets = [14, 256], sizes = [1, 256], strides = [1, 1]} : vector<40x1000xf32> to vector<1x256xf32>
      %sub3A_536 = vector.broadcast %slice3A_534 : vector<50x1xf32> to vector<50x256xf32>
      %sub3A_537 = vector.broadcast %slice3A_535 : vector<1x256xf32> to vector<50x256xf32>
      %sub3A_538 = arith.subf %sub3A_536, %sub3A_537 : vector<50x256xf32>
      %abs3A_539 = math.absf %sub3A_538 : vector<50x256xf32>
      %add3A_540 = arith.addf %add3A_533, %abs3A_539 : vector<50x256xf32>
      %slice3A_541 = vector.extract_strided_slice %get3A_152 {offsets = [0, 15], sizes = [50, 1], strides = [1, 1]} : vector<50x40xf32> to vector<50x1xf32>
      %slice3A_542 = vector.extract_strided_slice %get3A_4 {offsets = [15, 256], sizes = [1, 256], strides = [1, 1]} : vector<40x1000xf32> to vector<1x256xf32>
      %sub3A_543 = vector.broadcast %slice3A_541 : vector<50x1xf32> to vector<50x256xf32>
      %sub3A_544 = vector.broadcast %slice3A_542 : vector<1x256xf32> to vector<50x256xf32>
      %sub3A_545 = arith.subf %sub3A_543, %sub3A_544 : vector<50x256xf32>
      %abs3A_546 = math.absf %sub3A_545 : vector<50x256xf32>
      %add3A_547 = arith.addf %add3A_540, %abs3A_546 : vector<50x256xf32>
      %slice3A_548 = vector.extract_strided_slice %get3A_152 {offsets = [0, 16], sizes = [50, 1], strides = [1, 1]} : vector<50x40xf32> to vector<50x1xf32>
      %slice3A_549 = vector.extract_strided_slice %get3A_4 {offsets = [16, 256], sizes = [1, 256], strides = [1, 1]} : vector<40x1000xf32> to vector<1x256xf32>
      %sub3A_550 = vector.broadcast %slice3A_548 : vector<50x1xf32> to vector<50x256xf32>
      %sub3A_551 = vector.broadcast %slice3A_549 : vector<1x256xf32> to vector<50x256xf32>
      %sub3A_552 = arith.subf %sub3A_550, %sub3A_551 : vector<50x256xf32>
      %abs3A_553 = math.absf %sub3A_552 : vector<50x256xf32>
      %add3A_554 = arith.addf %add3A_547, %abs3A_553 : vector<50x256xf32>
      %slice3A_555 = vector.extract_strided_slice %get3A_152 {offsets = [0, 17], sizes = [50, 1], strides = [1, 1]} : vector<50x40xf32> to vector<50x1xf32>
      %slice3A_556 = vector.extract_strided_slice %get3A_4 {offsets = [17, 256], sizes = [1, 256], strides = [1, 1]} : vector<40x1000xf32> to vector<1x256xf32>
      %sub3A_557 = vector.broadcast %slice3A_555 : vector<50x1xf32> to vector<50x256xf32>
      %sub3A_558 = vector.broadcast %slice3A_556 : vector<1x256xf32> to vector<50x256xf32>
      %sub3A_559 = arith.subf %sub3A_557, %sub3A_558 : vector<50x256xf32>
      %abs3A_560 = math.absf %sub3A_559 : vector<50x256xf32>
      %add3A_561 = arith.addf %add3A_554, %abs3A_560 : vector<50x256xf32>
      %slice3A_562 = vector.extract_strided_slice %get3A_152 {offsets = [0, 18], sizes = [50, 1], strides = [1, 1]} : vector<50x40xf32> to vector<50x1xf32>
      %slice3A_563 = vector.extract_strided_slice %get3A_4 {offsets = [18, 256], sizes = [1, 256], strides = [1, 1]} : vector<40x1000xf32> to vector<1x256xf32>
      %sub3A_564 = vector.broadcast %slice3A_562 : vector<50x1xf32> to vector<50x256xf32>
      %sub3A_565 = vector.broadcast %slice3A_563 : vector<1x256xf32> to vector<50x256xf32>
      %sub3A_566 = arith.subf %sub3A_564, %sub3A_565 : vector<50x256xf32>
      %abs3A_567 = math.absf %sub3A_566 : vector<50x256xf32>
      %add3A_568 = arith.addf %add3A_561, %abs3A_567 : vector<50x256xf32>
      %slice3A_569 = vector.extract_strided_slice %get3A_152 {offsets = [0, 19], sizes = [50, 1], strides = [1, 1]} : vector<50x40xf32> to vector<50x1xf32>
      %slice3A_570 = vector.extract_strided_slice %get3A_4 {offsets = [19, 256], sizes = [1, 256], strides = [1, 1]} : vector<40x1000xf32> to vector<1x256xf32>
      %sub3A_571 = vector.broadcast %slice3A_569 : vector<50x1xf32> to vector<50x256xf32>
      %sub3A_572 = vector.broadcast %slice3A_570 : vector<1x256xf32> to vector<50x256xf32>
      %sub3A_573 = arith.subf %sub3A_571, %sub3A_572 : vector<50x256xf32>
      %abs3A_574 = math.absf %sub3A_573 : vector<50x256xf32>
      %add3A_575 = arith.addf %add3A_568, %abs3A_574 : vector<50x256xf32>
      %slice3A_576 = vector.extract_strided_slice %get3A_152 {offsets = [0, 20], sizes = [50, 1], strides = [1, 1]} : vector<50x40xf32> to vector<50x1xf32>
      %slice3A_577 = vector.extract_strided_slice %get3A_4 {offsets = [20, 256], sizes = [1, 256], strides = [1, 1]} : vector<40x1000xf32> to vector<1x256xf32>
      %sub3A_578 = vector.broadcast %slice3A_576 : vector<50x1xf32> to vector<50x256xf32>
      %sub3A_579 = vector.broadcast %slice3A_577 : vector<1x256xf32> to vector<50x256xf32>
      %sub3A_580 = arith.subf %sub3A_578, %sub3A_579 : vector<50x256xf32>
      %abs3A_581 = math.absf %sub3A_580 : vector<50x256xf32>
      %add3A_582 = arith.addf %add3A_575, %abs3A_581 : vector<50x256xf32>
      %slice3A_583 = vector.extract_strided_slice %get3A_152 {offsets = [0, 21], sizes = [50, 1], strides = [1, 1]} : vector<50x40xf32> to vector<50x1xf32>
      %slice3A_584 = vector.extract_strided_slice %get3A_4 {offsets = [21, 256], sizes = [1, 256], strides = [1, 1]} : vector<40x1000xf32> to vector<1x256xf32>
      %sub3A_585 = vector.broadcast %slice3A_583 : vector<50x1xf32> to vector<50x256xf32>
      %sub3A_586 = vector.broadcast %slice3A_584 : vector<1x256xf32> to vector<50x256xf32>
      %sub3A_587 = arith.subf %sub3A_585, %sub3A_586 : vector<50x256xf32>
      %abs3A_588 = math.absf %sub3A_587 : vector<50x256xf32>
      %add3A_589 = arith.addf %add3A_582, %abs3A_588 : vector<50x256xf32>
      %slice3A_590 = vector.extract_strided_slice %get3A_152 {offsets = [0, 22], sizes = [50, 1], strides = [1, 1]} : vector<50x40xf32> to vector<50x1xf32>
      %slice3A_591 = vector.extract_strided_slice %get3A_4 {offsets = [22, 256], sizes = [1, 256], strides = [1, 1]} : vector<40x1000xf32> to vector<1x256xf32>
      %sub3A_592 = vector.broadcast %slice3A_590 : vector<50x1xf32> to vector<50x256xf32>
      %sub3A_593 = vector.broadcast %slice3A_591 : vector<1x256xf32> to vector<50x256xf32>
      %sub3A_594 = arith.subf %sub3A_592, %sub3A_593 : vector<50x256xf32>
      %abs3A_595 = math.absf %sub3A_594 : vector<50x256xf32>
      %add3A_596 = arith.addf %add3A_589, %abs3A_595 : vector<50x256xf32>
      %slice3A_597 = vector.extract_strided_slice %get3A_152 {offsets = [0, 23], sizes = [50, 1], strides = [1, 1]} : vector<50x40xf32> to vector<50x1xf32>
      %slice3A_598 = vector.extract_strided_slice %get3A_4 {offsets = [23, 256], sizes = [1, 256], strides = [1, 1]} : vector<40x1000xf32> to vector<1x256xf32>
      %sub3A_599 = vector.broadcast %slice3A_597 : vector<50x1xf32> to vector<50x256xf32>
      %sub3A_600 = vector.broadcast %slice3A_598 : vector<1x256xf32> to vector<50x256xf32>
      %sub3A_601 = arith.subf %sub3A_599, %sub3A_600 : vector<50x256xf32>
      %abs3A_602 = math.absf %sub3A_601 : vector<50x256xf32>
      %add3A_603 = arith.addf %add3A_596, %abs3A_602 : vector<50x256xf32>
      %slice3A_604 = vector.extract_strided_slice %get3A_152 {offsets = [0, 24], sizes = [50, 1], strides = [1, 1]} : vector<50x40xf32> to vector<50x1xf32>
      %slice3A_605 = vector.extract_strided_slice %get3A_4 {offsets = [24, 256], sizes = [1, 256], strides = [1, 1]} : vector<40x1000xf32> to vector<1x256xf32>
      %sub3A_606 = vector.broadcast %slice3A_604 : vector<50x1xf32> to vector<50x256xf32>
      %sub3A_607 = vector.broadcast %slice3A_605 : vector<1x256xf32> to vector<50x256xf32>
      %sub3A_608 = arith.subf %sub3A_606, %sub3A_607 : vector<50x256xf32>
      %abs3A_609 = math.absf %sub3A_608 : vector<50x256xf32>
      %add3A_610 = arith.addf %add3A_603, %abs3A_609 : vector<50x256xf32>
      %slice3A_611 = vector.extract_strided_slice %get3A_152 {offsets = [0, 25], sizes = [50, 1], strides = [1, 1]} : vector<50x40xf32> to vector<50x1xf32>
      %slice3A_612 = vector.extract_strided_slice %get3A_4 {offsets = [25, 256], sizes = [1, 256], strides = [1, 1]} : vector<40x1000xf32> to vector<1x256xf32>
      %sub3A_613 = vector.broadcast %slice3A_611 : vector<50x1xf32> to vector<50x256xf32>
      %sub3A_614 = vector.broadcast %slice3A_612 : vector<1x256xf32> to vector<50x256xf32>
      %sub3A_615 = arith.subf %sub3A_613, %sub3A_614 : vector<50x256xf32>
      %abs3A_616 = math.absf %sub3A_615 : vector<50x256xf32>
      %add3A_617 = arith.addf %add3A_610, %abs3A_616 : vector<50x256xf32>
      %slice3A_618 = vector.extract_strided_slice %get3A_152 {offsets = [0, 26], sizes = [50, 1], strides = [1, 1]} : vector<50x40xf32> to vector<50x1xf32>
      %slice3A_619 = vector.extract_strided_slice %get3A_4 {offsets = [26, 256], sizes = [1, 256], strides = [1, 1]} : vector<40x1000xf32> to vector<1x256xf32>
      %sub3A_620 = vector.broadcast %slice3A_618 : vector<50x1xf32> to vector<50x256xf32>
      %sub3A_621 = vector.broadcast %slice3A_619 : vector<1x256xf32> to vector<50x256xf32>
      %sub3A_622 = arith.subf %sub3A_620, %sub3A_621 : vector<50x256xf32>
      %abs3A_623 = math.absf %sub3A_622 : vector<50x256xf32>
      %add3A_624 = arith.addf %add3A_617, %abs3A_623 : vector<50x256xf32>
      %slice3A_625 = vector.extract_strided_slice %get3A_152 {offsets = [0, 27], sizes = [50, 1], strides = [1, 1]} : vector<50x40xf32> to vector<50x1xf32>
      %slice3A_626 = vector.extract_strided_slice %get3A_4 {offsets = [27, 256], sizes = [1, 256], strides = [1, 1]} : vector<40x1000xf32> to vector<1x256xf32>
      %sub3A_627 = vector.broadcast %slice3A_625 : vector<50x1xf32> to vector<50x256xf32>
      %sub3A_628 = vector.broadcast %slice3A_626 : vector<1x256xf32> to vector<50x256xf32>
      %sub3A_629 = arith.subf %sub3A_627, %sub3A_628 : vector<50x256xf32>
      %abs3A_630 = math.absf %sub3A_629 : vector<50x256xf32>
      %add3A_631 = arith.addf %add3A_624, %abs3A_630 : vector<50x256xf32>
      %slice3A_632 = vector.extract_strided_slice %get3A_152 {offsets = [0, 28], sizes = [50, 1], strides = [1, 1]} : vector<50x40xf32> to vector<50x1xf32>
      %slice3A_633 = vector.extract_strided_slice %get3A_4 {offsets = [28, 256], sizes = [1, 256], strides = [1, 1]} : vector<40x1000xf32> to vector<1x256xf32>
      %sub3A_634 = vector.broadcast %slice3A_632 : vector<50x1xf32> to vector<50x256xf32>
      %sub3A_635 = vector.broadcast %slice3A_633 : vector<1x256xf32> to vector<50x256xf32>
      %sub3A_636 = arith.subf %sub3A_634, %sub3A_635 : vector<50x256xf32>
      %abs3A_637 = math.absf %sub3A_636 : vector<50x256xf32>
      %add3A_638 = arith.addf %add3A_631, %abs3A_637 : vector<50x256xf32>
      %slice3A_639 = vector.extract_strided_slice %get3A_152 {offsets = [0, 29], sizes = [50, 1], strides = [1, 1]} : vector<50x40xf32> to vector<50x1xf32>
      %slice3A_640 = vector.extract_strided_slice %get3A_4 {offsets = [29, 256], sizes = [1, 256], strides = [1, 1]} : vector<40x1000xf32> to vector<1x256xf32>
      %sub3A_641 = vector.broadcast %slice3A_639 : vector<50x1xf32> to vector<50x256xf32>
      %sub3A_642 = vector.broadcast %slice3A_640 : vector<1x256xf32> to vector<50x256xf32>
      %sub3A_643 = arith.subf %sub3A_641, %sub3A_642 : vector<50x256xf32>
      %abs3A_644 = math.absf %sub3A_643 : vector<50x256xf32>
      %add3A_645 = arith.addf %add3A_638, %abs3A_644 : vector<50x256xf32>
      %slice3A_646 = vector.extract_strided_slice %get3A_152 {offsets = [0, 30], sizes = [50, 1], strides = [1, 1]} : vector<50x40xf32> to vector<50x1xf32>
      %slice3A_647 = vector.extract_strided_slice %get3A_4 {offsets = [30, 256], sizes = [1, 256], strides = [1, 1]} : vector<40x1000xf32> to vector<1x256xf32>
      %sub3A_648 = vector.broadcast %slice3A_646 : vector<50x1xf32> to vector<50x256xf32>
      %sub3A_649 = vector.broadcast %slice3A_647 : vector<1x256xf32> to vector<50x256xf32>
      %sub3A_650 = arith.subf %sub3A_648, %sub3A_649 : vector<50x256xf32>
      %abs3A_651 = math.absf %sub3A_650 : vector<50x256xf32>
      %add3A_652 = arith.addf %add3A_645, %abs3A_651 : vector<50x256xf32>
      %slice3A_653 = vector.extract_strided_slice %get3A_152 {offsets = [0, 31], sizes = [50, 1], strides = [1, 1]} : vector<50x40xf32> to vector<50x1xf32>
      %slice3A_654 = vector.extract_strided_slice %get3A_4 {offsets = [31, 256], sizes = [1, 256], strides = [1, 1]} : vector<40x1000xf32> to vector<1x256xf32>
      %sub3A_655 = vector.broadcast %slice3A_653 : vector<50x1xf32> to vector<50x256xf32>
      %sub3A_656 = vector.broadcast %slice3A_654 : vector<1x256xf32> to vector<50x256xf32>
      %sub3A_657 = arith.subf %sub3A_655, %sub3A_656 : vector<50x256xf32>
      %abs3A_658 = math.absf %sub3A_657 : vector<50x256xf32>
      %add3A_659 = arith.addf %add3A_652, %abs3A_658 : vector<50x256xf32>
      %slice3A_660 = vector.extract_strided_slice %get3A_152 {offsets = [0, 32], sizes = [50, 1], strides = [1, 1]} : vector<50x40xf32> to vector<50x1xf32>
      %slice3A_661 = vector.extract_strided_slice %get3A_4 {offsets = [32, 256], sizes = [1, 256], strides = [1, 1]} : vector<40x1000xf32> to vector<1x256xf32>
      %sub3A_662 = vector.broadcast %slice3A_660 : vector<50x1xf32> to vector<50x256xf32>
      %sub3A_663 = vector.broadcast %slice3A_661 : vector<1x256xf32> to vector<50x256xf32>
      %sub3A_664 = arith.subf %sub3A_662, %sub3A_663 : vector<50x256xf32>
      %abs3A_665 = math.absf %sub3A_664 : vector<50x256xf32>
      %add3A_666 = arith.addf %add3A_659, %abs3A_665 : vector<50x256xf32>
      %slice3A_667 = vector.extract_strided_slice %get3A_152 {offsets = [0, 33], sizes = [50, 1], strides = [1, 1]} : vector<50x40xf32> to vector<50x1xf32>
      %slice3A_668 = vector.extract_strided_slice %get3A_4 {offsets = [33, 256], sizes = [1, 256], strides = [1, 1]} : vector<40x1000xf32> to vector<1x256xf32>
      %sub3A_669 = vector.broadcast %slice3A_667 : vector<50x1xf32> to vector<50x256xf32>
      %sub3A_670 = vector.broadcast %slice3A_668 : vector<1x256xf32> to vector<50x256xf32>
      %sub3A_671 = arith.subf %sub3A_669, %sub3A_670 : vector<50x256xf32>
      %abs3A_672 = math.absf %sub3A_671 : vector<50x256xf32>
      %add3A_673 = arith.addf %add3A_666, %abs3A_672 : vector<50x256xf32>
      %slice3A_674 = vector.extract_strided_slice %get3A_152 {offsets = [0, 34], sizes = [50, 1], strides = [1, 1]} : vector<50x40xf32> to vector<50x1xf32>
      %slice3A_675 = vector.extract_strided_slice %get3A_4 {offsets = [34, 256], sizes = [1, 256], strides = [1, 1]} : vector<40x1000xf32> to vector<1x256xf32>
      %sub3A_676 = vector.broadcast %slice3A_674 : vector<50x1xf32> to vector<50x256xf32>
      %sub3A_677 = vector.broadcast %slice3A_675 : vector<1x256xf32> to vector<50x256xf32>
      %sub3A_678 = arith.subf %sub3A_676, %sub3A_677 : vector<50x256xf32>
      %abs3A_679 = math.absf %sub3A_678 : vector<50x256xf32>
      %add3A_680 = arith.addf %add3A_673, %abs3A_679 : vector<50x256xf32>
      %slice3A_681 = vector.extract_strided_slice %get3A_152 {offsets = [0, 35], sizes = [50, 1], strides = [1, 1]} : vector<50x40xf32> to vector<50x1xf32>
      %slice3A_682 = vector.extract_strided_slice %get3A_4 {offsets = [35, 256], sizes = [1, 256], strides = [1, 1]} : vector<40x1000xf32> to vector<1x256xf32>
      %sub3A_683 = vector.broadcast %slice3A_681 : vector<50x1xf32> to vector<50x256xf32>
      %sub3A_684 = vector.broadcast %slice3A_682 : vector<1x256xf32> to vector<50x256xf32>
      %sub3A_685 = arith.subf %sub3A_683, %sub3A_684 : vector<50x256xf32>
      %abs3A_686 = math.absf %sub3A_685 : vector<50x256xf32>
      %add3A_687 = arith.addf %add3A_680, %abs3A_686 : vector<50x256xf32>
      %slice3A_688 = vector.extract_strided_slice %get3A_152 {offsets = [0, 36], sizes = [50, 1], strides = [1, 1]} : vector<50x40xf32> to vector<50x1xf32>
      %slice3A_689 = vector.extract_strided_slice %get3A_4 {offsets = [36, 256], sizes = [1, 256], strides = [1, 1]} : vector<40x1000xf32> to vector<1x256xf32>
      %sub3A_690 = vector.broadcast %slice3A_688 : vector<50x1xf32> to vector<50x256xf32>
      %sub3A_691 = vector.broadcast %slice3A_689 : vector<1x256xf32> to vector<50x256xf32>
      %sub3A_692 = arith.subf %sub3A_690, %sub3A_691 : vector<50x256xf32>
      %abs3A_693 = math.absf %sub3A_692 : vector<50x256xf32>
      %add3A_694 = arith.addf %add3A_687, %abs3A_693 : vector<50x256xf32>
      %slice3A_695 = vector.extract_strided_slice %get3A_152 {offsets = [0, 37], sizes = [50, 1], strides = [1, 1]} : vector<50x40xf32> to vector<50x1xf32>
      %slice3A_696 = vector.extract_strided_slice %get3A_4 {offsets = [37, 256], sizes = [1, 256], strides = [1, 1]} : vector<40x1000xf32> to vector<1x256xf32>
      %sub3A_697 = vector.broadcast %slice3A_695 : vector<50x1xf32> to vector<50x256xf32>
      %sub3A_698 = vector.broadcast %slice3A_696 : vector<1x256xf32> to vector<50x256xf32>
      %sub3A_699 = arith.subf %sub3A_697, %sub3A_698 : vector<50x256xf32>
      %abs3A_700 = math.absf %sub3A_699 : vector<50x256xf32>
      %add3A_701 = arith.addf %add3A_694, %abs3A_700 : vector<50x256xf32>
      %slice3A_702 = vector.extract_strided_slice %get3A_152 {offsets = [0, 38], sizes = [50, 1], strides = [1, 1]} : vector<50x40xf32> to vector<50x1xf32>
      %slice3A_703 = vector.extract_strided_slice %get3A_4 {offsets = [38, 256], sizes = [1, 256], strides = [1, 1]} : vector<40x1000xf32> to vector<1x256xf32>
      %sub3A_704 = vector.broadcast %slice3A_702 : vector<50x1xf32> to vector<50x256xf32>
      %sub3A_705 = vector.broadcast %slice3A_703 : vector<1x256xf32> to vector<50x256xf32>
      %sub3A_706 = arith.subf %sub3A_704, %sub3A_705 : vector<50x256xf32>
      %abs3A_707 = math.absf %sub3A_706 : vector<50x256xf32>
      %add3A_708 = arith.addf %add3A_701, %abs3A_707 : vector<50x256xf32>
      %slice3A_709 = vector.extract_strided_slice %get3A_152 {offsets = [0, 39], sizes = [50, 1], strides = [1, 1]} : vector<50x40xf32> to vector<50x1xf32>
      %slice3A_710 = vector.extract_strided_slice %get3A_4 {offsets = [39, 256], sizes = [1, 256], strides = [1, 1]} : vector<40x1000xf32> to vector<1x256xf32>
      %sub3A_711 = vector.broadcast %slice3A_709 : vector<50x1xf32> to vector<50x256xf32>
      %sub3A_712 = vector.broadcast %slice3A_710 : vector<1x256xf32> to vector<50x256xf32>
      %sub3A_713 = arith.subf %sub3A_711, %sub3A_712 : vector<50x256xf32>
      %abs3A_714 = math.absf %sub3A_713 : vector<50x256xf32>
      %add3A_715 = arith.addf %add3A_708, %abs3A_714 : vector<50x256xf32>
      %get3A_716 = arith.constant 0 : index
      %get3A_717 = arith.constant 256 : index
      %get3A_718 = vector.load %arg8[%get3A_716, %get3A_717] : memref<50x768xf32, #tpu.memory_space<vmem>>, vector<50x256xf32>
      %min3A_719 = arith.minimumf %get3A_718, %add3A_715 : vector<50x256xf32>
      %swap3A_720 = arith.constant 0 : index
      %swap3A_721 = arith.constant 256 : index
      %swap3A_722 = vector.load %arg8[%swap3A_720, %swap3A_721] : memref<50x768xf32, #tpu.memory_space<vmem>>, vector<50x256xf32>
      tpu.vector_store %arg8[%swap3A_720, %swap3A_721], %min3A_719 {strides = array<i32>} : memref<50x768xf32, #tpu.memory_space<vmem>>, vector<50x256xf32>,
      %slice3A_723 = vector.extract_strided_slice %get3A_152 {offsets = [0, 0], sizes = [50, 1], strides = [1, 1]} : vector<50x40xf32> to vector<50x1xf32>
      %slice3A_724 = vector.extract_strided_slice %get3A_4 {offsets = [0, 512], sizes = [1, 256], strides = [1, 1]} : vector<40x1000xf32> to vector<1x256xf32>
      %sub3A_725 = vector.broadcast %slice3A_723 : vector<50x1xf32> to vector<50x256xf32>
      %sub3A_726 = vector.broadcast %slice3A_724 : vector<1x256xf32> to vector<50x256xf32>
      %sub3A_727 = arith.subf %sub3A_725, %sub3A_726 : vector<50x256xf32>
      %abs3A_728 = math.absf %sub3A_727 : vector<50x256xf32>
      %slice3A_729 = vector.extract_strided_slice %get3A_152 {offsets = [0, 1], sizes = [50, 1], strides = [1, 1]} : vector<50x40xf32> to vector<50x1xf32>
      %slice3A_730 = vector.extract_strided_slice %get3A_4 {offsets = [1, 512], sizes = [1, 256], strides = [1, 1]} : vector<40x1000xf32> to vector<1x256xf32>
      %sub3A_731 = vector.broadcast %slice3A_729 : vector<50x1xf32> to vector<50x256xf32>
      %sub3A_732 = vector.broadcast %slice3A_730 : vector<1x256xf32> to vector<50x256xf32>
      %sub3A_733 = arith.subf %sub3A_731, %sub3A_732 : vector<50x256xf32>
      %abs3A_734 = math.absf %sub3A_733 : vector<50x256xf32>
      %add3A_735 = arith.addf %abs3A_728, %abs3A_734 : vector<50x256xf32>
      %slice3A_736 = vector.extract_strided_slice %get3A_152 {offsets = [0, 2], sizes = [50, 1], strides = [1, 1]} : vector<50x40xf32> to vector<50x1xf32>
      %slice3A_737 = vector.extract_strided_slice %get3A_4 {offsets = [2, 512], sizes = [1, 256], strides = [1, 1]} : vector<40x1000xf32> to vector<1x256xf32>
      %sub3A_738 = vector.broadcast %slice3A_736 : vector<50x1xf32> to vector<50x256xf32>
      %sub3A_739 = vector.broadcast %slice3A_737 : vector<1x256xf32> to vector<50x256xf32>
      %sub3A_740 = arith.subf %sub3A_738, %sub3A_739 : vector<50x256xf32>
      %abs3A_741 = math.absf %sub3A_740 : vector<50x256xf32>
      %add3A_742 = arith.addf %add3A_735, %abs3A_741 : vector<50x256xf32>
      %slice3A_743 = vector.extract_strided_slice %get3A_152 {offsets = [0, 3], sizes = [50, 1], strides = [1, 1]} : vector<50x40xf32> to vector<50x1xf32>
      %slice3A_744 = vector.extract_strided_slice %get3A_4 {offsets = [3, 512], sizes = [1, 256], strides = [1, 1]} : vector<40x1000xf32> to vector<1x256xf32>
      %sub3A_745 = vector.broadcast %slice3A_743 : vector<50x1xf32> to vector<50x256xf32>
      %sub3A_746 = vector.broadcast %slice3A_744 : vector<1x256xf32> to vector<50x256xf32>
      %sub3A_747 = arith.subf %sub3A_745, %sub3A_746 : vector<50x256xf32>
      %abs3A_748 = math.absf %sub3A_747 : vector<50x256xf32>
      %add3A_749 = arith.addf %add3A_742, %abs3A_748 : vector<50x256xf32>
      %slice3A_750 = vector.extract_strided_slice %get3A_152 {offsets = [0, 4], sizes = [50, 1], strides = [1, 1]} : vector<50x40xf32> to vector<50x1xf32>
      %slice3A_751 = vector.extract_strided_slice %get3A_4 {offsets = [4, 512], sizes = [1, 256], strides = [1, 1]} : vector<40x1000xf32> to vector<1x256xf32>
      %sub3A_752 = vector.broadcast %slice3A_750 : vector<50x1xf32> to vector<50x256xf32>
      %sub3A_753 = vector.broadcast %slice3A_751 : vector<1x256xf32> to vector<50x256xf32>
      %sub3A_754 = arith.subf %sub3A_752, %sub3A_753 : vector<50x256xf32>
      %abs3A_755 = math.absf %sub3A_754 : vector<50x256xf32>
      %add3A_756 = arith.addf %add3A_749, %abs3A_755 : vector<50x256xf32>
      %slice3A_757 = vector.extract_strided_slice %get3A_152 {offsets = [0, 5], sizes = [50, 1], strides = [1, 1]} : vector<50x40xf32> to vector<50x1xf32>
      %slice3A_758 = vector.extract_strided_slice %get3A_4 {offsets = [5, 512], sizes = [1, 256], strides = [1, 1]} : vector<40x1000xf32> to vector<1x256xf32>
      %sub3A_759 = vector.broadcast %slice3A_757 : vector<50x1xf32> to vector<50x256xf32>
      %sub3A_760 = vector.broadcast %slice3A_758 : vector<1x256xf32> to vector<50x256xf32>
      %sub3A_761 = arith.subf %sub3A_759, %sub3A_760 : vector<50x256xf32>
      %abs3A_762 = math.absf %sub3A_761 : vector<50x256xf32>
      %add3A_763 = arith.addf %add3A_756, %abs3A_762 : vector<50x256xf32>
      %slice3A_764 = vector.extract_strided_slice %get3A_152 {offsets = [0, 6], sizes = [50, 1], strides = [1, 1]} : vector<50x40xf32> to vector<50x1xf32>
      %slice3A_765 = vector.extract_strided_slice %get3A_4 {offsets = [6, 512], sizes = [1, 256], strides = [1, 1]} : vector<40x1000xf32> to vector<1x256xf32>
      %sub3A_766 = vector.broadcast %slice3A_764 : vector<50x1xf32> to vector<50x256xf32>
      %sub3A_767 = vector.broadcast %slice3A_765 : vector<1x256xf32> to vector<50x256xf32>
      %sub3A_768 = arith.subf %sub3A_766, %sub3A_767 : vector<50x256xf32>
      %abs3A_769 = math.absf %sub3A_768 : vector<50x256xf32>
      %add3A_770 = arith.addf %add3A_763, %abs3A_769 : vector<50x256xf32>
      %slice3A_771 = vector.extract_strided_slice %get3A_152 {offsets = [0, 7], sizes = [50, 1], strides = [1, 1]} : vector<50x40xf32> to vector<50x1xf32>
      %slice3A_772 = vector.extract_strided_slice %get3A_4 {offsets = [7, 512], sizes = [1, 256], strides = [1, 1]} : vector<40x1000xf32> to vector<1x256xf32>
      %sub3A_773 = vector.broadcast %slice3A_771 : vector<50x1xf32> to vector<50x256xf32>
      %sub3A_774 = vector.broadcast %slice3A_772 : vector<1x256xf32> to vector<50x256xf32>
      %sub3A_775 = arith.subf %sub3A_773, %sub3A_774 : vector<50x256xf32>
      %abs3A_776 = math.absf %sub3A_775 : vector<50x256xf32>
      %add3A_777 = arith.addf %add3A_770, %abs3A_776 : vector<50x256xf32>
      %slice3A_778 = vector.extract_strided_slice %get3A_152 {offsets = [0, 8], sizes = [50, 1], strides = [1, 1]} : vector<50x40xf32> to vector<50x1xf32>
      %slice3A_779 = vector.extract_strided_slice %get3A_4 {offsets = [8, 512], sizes = [1, 256], strides = [1, 1]} : vector<40x1000xf32> to vector<1x256xf32>
      %sub3A_780 = vector.broadcast %slice3A_778 : vector<50x1xf32> to vector<50x256xf32>
      %sub3A_781 = vector.broadcast %slice3A_779 : vector<1x256xf32> to vector<50x256xf32>
      %sub3A_782 = arith.subf %sub3A_780, %sub3A_781 : vector<50x256xf32>
      %abs3A_783 = math.absf %sub3A_782 : vector<50x256xf32>
      %add3A_784 = arith.addf %add3A_777, %abs3A_783 : vector<50x256xf32>
      %slice3A_785 = vector.extract_strided_slice %get3A_152 {offsets = [0, 9], sizes = [50, 1], strides = [1, 1]} : vector<50x40xf32> to vector<50x1xf32>
      %slice3A_786 = vector.extract_strided_slice %get3A_4 {offsets = [9, 512], sizes = [1, 256], strides = [1, 1]} : vector<40x1000xf32> to vector<1x256xf32>
      %sub3A_787 = vector.broadcast %slice3A_785 : vector<50x1xf32> to vector<50x256xf32>
      %sub3A_788 = vector.broadcast %slice3A_786 : vector<1x256xf32> to vector<50x256xf32>
      %sub3A_789 = arith.subf %sub3A_787, %sub3A_788 : vector<50x256xf32>
      %abs3A_790 = math.absf %sub3A_789 : vector<50x256xf32>
      %add3A_791 = arith.addf %add3A_784, %abs3A_790 : vector<50x256xf32>
      %slice3A_792 = vector.extract_strided_slice %get3A_152 {offsets = [0, 10], sizes = [50, 1], strides = [1, 1]} : vector<50x40xf32> to vector<50x1xf32>
      %slice3A_793 = vector.extract_strided_slice %get3A_4 {offsets = [10, 512], sizes = [1, 256], strides = [1, 1]} : vector<40x1000xf32> to vector<1x256xf32>
      %sub3A_794 = vector.broadcast %slice3A_792 : vector<50x1xf32> to vector<50x256xf32>
      %sub3A_795 = vector.broadcast %slice3A_793 : vector<1x256xf32> to vector<50x256xf32>
      %sub3A_796 = arith.subf %sub3A_794, %sub3A_795 : vector<50x256xf32>
      %abs3A_797 = math.absf %sub3A_796 : vector<50x256xf32>
      %add3A_798 = arith.addf %add3A_791, %abs3A_797 : vector<50x256xf32>
      %slice3A_799 = vector.extract_strided_slice %get3A_152 {offsets = [0, 11], sizes = [50, 1], strides = [1, 1]} : vector<50x40xf32> to vector<50x1xf32>
      %slice3A_800 = vector.extract_strided_slice %get3A_4 {offsets = [11, 512], sizes = [1, 256], strides = [1, 1]} : vector<40x1000xf32> to vector<1x256xf32>
      %sub3A_801 = vector.broadcast %slice3A_799 : vector<50x1xf32> to vector<50x256xf32>
      %sub3A_802 = vector.broadcast %slice3A_800 : vector<1x256xf32> to vector<50x256xf32>
      %sub3A_803 = arith.subf %sub3A_801, %sub3A_802 : vector<50x256xf32>
      %abs3A_804 = math.absf %sub3A_803 : vector<50x256xf32>
      %add3A_805 = arith.addf %add3A_798, %abs3A_804 : vector<50x256xf32>
      %slice3A_806 = vector.extract_strided_slice %get3A_152 {offsets = [0, 12], sizes = [50, 1], strides = [1, 1]} : vector<50x40xf32> to vector<50x1xf32>
      %slice3A_807 = vector.extract_strided_slice %get3A_4 {offsets = [12, 512], sizes = [1, 256], strides = [1, 1]} : vector<40x1000xf32> to vector<1x256xf32>
      %sub3A_808 = vector.broadcast %slice3A_806 : vector<50x1xf32> to vector<50x256xf32>
      %sub3A_809 = vector.broadcast %slice3A_807 : vector<1x256xf32> to vector<50x256xf32>
      %sub3A_810 = arith.subf %sub3A_808, %sub3A_809 : vector<50x256xf32>
      %abs3A_811 = math.absf %sub3A_810 : vector<50x256xf32>
      %add3A_812 = arith.addf %add3A_805, %abs3A_811 : vector<50x256xf32>
      %slice3A_813 = vector.extract_strided_slice %get3A_152 {offsets = [0, 13], sizes = [50, 1], strides = [1, 1]} : vector<50x40xf32> to vector<50x1xf32>
      %slice3A_814 = vector.extract_strided_slice %get3A_4 {offsets = [13, 512], sizes = [1, 256], strides = [1, 1]} : vector<40x1000xf32> to vector<1x256xf32>
      %sub3A_815 = vector.broadcast %slice3A_813 : vector<50x1xf32> to vector<50x256xf32>
      %sub3A_816 = vector.broadcast %slice3A_814 : vector<1x256xf32> to vector<50x256xf32>
      %sub3A_817 = arith.subf %sub3A_815, %sub3A_816 : vector<50x256xf32>
      %abs3A_818 = math.absf %sub3A_817 : vector<50x256xf32>
      %add3A_819 = arith.addf %add3A_812, %abs3A_818 : vector<50x256xf32>
      %slice3A_820 = vector.extract_strided_slice %get3A_152 {offsets = [0, 14], sizes = [50, 1], strides = [1, 1]} : vector<50x40xf32> to vector<50x1xf32>
      %slice3A_821 = vector.extract_strided_slice %get3A_4 {offsets = [14, 512], sizes = [1, 256], strides = [1, 1]} : vector<40x1000xf32> to vector<1x256xf32>
      %sub3A_822 = vector.broadcast %slice3A_820 : vector<50x1xf32> to vector<50x256xf32>
      %sub3A_823 = vector.broadcast %slice3A_821 : vector<1x256xf32> to vector<50x256xf32>
      %sub3A_824 = arith.subf %sub3A_822, %sub3A_823 : vector<50x256xf32>
      %abs3A_825 = math.absf %sub3A_824 : vector<50x256xf32>
      %add3A_826 = arith.addf %add3A_819, %abs3A_825 : vector<50x256xf32>
      %slice3A_827 = vector.extract_strided_slice %get3A_152 {offsets = [0, 15], sizes = [50, 1], strides = [1, 1]} : vector<50x40xf32> to vector<50x1xf32>
      %slice3A_828 = vector.extract_strided_slice %get3A_4 {offsets = [15, 512], sizes = [1, 256], strides = [1, 1]} : vector<40x1000xf32> to vector<1x256xf32>
      %sub3A_829 = vector.broadcast %slice3A_827 : vector<50x1xf32> to vector<50x256xf32>
      %sub3A_830 = vector.broadcast %slice3A_828 : vector<1x256xf32> to vector<50x256xf32>
      %sub3A_831 = arith.subf %sub3A_829, %sub3A_830 : vector<50x256xf32>
      %abs3A_832 = math.absf %sub3A_831 : vector<50x256xf32>
      %add3A_833 = arith.addf %add3A_826, %abs3A_832 : vector<50x256xf32>
      %slice3A_834 = vector.extract_strided_slice %get3A_152 {offsets = [0, 16], sizes = [50, 1], strides = [1, 1]} : vector<50x40xf32> to vector<50x1xf32>
      %slice3A_835 = vector.extract_strided_slice %get3A_4 {offsets = [16, 512], sizes = [1, 256], strides = [1, 1]} : vector<40x1000xf32> to vector<1x256xf32>
      %sub3A_836 = vector.broadcast %slice3A_834 : vector<50x1xf32> to vector<50x256xf32>
      %sub3A_837 = vector.broadcast %slice3A_835 : vector<1x256xf32> to vector<50x256xf32>
      %sub3A_838 = arith.subf %sub3A_836, %sub3A_837 : vector<50x256xf32>
      %abs3A_839 = math.absf %sub3A_838 : vector<50x256xf32>
      %add3A_840 = arith.addf %add3A_833, %abs3A_839 : vector<50x256xf32>
      %slice3A_841 = vector.extract_strided_slice %get3A_152 {offsets = [0, 17], sizes = [50, 1], strides = [1, 1]} : vector<50x40xf32> to vector<50x1xf32>
      %slice3A_842 = vector.extract_strided_slice %get3A_4 {offsets = [17, 512], sizes = [1, 256], strides = [1, 1]} : vector<40x1000xf32> to vector<1x256xf32>
      %sub3A_843 = vector.broadcast %slice3A_841 : vector<50x1xf32> to vector<50x256xf32>
      %sub3A_844 = vector.broadcast %slice3A_842 : vector<1x256xf32> to vector<50x256xf32>
      %sub3A_845 = arith.subf %sub3A_843, %sub3A_844 : vector<50x256xf32>
      %abs3A_846 = math.absf %sub3A_845 : vector<50x256xf32>
      %add3A_847 = arith.addf %add3A_840, %abs3A_846 : vector<50x256xf32>
      %slice3A_848 = vector.extract_strided_slice %get3A_152 {offsets = [0, 18], sizes = [50, 1], strides = [1, 1]} : vector<50x40xf32> to vector<50x1xf32>
      %slice3A_849 = vector.extract_strided_slice %get3A_4 {offsets = [18, 512], sizes = [1, 256], strides = [1, 1]} : vector<40x1000xf32> to vector<1x256xf32>
      %sub3A_850 = vector.broadcast %slice3A_848 : vector<50x1xf32> to vector<50x256xf32>
      %sub3A_851 = vector.broadcast %slice3A_849 : vector<1x256xf32> to vector<50x256xf32>
      %sub3A_852 = arith.subf %sub3A_850, %sub3A_851 : vector<50x256xf32>
      %abs3A_853 = math.absf %sub3A_852 : vector<50x256xf32>
      %add3A_854 = arith.addf %add3A_847, %abs3A_853 : vector<50x256xf32>
      %slice3A_855 = vector.extract_strided_slice %get3A_152 {offsets = [0, 19], sizes = [50, 1], strides = [1, 1]} : vector<50x40xf32> to vector<50x1xf32>
      %slice3A_856 = vector.extract_strided_slice %get3A_4 {offsets = [19, 512], sizes = [1, 256], strides = [1, 1]} : vector<40x1000xf32> to vector<1x256xf32>
      %sub3A_857 = vector.broadcast %slice3A_855 : vector<50x1xf32> to vector<50x256xf32>
      %sub3A_858 = vector.broadcast %slice3A_856 : vector<1x256xf32> to vector<50x256xf32>
      %sub3A_859 = arith.subf %sub3A_857, %sub3A_858 : vector<50x256xf32>
      %abs3A_860 = math.absf %sub3A_859 : vector<50x256xf32>
      %add3A_861 = arith.addf %add3A_854, %abs3A_860 : vector<50x256xf32>
      %slice3A_862 = vector.extract_strided_slice %get3A_152 {offsets = [0, 20], sizes = [50, 1], strides = [1, 1]} : vector<50x40xf32> to vector<50x1xf32>
      %slice3A_863 = vector.extract_strided_slice %get3A_4 {offsets = [20, 512], sizes = [1, 256], strides = [1, 1]} : vector<40x1000xf32> to vector<1x256xf32>
      %sub3A_864 = vector.broadcast %slice3A_862 : vector<50x1xf32> to vector<50x256xf32>
      %sub3A_865 = vector.broadcast %slice3A_863 : vector<1x256xf32> to vector<50x256xf32>
      %sub3A_866 = arith.subf %sub3A_864, %sub3A_865 : vector<50x256xf32>
      %abs3A_867 = math.absf %sub3A_866 : vector<50x256xf32>
      %add3A_868 = arith.addf %add3A_861, %abs3A_867 : vector<50x256xf32>
      %slice3A_869 = vector.extract_strided_slice %get3A_152 {offsets = [0, 21], sizes = [50, 1], strides = [1, 1]} : vector<50x40xf32> to vector<50x1xf32>
      %slice3A_870 = vector.extract_strided_slice %get3A_4 {offsets = [21, 512], sizes = [1, 256], strides = [1, 1]} : vector<40x1000xf32> to vector<1x256xf32>
      %sub3A_871 = vector.broadcast %slice3A_869 : vector<50x1xf32> to vector<50x256xf32>
      %sub3A_872 = vector.broadcast %slice3A_870 : vector<1x256xf32> to vector<50x256xf32>
      %sub3A_873 = arith.subf %sub3A_871, %sub3A_872 : vector<50x256xf32>
      %abs3A_874 = math.absf %sub3A_873 : vector<50x256xf32>
      %add3A_875 = arith.addf %add3A_868, %abs3A_874 : vector<50x256xf32>
      %slice3A_876 = vector.extract_strided_slice %get3A_152 {offsets = [0, 22], sizes = [50, 1], strides = [1, 1]} : vector<50x40xf32> to vector<50x1xf32>
      %slice3A_877 = vector.extract_strided_slice %get3A_4 {offsets = [22, 512], sizes = [1, 256], strides = [1, 1]} : vector<40x1000xf32> to vector<1x256xf32>
      %sub3A_878 = vector.broadcast %slice3A_876 : vector<50x1xf32> to vector<50x256xf32>
      %sub3A_879 = vector.broadcast %slice3A_877 : vector<1x256xf32> to vector<50x256xf32>
      %sub3A_880 = arith.subf %sub3A_878, %sub3A_879 : vector<50x256xf32>
      %abs3A_881 = math.absf %sub3A_880 : vector<50x256xf32>
      %add3A_882 = arith.addf %add3A_875, %abs3A_881 : vector<50x256xf32>
      %slice3A_883 = vector.extract_strided_slice %get3A_152 {offsets = [0, 23], sizes = [50, 1], strides = [1, 1]} : vector<50x40xf32> to vector<50x1xf32>
      %slice3A_884 = vector.extract_strided_slice %get3A_4 {offsets = [23, 512], sizes = [1, 256], strides = [1, 1]} : vector<40x1000xf32> to vector<1x256xf32>
      %sub3A_885 = vector.broadcast %slice3A_883 : vector<50x1xf32> to vector<50x256xf32>
      %sub3A_886 = vector.broadcast %slice3A_884 : vector<1x256xf32> to vector<50x256xf32>
      %sub3A_887 = arith.subf %sub3A_885, %sub3A_886 : vector<50x256xf32>
      %abs3A_888 = math.absf %sub3A_887 : vector<50x256xf32>
      %add3A_889 = arith.addf %add3A_882, %abs3A_888 : vector<50x256xf32>
      %slice3A_890 = vector.extract_strided_slice %get3A_152 {offsets = [0, 24], sizes = [50, 1], strides = [1, 1]} : vector<50x40xf32> to vector<50x1xf32>
      %slice3A_891 = vector.extract_strided_slice %get3A_4 {offsets = [24, 512], sizes = [1, 256], strides = [1, 1]} : vector<40x1000xf32> to vector<1x256xf32>
      %sub3A_892 = vector.broadcast %slice3A_890 : vector<50x1xf32> to vector<50x256xf32>
      %sub3A_893 = vector.broadcast %slice3A_891 : vector<1x256xf32> to vector<50x256xf32>
      %sub3A_894 = arith.subf %sub3A_892, %sub3A_893 : vector<50x256xf32>
      %abs3A_895 = math.absf %sub3A_894 : vector<50x256xf32>
      %add3A_896 = arith.addf %add3A_889, %abs3A_895 : vector<50x256xf32>
      %slice3A_897 = vector.extract_strided_slice %get3A_152 {offsets = [0, 25], sizes = [50, 1], strides = [1, 1]} : vector<50x40xf32> to vector<50x1xf32>
      %slice3A_898 = vector.extract_strided_slice %get3A_4 {offsets = [25, 512], sizes = [1, 256], strides = [1, 1]} : vector<40x1000xf32> to vector<1x256xf32>
      %sub3A_899 = vector.broadcast %slice3A_897 : vector<50x1xf32> to vector<50x256xf32>
      %sub3A_900 = vector.broadcast %slice3A_898 : vector<1x256xf32> to vector<50x256xf32>
      %sub3A_901 = arith.subf %sub3A_899, %sub3A_900 : vector<50x256xf32>
      %abs3A_902 = math.absf %sub3A_901 : vector<50x256xf32>
      %add3A_903 = arith.addf %add3A_896, %abs3A_902 : vector<50x256xf32>
      %slice3A_904 = vector.extract_strided_slice %get3A_152 {offsets = [0, 26], sizes = [50, 1], strides = [1, 1]} : vector<50x40xf32> to vector<50x1xf32>
      %slice3A_905 = vector.extract_strided_slice %get3A_4 {offsets = [26, 512], sizes = [1, 256], strides = [1, 1]} : vector<40x1000xf32> to vector<1x256xf32>
      %sub3A_906 = vector.broadcast %slice3A_904 : vector<50x1xf32> to vector<50x256xf32>
      %sub3A_907 = vector.broadcast %slice3A_905 : vector<1x256xf32> to vector<50x256xf32>
      %sub3A_908 = arith.subf %sub3A_906, %sub3A_907 : vector<50x256xf32>
      %abs3A_909 = math.absf %sub3A_908 : vector<50x256xf32>
      %add3A_910 = arith.addf %add3A_903, %abs3A_909 : vector<50x256xf32>
      %slice3A_911 = vector.extract_strided_slice %get3A_152 {offsets = [0, 27], sizes = [50, 1], strides = [1, 1]} : vector<50x40xf32> to vector<50x1xf32>
      %slice3A_912 = vector.extract_strided_slice %get3A_4 {offsets = [27, 512], sizes = [1, 256], strides = [1, 1]} : vector<40x1000xf32> to vector<1x256xf32>
      %sub3A_913 = vector.broadcast %slice3A_911 : vector<50x1xf32> to vector<50x256xf32>
      %sub3A_914 = vector.broadcast %slice3A_912 : vector<1x256xf32> to vector<50x256xf32>
      %sub3A_915 = arith.subf %sub3A_913, %sub3A_914 : vector<50x256xf32>
      %abs3A_916 = math.absf %sub3A_915 : vector<50x256xf32>
      %add3A_917 = arith.addf %add3A_910, %abs3A_916 : vector<50x256xf32>
      %slice3A_918 = vector.extract_strided_slice %get3A_152 {offsets = [0, 28], sizes = [50, 1], strides = [1, 1]} : vector<50x40xf32> to vector<50x1xf32>
      %slice3A_919 = vector.extract_strided_slice %get3A_4 {offsets = [28, 512], sizes = [1, 256], strides = [1, 1]} : vector<40x1000xf32> to vector<1x256xf32>
      %sub3A_920 = vector.broadcast %slice3A_918 : vector<50x1xf32> to vector<50x256xf32>
      %sub3A_921 = vector.broadcast %slice3A_919 : vector<1x256xf32> to vector<50x256xf32>
      %sub3A_922 = arith.subf %sub3A_920, %sub3A_921 : vector<50x256xf32>
      %abs3A_923 = math.absf %sub3A_922 : vector<50x256xf32>
      %add3A_924 = arith.addf %add3A_917, %abs3A_923 : vector<50x256xf32>
      %slice3A_925 = vector.extract_strided_slice %get3A_152 {offsets = [0, 29], sizes = [50, 1], strides = [1, 1]} : vector<50x40xf32> to vector<50x1xf32>
      %slice3A_926 = vector.extract_strided_slice %get3A_4 {offsets = [29, 512], sizes = [1, 256], strides = [1, 1]} : vector<40x1000xf32> to vector<1x256xf32>
      %sub3A_927 = vector.broadcast %slice3A_925 : vector<50x1xf32> to vector<50x256xf32>
      %sub3A_928 = vector.broadcast %slice3A_926 : vector<1x256xf32> to vector<50x256xf32>
      %sub3A_929 = arith.subf %sub3A_927, %sub3A_928 : vector<50x256xf32>
      %abs3A_930 = math.absf %sub3A_929 : vector<50x256xf32>
      %add3A_931 = arith.addf %add3A_924, %abs3A_930 : vector<50x256xf32>
      %slice3A_932 = vector.extract_strided_slice %get3A_152 {offsets = [0, 30], sizes = [50, 1], strides = [1, 1]} : vector<50x40xf32> to vector<50x1xf32>
      %slice3A_933 = vector.extract_strided_slice %get3A_4 {offsets = [30, 512], sizes = [1, 256], strides = [1, 1]} : vector<40x1000xf32> to vector<1x256xf32>
      %sub3A_934 = vector.broadcast %slice3A_932 : vector<50x1xf32> to vector<50x256xf32>
      %sub3A_935 = vector.broadcast %slice3A_933 : vector<1x256xf32> to vector<50x256xf32>
      %sub3A_936 = arith.subf %sub3A_934, %sub3A_935 : vector<50x256xf32>
      %abs3A_937 = math.absf %sub3A_936 : vector<50x256xf32>
      %add3A_938 = arith.addf %add3A_931, %abs3A_937 : vector<50x256xf32>
      %slice3A_939 = vector.extract_strided_slice %get3A_152 {offsets = [0, 31], sizes = [50, 1], strides = [1, 1]} : vector<50x40xf32> to vector<50x1xf32>
      %slice3A_940 = vector.extract_strided_slice %get3A_4 {offsets = [31, 512], sizes = [1, 256], strides = [1, 1]} : vector<40x1000xf32> to vector<1x256xf32>
      %sub3A_941 = vector.broadcast %slice3A_939 : vector<50x1xf32> to vector<50x256xf32>
      %sub3A_942 = vector.broadcast %slice3A_940 : vector<1x256xf32> to vector<50x256xf32>
      %sub3A_943 = arith.subf %sub3A_941, %sub3A_942 : vector<50x256xf32>
      %abs3A_944 = math.absf %sub3A_943 : vector<50x256xf32>
      %add3A_945 = arith.addf %add3A_938, %abs3A_944 : vector<50x256xf32>
      %slice3A_946 = vector.extract_strided_slice %get3A_152 {offsets = [0, 32], sizes = [50, 1], strides = [1, 1]} : vector<50x40xf32> to vector<50x1xf32>
      %slice3A_947 = vector.extract_strided_slice %get3A_4 {offsets = [32, 512], sizes = [1, 256], strides = [1, 1]} : vector<40x1000xf32> to vector<1x256xf32>
      %sub3A_948 = vector.broadcast %slice3A_946 : vector<50x1xf32> to vector<50x256xf32>
      %sub3A_949 = vector.broadcast %slice3A_947 : vector<1x256xf32> to vector<50x256xf32>
      %sub3A_950 = arith.subf %sub3A_948, %sub3A_949 : vector<50x256xf32>
      %abs3A_951 = math.absf %sub3A_950 : vector<50x256xf32>
      %add3A_952 = arith.addf %add3A_945, %abs3A_951 : vector<50x256xf32>
      %slice3A_953 = vector.extract_strided_slice %get3A_152 {offsets = [0, 33], sizes = [50, 1], strides = [1, 1]} : vector<50x40xf32> to vector<50x1xf32>
      %slice3A_954 = vector.extract_strided_slice %get3A_4 {offsets = [33, 512], sizes = [1, 256], strides = [1, 1]} : vector<40x1000xf32> to vector<1x256xf32>
      %sub3A_955 = vector.broadcast %slice3A_953 : vector<50x1xf32> to vector<50x256xf32>
      %sub3A_956 = vector.broadcast %slice3A_954 : vector<1x256xf32> to vector<50x256xf32>
      %sub3A_957 = arith.subf %sub3A_955, %sub3A_956 : vector<50x256xf32>
      %abs3A_958 = math.absf %sub3A_957 : vector<50x256xf32>
      %add3A_959 = arith.addf %add3A_952, %abs3A_958 : vector<50x256xf32>
      %slice3A_960 = vector.extract_strided_slice %get3A_152 {offsets = [0, 34], sizes = [50, 1], strides = [1, 1]} : vector<50x40xf32> to vector<50x1xf32>
      %slice3A_961 = vector.extract_strided_slice %get3A_4 {offsets = [34, 512], sizes = [1, 256], strides = [1, 1]} : vector<40x1000xf32> to vector<1x256xf32>
      %sub3A_962 = vector.broadcast %slice3A_960 : vector<50x1xf32> to vector<50x256xf32>
      %sub3A_963 = vector.broadcast %slice3A_961 : vector<1x256xf32> to vector<50x256xf32>
      %sub3A_964 = arith.subf %sub3A_962, %sub3A_963 : vector<50x256xf32>
      %abs3A_965 = math.absf %sub3A_964 : vector<50x256xf32>
      %add3A_966 = arith.addf %add3A_959, %abs3A_965 : vector<50x256xf32>
      %slice3A_967 = vector.extract_strided_slice %get3A_152 {offsets = [0, 35], sizes = [50, 1], strides = [1, 1]} : vector<50x40xf32> to vector<50x1xf32>
      %slice3A_968 = vector.extract_strided_slice %get3A_4 {offsets = [35, 512], sizes = [1, 256], strides = [1, 1]} : vector<40x1000xf32> to vector<1x256xf32>
      %sub3A_969 = vector.broadcast %slice3A_967 : vector<50x1xf32> to vector<50x256xf32>
      %sub3A_970 = vector.broadcast %slice3A_968 : vector<1x256xf32> to vector<50x256xf32>
      %sub3A_971 = arith.subf %sub3A_969, %sub3A_970 : vector<50x256xf32>
      %abs3A_972 = math.absf %sub3A_971 : vector<50x256xf32>
      %add3A_973 = arith.addf %add3A_966, %abs3A_972 : vector<50x256xf32>
      %slice3A_974 = vector.extract_strided_slice %get3A_152 {offsets = [0, 36], sizes = [50, 1], strides = [1, 1]} : vector<50x40xf32> to vector<50x1xf32>
      %slice3A_975 = vector.extract_strided_slice %get3A_4 {offsets = [36, 512], sizes = [1, 256], strides = [1, 1]} : vector<40x1000xf32> to vector<1x256xf32>
      %sub3A_976 = vector.broadcast %slice3A_974 : vector<50x1xf32> to vector<50x256xf32>
      %sub3A_977 = vector.broadcast %slice3A_975 : vector<1x256xf32> to vector<50x256xf32>
      %sub3A_978 = arith.subf %sub3A_976, %sub3A_977 : vector<50x256xf32>
      %abs3A_979 = math.absf %sub3A_978 : vector<50x256xf32>
      %add3A_980 = arith.addf %add3A_973, %abs3A_979 : vector<50x256xf32>
      %slice3A_981 = vector.extract_strided_slice %get3A_152 {offsets = [0, 37], sizes = [50, 1], strides = [1, 1]} : vector<50x40xf32> to vector<50x1xf32>
      %slice3A_982 = vector.extract_strided_slice %get3A_4 {offsets = [37, 512], sizes = [1, 256], strides = [1, 1]} : vector<40x1000xf32> to vector<1x256xf32>
      %sub3A_983 = vector.broadcast %slice3A_981 : vector<50x1xf32> to vector<50x256xf32>
      %sub3A_984 = vector.broadcast %slice3A_982 : vector<1x256xf32> to vector<50x256xf32>
      %sub3A_985 = arith.subf %sub3A_983, %sub3A_984 : vector<50x256xf32>
      %abs3A_986 = math.absf %sub3A_985 : vector<50x256xf32>
      %add3A_987 = arith.addf %add3A_980, %abs3A_986 : vector<50x256xf32>
      %slice3A_988 = vector.extract_strided_slice %get3A_152 {offsets = [0, 38], sizes = [50, 1], strides = [1, 1]} : vector<50x40xf32> to vector<50x1xf32>
      %slice3A_989 = vector.extract_strided_slice %get3A_4 {offsets = [38, 512], sizes = [1, 256], strides = [1, 1]} : vector<40x1000xf32> to vector<1x256xf32>
      %sub3A_990 = vector.broadcast %slice3A_988 : vector<50x1xf32> to vector<50x256xf32>
      %sub3A_991 = vector.broadcast %slice3A_989 : vector<1x256xf32> to vector<50x256xf32>
      %sub3A_992 = arith.subf %sub3A_990, %sub3A_991 : vector<50x256xf32>
      %abs3A_993 = math.absf %sub3A_992 : vector<50x256xf32>
      %add3A_994 = arith.addf %add3A_987, %abs3A_993 : vector<50x256xf32>
      %slice3A_995 = vector.extract_strided_slice %get3A_152 {offsets = [0, 39], sizes = [50, 1], strides = [1, 1]} : vector<50x40xf32> to vector<50x1xf32>
      %slice3A_996 = vector.extract_strided_slice %get3A_4 {offsets = [39, 512], sizes = [1, 256], strides = [1, 1]} : vector<40x1000xf32> to vector<1x256xf32>
      %sub3A_997 = vector.broadcast %slice3A_995 : vector<50x1xf32> to vector<50x256xf32>
      %sub3A_998 = vector.broadcast %slice3A_996 : vector<1x256xf32> to vector<50x256xf32>
      %sub3A_999 = arith.subf %sub3A_997, %sub3A_998 : vector<50x256xf32>
      %abs3A_1000 = math.absf %sub3A_999 : vector<50x256xf32>
      %add3A_1001 = arith.addf %add3A_994, %abs3A_1000 : vector<50x256xf32>
      %get3A_1002 = arith.constant 0 : index
      %get3A_1003 = arith.constant 512 : index
      %get3A_1004 = vector.load %arg8[%get3A_1002, %get3A_1003] : memref<50x768xf32, #tpu.memory_space<vmem>>, vector<50x256xf32>
      %min3A_1005 = arith.minimumf %get3A_1004, %add3A_1001 : vector<50x256xf32>
      %swap3A_1006 = arith.constant 0 : index
      %swap3A_1007 = arith.constant 512 : index
      %swap3A_1008 = vector.load %arg8[%swap3A_1006, %swap3A_1007] : memref<50x768xf32, #tpu.memory_space<vmem>>, vector<50x256xf32>
      tpu.vector_store %arg8[%swap3A_1006, %swap3A_1007], %min3A_1005 {strides = array<i32>} : memref<50x768xf32, #tpu.memory_space<vmem>>, vector<50x256xf32>,
    }
    %scan3A_11 = arith.constant 20 : i32
    %get3A_12 = arith.constant 0 : index
    %get3A_13 = arith.constant 0 : index
    %get3A_14 = vector.load %arg8[%get3A_12, %get3A_13] : memref<50x768xf32, #tpu.memory_space<vmem>>, vector<50x768xf32>
    %get3A_15 = arith.constant 0 : index
    %get3A_16 = arith.constant 0 : index
    %get3A_17 = arith.constant 0 : index
    %get3A_18 = arith.constant 0 : index
    %get3A_19 = vector.load %arg4[%get3A_15, %get3A_16, %get3A_17, %get3A_18] : memref<1x1x3x1000xf32, #tpu.memory_space<vmem>>, vector<1x1x3x1000xf32>
    %get3A_20 = vector.shape_cast %get3A_19 : vector<1x1x3x1000xf32> to vector<3x1000xf32>
    %logistic3A = arith.negf %get3A_20 : vector<3x1000xf32>
    %logistic3A_21 = math.exp %logistic3A : vector<3x1000xf32>
    %logistic3A_22 = arith.constant 1.000000e+00 : f32
    %logistic3A_23 = vector.broadcast %logistic3A_22 : f32 to vector<3x1000xf32>
    %logistic3A_24 = arith.addf %logistic3A_23, %logistic3A_21 : vector<3x1000xf32>
    %logistic3A_25 = arith.divf %logistic3A_23, %logistic3A_24 : vector<3x1000xf32>
    %sub3A = arith.constant 1.000000e+00 : f32
    %sub3A_26 = vector.broadcast %sub3A : f32 to vector<3x1000xf32>
    %sub3A_27 = arith.subf %sub3A_26, %logistic3A_25 : vector<3x1000xf32>
    %mul3A = arith.mulf %sub3A_27, %sub3A_27 : vector<3x1000xf32>
    %mul3A_28 = arith.constant 2.500000e-01 : f32
    %mul3A_29 = vector.broadcast %mul3A_28 : f32 to vector<3x1000xf32>
    %mul3A_30 = arith.mulf %mul3A_29, %mul3A : vector<3x1000xf32>
    %add3A = arith.constant 9.99999993E-9 : f32
    %add3A_31 = vector.broadcast %add3A : f32 to vector<3x1000xf32>
    %add3A_32 = arith.addf %logistic3A_25, %add3A_31 : vector<3x1000xf32>
    %log3A = math.log %add3A_32 : vector<3x1000xf32>
    %neg3A = arith.constant 0.000000e+00 : f32
    %neg3A_33 = vector.broadcast %neg3A : f32 to vector<3x1000xf32>
    %neg3A_34 = arith.subf %neg3A_33, %log3A : vector<3x1000xf32>
    %mul3A_35 = arith.mulf %mul3A_30, %neg3A_34 : vector<3x1000xf32>
    %mul3A_36 = arith.mulf %logistic3A_25, %logistic3A_25 : vector<3x1000xf32>
    %mul3A_37 = arith.constant 7.500000e-01 : f32
    %mul3A_38 = vector.broadcast %mul3A_37 : f32 to vector<3x1000xf32>
    %mul3A_39 = arith.mulf %mul3A_38, %mul3A_36 : vector<3x1000xf32>
    %add3A_40 = arith.constant 9.99999993E-9 : f32
    %add3A_41 = vector.broadcast %add3A_40 : f32 to vector<3x1000xf32>
    %add3A_42 = arith.addf %sub3A_27, %add3A_41 : vector<3x1000xf32>
    %log3A_43 = math.log %add3A_42 : vector<3x1000xf32>
    %neg3A_44 = arith.constant 0.000000e+00 : f32
    %neg3A_45 = vector.broadcast %neg3A_44 : f32 to vector<3x1000xf32>
    %neg3A_46 = arith.subf %neg3A_45, %log3A_43 : vector<3x1000xf32>
    %mul3A_47 = arith.mulf %mul3A_39, %neg3A_46 : vector<3x1000xf32>
    %sub3A_48 = arith.subf %mul3A_35, %mul3A_47 : vector<3x1000xf32>
    %get3A_49 = arith.constant 0 : index
    %get3A_50 = arith.constant 0 : index
    %get3A_51 = arith.constant 0 : index
    %get3A_52 = vector.load %arg5[%get3A_49, %get3A_50, %get3A_51] : memref<1x50x3xf32, #tpu.memory_space<vmem>>, vector<1x50x3xf32>
    %get3A_53 = vector.shape_cast %get3A_52 : vector<1x50x3xf32> to vector<50x3xf32>
    %slice3A = vector.extract_strided_slice %get3A_53 {offsets = [0, 0], sizes = [50, 1], strides = [1, 1]} : vector<50x3xf32> to vector<50x1xf32>
    %slice3A_54 = vector.extract_strided_slice %sub3A_48 {offsets = [0, 0], sizes = [1, 1000], strides = [1, 1]} : vector<3x1000xf32> to vector<1x1000xf32>
    %mul3A_55 = vector.broadcast %slice3A : vector<50x1xf32> to vector<50x1000xf32>
    %mul3A_56 = vector.broadcast %slice3A_54 : vector<1x1000xf32> to vector<50x1000xf32>
    %mul3A_57 = arith.mulf %mul3A_55, %mul3A_56 : vector<50x1000xf32>
    %slice3A_58 = vector.extract_strided_slice %get3A_53 {offsets = [0, 1], sizes = [50, 1], strides = [1, 1]} : vector<50x3xf32> to vector<50x1xf32>
    %slice3A_59 = vector.extract_strided_slice %sub3A_48 {offsets = [1, 0], sizes = [1, 1000], strides = [1, 1]} : vector<3x1000xf32> to vector<1x1000xf32>
    %mul3A_60 = vector.broadcast %slice3A_58 : vector<50x1xf32> to vector<50x1000xf32>
    %mul3A_61 = vector.broadcast %slice3A_59 : vector<1x1000xf32> to vector<50x1000xf32>
    %mul3A_62 = arith.mulf %mul3A_60, %mul3A_61 : vector<50x1000xf32>
    %add3A_63 = arith.addf %mul3A_57, %mul3A_62 : vector<50x1000xf32>
    %slice3A_64 = vector.extract_strided_slice %get3A_53 {offsets = [0, 2], sizes = [50, 1], strides = [1, 1]} : vector<50x3xf32> to vector<50x1xf32>
    %slice3A_65 = vector.extract_strided_slice %sub3A_48 {offsets = [2, 0], sizes = [1, 1000], strides = [1, 1]} : vector<3x1000xf32> to vector<1x1000xf32>
    %mul3A_66 = vector.broadcast %slice3A_64 : vector<50x1xf32> to vector<50x1000xf32>
    %mul3A_67 = vector.broadcast %slice3A_65 : vector<1x1000xf32> to vector<50x1000xf32>
    %mul3A_68 = arith.mulf %mul3A_66, %mul3A_67 : vector<50x1000xf32>
    %add3A_69 = arith.addf %add3A_63, %mul3A_68 : vector<50x1000xf32>
    %slice3A_70 = vector.extract_strided_slice %add3A_69 {offsets = [0, 0], sizes = [50, 768], strides = [1, 1]} : vector<50x1000xf32> to vector<50x768xf32>
    %mul3A_71 = arith.constant 2.000000e+00 : f32
    %mul3A_72 = vector.broadcast %mul3A_71 : f32 to vector<50x768xf32>
    %mul3A_73 = arith.mulf %slice3A_70, %mul3A_72 : vector<50x768xf32>
    %mul3A_74 = arith.constant 5.000000e+00 : f32
    %mul3A_75 = vector.broadcast %mul3A_74 : f32 to vector<50x768xf32>
    %mul3A_76 = arith.mulf %get3A_14, %mul3A_75 : vector<50x768xf32>
    %add3A_77 = arith.addf %mul3A_73, %mul3A_76 : vector<50x768xf32>
    %reduce_min3A = arith.constant dense<0x7F800000> : vector<50xf32>
    %reduce_min3A_78 = vector.multi_reduction <minimumf>, %add3A_77, %reduce_min3A [1] : vector<50x768xf32> to vector<50xf32>
    %broadcast_in_dim3A_79 = vector.shape_cast %reduce_min3A_78 : vector<50xf32> to vector<50x1xf32>
    %iota3A = tpu.iota {dimensions = array<i32: 1>} : vector<50x768xi32>
    %eq3A = vector.broadcast %broadcast_in_dim3A_79 : vector<50x1xf32> to vector<50x768xf32>
    %eq3A_80 = arith.cmpf oeq, %add3A_77, %eq3A : vector<50x768xf32>
    %jit3A = arith.constant 768 : i32
    %broadcast_in_dim3A_81 = vector.broadcast %jit3A : i32 to vector<50x768xi32>
    %select_n3A = arith.select %eq3A_80, %iota3A, %broadcast_in_dim3A_81 : vector<50x768xi1>, vector<50x768xi32>
    %reduce_min3A_82 = arith.constant dense<2147483647> : vector<50xi32>
    %reduce_min3A_83 = vector.multi_reduction <minsi>, %select_n3A, %reduce_min3A_82 [1] : vector<50x768xi32> to vector<50xi32>
    %broadcast_in_dim3A_84 = vector.shape_cast %reduce_min3A_83 : vector<50xi32> to vector<50x1xi32>
    %eq3A_85 = vector.broadcast %broadcast_in_dim3A_84 : vector<50x1xi32> to vector<50x768xi32>
    %eq3A_86 = arith.cmpi eq, %iota3A, %eq3A_85 : vector<50x768xi32>
    %jit3A_87 = arith.constant 0.000000e+00 : f32
    %broadcast_in_dim3A_88 = vector.broadcast %jit3A_87 : f32 to vector<50x768xf32>
    %select_n3A_89 = arith.select %eq3A_86, %get3A_14, %broadcast_in_dim3A_88 : vector<50x768xi1>, vector<50x768xf32>
    %reduce_sum3A = arith.constant dense<0.000000e+00> : vector<50xf32>
    %reduce_sum3A_90 = vector.multi_reduction <add>, %select_n3A_89, %reduce_sum3A [1] : vector<50x768xf32> to vector<50xf32>
    %broadcast_in_dim3A_91 = vector.shape_cast %reduce_sum3A_90 : vector<50xf32> to vector<50x1xf32>
    %reduce_sum3A_92 = vector.shape_cast %mul3A_47 : vector<3x1000xf32> to vector<1x3x1000xf32>
    %reduce_sum3A_93 = arith.constant dense<0.000000e+00> : vector<1xf32>
    %reduce_sum3A_94 = vector.multi_reduction <add>, %reduce_sum3A_92, %reduce_sum3A_93 [1, 2] : vector<1x3x1000xf32> to vector<1xf32>
    %reduce_sum3A_95 = vector.shape_cast %reduce_sum3A_94 : vector<1xf32> to vector<1x1x1xf32>
    %reduce_sum3A_96 = vector.extract %reduce_sum3A_95[0, 0, 0] : f32 from vector<1x1x1xf32>
    %iota3A_97 = tpu.iota {dimensions = array<i32: 0>} : vector<8x128xi32>
    %eq3A_98 = arith.constant 3 : i32
    %eq3A_99 = vector.broadcast %eq3A_98 : i32 to vector<8x128xi32>
    %eq3A_100 = arith.cmpi eq, %iota3A_97, %eq3A_99 : vector<8x128xi32>
    %jit3A_101 = arith.constant 0.000000e+00 : f32
    %broadcast_in_dim3A_102 = vector.broadcast %reduce_sum3A_96 : f32 to vector<8x128xf32>
    %broadcast_in_dim3A_103 = vector.broadcast %jit3A_101 : f32 to vector<8x128xf32>
    %select_n3A_104 = arith.select %eq3A_100, %broadcast_in_dim3A_102, %broadcast_in_dim3A_103 : vector<8x128xi1>, vector<8x128xf32>
    %swap3A_105 = arith.constant 0 : index
    %swap3A_106 = arith.constant 0 : index
    %swap3A_107 = arith.constant 0 : index
    %swap3A_108 = arith.constant 0 : index
    %swap3A_109 = vector.load %arg6[%swap3A_105, %swap3A_106, %swap3A_107, %swap3A_108] : memref<1x1x8x128xf32, #tpu.memory_space<vmem>>, vector<1x1x8x128xf32>
    %swap3A_110 = vector.shape_cast %swap3A_109 : vector<1x1x8x128xf32> to vector<8x128xf32>
    %swap3A_111 = vector.shape_cast %select_n3A_104 : vector<8x128xf32> to vector<1x1x8x128xf32>
    tpu.vector_store %arg6[%swap3A_105, %swap3A_106, %swap3A_107, %swap3A_108], %swap3A_111 {strides = array<i32>} : memref<1x1x8x128xf32, #tpu.memory_space<vmem>>, vector<1x1x8x128xf32>,
    %iota3A_112 = tpu.iota {dimensions = array<i32: 1>} : vector<50x8xi32>
    %eq3A_113 = arith.constant 0 : i32
    %eq3A_114 = vector.broadcast %eq3A_113 : i32 to vector<50x8xi32>
    %eq3A_115 = arith.cmpi eq, %iota3A_112, %eq3A_114 : vector<50x8xi32>
    %jit3A_116 = arith.constant 0.000000e+00 : f32
    %broadcast_in_dim3A_117 = vector.shape_cast %broadcast_in_dim3A_79 : vector<50x1xf32> to vector<50x1xf32>
    %broadcast_in_dim3A_118 = vector.broadcast %broadcast_in_dim3A_117 : vector<50x1xf32> to vector<50x8xf32>
    %broadcast_in_dim3A_119 = vector.broadcast %jit3A_116 : f32 to vector<50x8xf32>
    %select_n3A_120 = arith.select %eq3A_115, %broadcast_in_dim3A_118, %broadcast_in_dim3A_119 : vector<50x8xi1>, vector<50x8xf32>
    %eq3A_121 = arith.constant 1 : i32
    %eq3A_122 = vector.broadcast %eq3A_121 : i32 to vector<50x8xi32>
    %eq3A_123 = arith.cmpi eq, %iota3A_112, %eq3A_122 : vector<50x8xi32>
    %convert_element_type3A = arith.sitofp %broadcast_in_dim3A_84 : vector<50x1xi32> to vector<50x1xf32>
    %jit3A_124 = arith.constant 0.000000e+00 : f32
    %broadcast_in_dim3A_125 = vector.shape_cast %convert_element_type3A : vector<50x1xf32> to vector<50x1xf32>
    %broadcast_in_dim3A_126 = vector.broadcast %broadcast_in_dim3A_125 : vector<50x1xf32> to vector<50x8xf32>
    %broadcast_in_dim3A_127 = vector.broadcast %jit3A_124 : f32 to vector<50x8xf32>
    %select_n3A_128 = arith.select %eq3A_123, %broadcast_in_dim3A_126, %broadcast_in_dim3A_127 : vector<50x8xi1>, vector<50x8xf32>
    %add3A_129 = arith.addf %select_n3A_120, %select_n3A_128 : vector<50x8xf32>
    %eq3A_130 = arith.constant 2 : i32
    %eq3A_131 = vector.broadcast %eq3A_130 : i32 to vector<50x8xi32>
    %eq3A_132 = arith.cmpi eq, %iota3A_112, %eq3A_131 : vector<50x8xi32>
    %jit3A_133 = arith.constant 0.000000e+00 : f32
    %broadcast_in_dim3A_134 = vector.shape_cast %broadcast_in_dim3A_91 : vector<50x1xf32> to vector<50x1xf32>
    %broadcast_in_dim3A_135 = vector.broadcast %broadcast_in_dim3A_134 : vector<50x1xf32> to vector<50x8xf32>
    %broadcast_in_dim3A_136 = vector.broadcast %jit3A_133 : f32 to vector<50x8xf32>
    %select_n3A_137 = arith.select %eq3A_132, %broadcast_in_dim3A_135, %broadcast_in_dim3A_136 : vector<50x8xi1>, vector<50x8xf32>
    %add3A_138 = arith.addf %add3A_129, %select_n3A_137 : vector<50x8xf32>
    %swap3A_139 = arith.constant 0 : index
    %swap3A_140 = arith.constant 0 : index
    %swap3A_141 = arith.constant 0 : index
    %swap3A_142 = arith.constant 0 : index
    %swap3A_143 = vector.load %arg7[%swap3A_139, %swap3A_140, %swap3A_141, %swap3A_142] : memref<1x1x50x8xf32, #tpu.memory_space<vmem>>, vector<1x1x50x8xf32>
    %swap3A_144 = vector.shape_cast %swap3A_143 : vector<1x1x50x8xf32> to vector<50x8xf32>
    %swap3A_145 = vector.shape_cast %add3A_138 : vector<50x8xf32> to vector<1x1x50x8xf32>
    tpu.vector_store %arg7[%swap3A_139, %swap3A_140, %swap3A_141, %swap3A_142], %swap3A_145 {strides = array<i32>} : memref<1x1x50x8xf32, #tpu.memory_space<vmem>>, vector<1x1x50x8xf32>,
    return
  }
  func.func @transform_0(%arg0: i32, %arg1: i32) -> (i32, i32, i32, i32) {
    %c0_i32 = arith.constant 0 : i32
    %c0_i32_0 = arith.constant 0 : i32
    %c0_i32_1 = arith.constant 0 : i32
    return %arg1, %arg0, %c0_i32, %c0_i32_0 : i32, i32, i32, i32
  }
  func.func @transform_1(%arg0: i32, %arg1: i32) -> (i32, i32, i32, i32) {
    %c0_i32 = arith.constant 0 : i32
    %c0_i32_0 = arith.constant 0 : i32
    %c0_i32_1 = arith.constant 0 : i32
    %c0_i32_2 = arith.constant 0 : i32
    return %arg0, %c0_i32, %c0_i32_0, %c0_i32_1 : i32, i32, i32, i32
  }
  func.func @transform_2(%arg0: i32, %arg1: i32) -> (i32, i32, i32, i32) {
    %c0_i32 = arith.constant 0 : i32
    %c0_i32_0 = arith.constant 0 : i32
    %c0_i32_1 = arith.constant 0 : i32
    return %arg1, %arg0, %c0_i32, %c0_i32_0 : i32, i32, i32, i32
  }
  func.func @transform_3(%arg0: i32, %arg1: i32) -> (i32, i32, i32) {
    %c0_i32 = arith.constant 0 : i32
    %c0_i32_0 = arith.constant 0 : i32
    %c0_i32_1 = arith.constant 0 : i32
    return %arg0, %c0_i32, %c0_i32_0 : i32, i32, i32
  }
  func.func @transform_4(%arg0: i32, %arg1: i32) -> (i32, i32, i32, i32) {
    %c0_i32 = arith.constant 0 : i32
    %c0_i32_0 = arith.constant 0 : i32
    %c0_i32_1 = arith.constant 0 : i32
    return %arg1, %arg0, %c0_i32, %c0_i32_0 : i32, i32, i32, i32
  }
  func.func @transform_5(%arg0: i32, %arg1: i32) -> (i32, i32, i32, i32) {
    %c0_i32 = arith.constant 0 : i32
    %c0_i32_0 = arith.constant 0 : i32
    %c0_i32_1 = arith.constant 0 : i32
    return %arg1, %arg0, %c0_i32, %c0_i32_0 : i32, i32, i32, i32
  }
}

module attributes {stable_mosaic.version = 14 : i64} {
  func.func @_merge_kernel(%arg0: i32, %arg1: i32, %arg2: memref<1x1x50x256xf32, #tpu.memory_space<vmem>>, %arg3: memref<1x1x50x8xf32, #tpu.memory_space<vmem>>, %arg4: memref<1x1x40x1000xf32, #tpu.memory_space<vmem>>, %arg5: memref<1x20x50x40xf32, #tpu.memory_space<vmem>>, %arg6: memref<1x1000x40xf32, #tpu.memory_space<vmem>>, %arg7: memref<1x1x3x1000xf32, #tpu.memory_space<vmem>>, %arg8: memref<1x50x3xf32, #tpu.memory_space<vmem>>, %arg9: memref<1x1x8x128xf32, #tpu.memory_space<vmem>>) attributes {dimension_semantics = [#tpu.dimension_semantics<arbitrary>, #tpu.dimension_semantics<arbitrary>], iteration_bounds = array<i64: 4, 6>, scalar_prefetch = 0 : i64, scratch_operands = 0 : i64, tpu.core_type = #tpu.core_type<tc>, window_params = [{transform_indices = @transform_0, window_bounds = array<i64: 1, 1, 50, 256>}, {transform_indices = @transform_1, window_bounds = array<i64: 1, 1, 50, 8>}, {transform_indices = @transform_2, window_bounds = array<i64: 1, 1, 40, 1000>}, {transform_indices = @transform_3, window_bounds = array<i64: 1, 20, 50, 40>}, {transform_indices = @transform_4, window_bounds = array<i64: 1, 1000, 40>}, {transform_indices = @transform_5, window_bounds = array<i64: 1, 1, 3, 1000>}, {transform_indices = @transform_6, window_bounds = array<i64: 1, 50, 3>}, {transform_indices = @transform_7, window_bounds = array<i64: 1, 1, 8, 128>}]} {
    %get3A = arith.constant 0 : index
    %get3A_0 = arith.constant 0 : index
    %get3A_1 = arith.constant 0 : index
    %get3A_2 = arith.constant 0 : index
    %get3A_3 = vector.load %arg4[%get3A, %get3A_0, %get3A_1, %get3A_2] : memref<1x1x40x1000xf32, #tpu.memory_space<vmem>>, vector<1x1x40x1000xf32>
    %get3A_4 = vector.shape_cast %get3A_3 : vector<1x1x40x1000xf32> to vector<40x1000xf32>
    %get3A_5 = arith.constant 0 : index
    %get3A_6 = arith.constant 0 : index
    %get3A_7 = arith.constant 0 : index
    %get3A_8 = arith.constant 0 : index
    %get3A_9 = vector.load %arg7[%get3A_5, %get3A_6, %get3A_7, %get3A_8] : memref<1x1x3x1000xf32, #tpu.memory_space<vmem>>, vector<1x1x3x1000xf32>
    %get3A_10 = vector.shape_cast %get3A_9 : vector<1x1x3x1000xf32> to vector<3x1000xf32>
    %logistic3A = arith.negf %get3A_10 : vector<3x1000xf32>
    %logistic3A_11 = math.exp %logistic3A : vector<3x1000xf32>
    %logistic3A_12 = arith.constant 1.000000e+00 : f32
    %logistic3A_13 = vector.broadcast %logistic3A_12 : f32 to vector<3x1000xf32>
    %logistic3A_14 = arith.addf %logistic3A_13, %logistic3A_11 : vector<3x1000xf32>
    %logistic3A_15 = arith.divf %logistic3A_13, %logistic3A_14 : vector<3x1000xf32>
    %sub3A = arith.constant 1.000000e+00 : f32
    %sub3A_16 = vector.broadcast %sub3A : f32 to vector<3x1000xf32>
    %sub3A_17 = arith.subf %sub3A_16, %logistic3A_15 : vector<3x1000xf32>
    %mul3A = arith.mulf %sub3A_17, %sub3A_17 : vector<3x1000xf32>
    %mul3A_18 = arith.constant 2.500000e-01 : f32
    %mul3A_19 = vector.broadcast %mul3A_18 : f32 to vector<3x1000xf32>
    %mul3A_20 = arith.mulf %mul3A_19, %mul3A : vector<3x1000xf32>
    %add3A = arith.constant 9.99999993E-9 : f32
    %add3A_21 = vector.broadcast %add3A : f32 to vector<3x1000xf32>
    %add3A_22 = arith.addf %logistic3A_15, %add3A_21 : vector<3x1000xf32>
    %log3A = math.log %add3A_22 : vector<3x1000xf32>
    %neg3A = arith.constant 0.000000e+00 : f32
    %neg3A_23 = vector.broadcast %neg3A : f32 to vector<3x1000xf32>
    %neg3A_24 = arith.subf %neg3A_23, %log3A : vector<3x1000xf32>
    %mul3A_25 = arith.mulf %mul3A_20, %neg3A_24 : vector<3x1000xf32>
    %mul3A_26 = arith.mulf %logistic3A_15, %logistic3A_15 : vector<3x1000xf32>
    %mul3A_27 = arith.constant 7.500000e-01 : f32
    %mul3A_28 = vector.broadcast %mul3A_27 : f32 to vector<3x1000xf32>
    %mul3A_29 = arith.mulf %mul3A_28, %mul3A_26 : vector<3x1000xf32>
    %add3A_30 = arith.constant 9.99999993E-9 : f32
    %add3A_31 = vector.broadcast %add3A_30 : f32 to vector<3x1000xf32>
    %add3A_32 = arith.addf %sub3A_17, %add3A_31 : vector<3x1000xf32>
    %log3A_33 = math.log %add3A_32 : vector<3x1000xf32>
    %neg3A_34 = arith.constant 0.000000e+00 : f32
    %neg3A_35 = vector.broadcast %neg3A_34 : f32 to vector<3x1000xf32>
    %neg3A_36 = arith.subf %neg3A_35, %log3A_33 : vector<3x1000xf32>
    %mul3A_37 = arith.mulf %mul3A_29, %neg3A_36 : vector<3x1000xf32>
    %sub3A_38 = arith.subf %mul3A_25, %mul3A_37 : vector<3x1000xf32>
    %get3A_39 = arith.constant 0 : index
    %get3A_40 = arith.constant 0 : index
    %get3A_41 = arith.constant 0 : index
    %get3A_42 = vector.load %arg8[%get3A_39, %get3A_40, %get3A_41] : memref<1x50x3xf32, #tpu.memory_space<vmem>>, vector<1x50x3xf32>
    %get3A_43 = vector.shape_cast %get3A_42 : vector<1x50x3xf32> to vector<50x3xf32>
    %slice3A = vector.extract_strided_slice %get3A_43 {offsets = [0, 0], sizes = [50, 1], strides = [1, 1]} : vector<50x3xf32> to vector<50x1xf32>
    %slice3A_44 = vector.extract_strided_slice %sub3A_38 {offsets = [0, 0], sizes = [1, 1000], strides = [1, 1]} : vector<3x1000xf32> to vector<1x1000xf32>
    %mul3A_45 = vector.broadcast %slice3A : vector<50x1xf32> to vector<50x1000xf32>
    %mul3A_46 = vector.broadcast %slice3A_44 : vector<1x1000xf32> to vector<50x1000xf32>
    %mul3A_47 = arith.mulf %mul3A_45, %mul3A_46 : vector<50x1000xf32>
    %slice3A_48 = vector.extract_strided_slice %get3A_43 {offsets = [0, 1], sizes = [50, 1], strides = [1, 1]} : vector<50x3xf32> to vector<50x1xf32>
    %slice3A_49 = vector.extract_strided_slice %sub3A_38 {offsets = [1, 0], sizes = [1, 1000], strides = [1, 1]} : vector<3x1000xf32> to vector<1x1000xf32>
    %mul3A_50 = vector.broadcast %slice3A_48 : vector<50x1xf32> to vector<50x1000xf32>
    %mul3A_51 = vector.broadcast %slice3A_49 : vector<1x1000xf32> to vector<50x1000xf32>
    %mul3A_52 = arith.mulf %mul3A_50, %mul3A_51 : vector<50x1000xf32>
    %add3A_53 = arith.addf %mul3A_47, %mul3A_52 : vector<50x1000xf32>
    %slice3A_54 = vector.extract_strided_slice %get3A_43 {offsets = [0, 2], sizes = [50, 1], strides = [1, 1]} : vector<50x3xf32> to vector<50x1xf32>
    %slice3A_55 = vector.extract_strided_slice %sub3A_38 {offsets = [2, 0], sizes = [1, 1000], strides = [1, 1]} : vector<3x1000xf32> to vector<1x1000xf32>
    %mul3A_56 = vector.broadcast %slice3A_54 : vector<50x1xf32> to vector<50x1000xf32>
    %mul3A_57 = vector.broadcast %slice3A_55 : vector<1x1000xf32> to vector<50x1000xf32>
    %mul3A_58 = arith.mulf %mul3A_56, %mul3A_57 : vector<50x1000xf32>
    %add3A_59 = arith.addf %add3A_53, %mul3A_58 : vector<50x1000xf32>
    %get3A_60 = arith.constant 0 : index
    %get3A_61 = arith.constant 0 : index
    %get3A_62 = arith.constant 0 : index
    %get3A_63 = arith.constant 0 : index
    %get3A_64 = vector.load %arg2[%get3A_60, %get3A_61, %get3A_62, %get3A_63] : memref<1x1x50x256xf32, #tpu.memory_space<vmem>>, vector<1x1x50x256xf32>
    %get3A_65 = vector.shape_cast %get3A_64 : vector<1x1x50x256xf32> to vector<50x256xf32>
    %slice3A_66 = vector.extract_strided_slice %get3A_65 {offsets = [0, 0], sizes = [50, 232], strides = [1, 1]} : vector<50x256xf32> to vector<50x232xf32>
    %slice3A_67 = vector.extract_strided_slice %add3A_59 {offsets = [0, 768], sizes = [50, 232], strides = [1, 1]} : vector<50x1000xf32> to vector<50x232xf32>
    %mul3A_68 = arith.constant 2.000000e+00 : f32
    %mul3A_69 = vector.broadcast %mul3A_68 : f32 to vector<50x232xf32>
    %mul3A_70 = arith.mulf %slice3A_67, %mul3A_69 : vector<50x232xf32>
    %mul3A_71 = arith.constant 5.000000e+00 : f32
    %mul3A_72 = vector.broadcast %mul3A_71 : f32 to vector<50x232xf32>
    %mul3A_73 = arith.mulf %slice3A_66, %mul3A_72 : vector<50x232xf32>
    %add3A_74 = arith.addf %mul3A_70, %mul3A_73 : vector<50x232xf32>
    %reduce_min3A = arith.constant dense<0x7F800000> : vector<50xf32>
    %reduce_min3A_75 = vector.multi_reduction <minimumf>, %add3A_74, %reduce_min3A [1] : vector<50x232xf32> to vector<50xf32>
    %broadcast_in_dim3A = vector.shape_cast %reduce_min3A_75 : vector<50xf32> to vector<50x1xf32>
    %iota3A = tpu.iota {dimensions = array<i32: 1>} : vector<50x232xi32>
    %eq3A = vector.broadcast %broadcast_in_dim3A : vector<50x1xf32> to vector<50x232xf32>
    %eq3A_76 = arith.cmpf oeq, %add3A_74, %eq3A : vector<50x232xf32>
    %jit3A = arith.constant 232 : i32
    %broadcast_in_dim3A_77 = vector.broadcast %jit3A : i32 to vector<50x232xi32>
    %select_n3A = arith.select %eq3A_76, %iota3A, %broadcast_in_dim3A_77 : vector<50x232xi1>, vector<50x232xi32>
    %reduce_min3A_78 = arith.constant dense<2147483647> : vector<50xi32>
    %reduce_min3A_79 = vector.multi_reduction <minsi>, %select_n3A, %reduce_min3A_78 [1] : vector<50x232xi32> to vector<50xi32>
    %broadcast_in_dim3A_80 = vector.shape_cast %reduce_min3A_79 : vector<50xi32> to vector<50x1xi32>
    %eq3A_81 = vector.broadcast %broadcast_in_dim3A_80 : vector<50x1xi32> to vector<50x232xi32>
    %eq3A_82 = arith.cmpi eq, %iota3A, %eq3A_81 : vector<50x232xi32>
    %jit3A_83 = arith.constant 0.000000e+00 : f32
    %broadcast_in_dim3A_84 = vector.broadcast %jit3A_83 : f32 to vector<50x232xf32>
    %select_n3A_85 = arith.select %eq3A_82, %slice3A_66, %broadcast_in_dim3A_84 : vector<50x232xi1>, vector<50x232xf32>
    %reduce_sum3A = arith.constant dense<0.000000e+00> : vector<50xf32>
    %reduce_sum3A_86 = vector.multi_reduction <add>, %select_n3A_85, %reduce_sum3A [1] : vector<50x232xf32> to vector<50xf32>
    %broadcast_in_dim3A_87 = vector.shape_cast %reduce_sum3A_86 : vector<50xf32> to vector<50x1xf32>
    %get3A_88 = arith.constant 0 : index
    %get3A_89 = arith.constant 0 : index
    %get3A_90 = arith.constant 0 : index
    %get3A_91 = arith.constant 0 : index
    %get3A_92 = vector.load %arg3[%get3A_88, %get3A_89, %get3A_90, %get3A_91] : memref<1x1x50x8xf32, #tpu.memory_space<vmem>>, vector<1x1x50x8xf32>
    %get3A_93 = vector.shape_cast %get3A_92 : vector<1x1x50x8xf32> to vector<50x8xf32>
    %slice3A_94 = vector.extract_strided_slice %get3A_93 {offsets = [0, 0], sizes = [50, 1], strides = [1, 1]} : vector<50x8xf32> to vector<50x1xf32>
    %slice3A_95 = vector.extract_strided_slice %get3A_93 {offsets = [0, 1], sizes = [50, 1], strides = [1, 1]} : vector<50x8xf32> to vector<50x1xf32>
    %convert_element_type3A = arith.fptosi %slice3A_95 : vector<50x1xf32> to vector<50x1xi32>
    %slice3A_96 = vector.extract_strided_slice %get3A_93 {offsets = [0, 2], sizes = [50, 1], strides = [1, 1]} : vector<50x8xf32> to vector<50x1xf32>
    %lt3A = arith.cmpf olt, %broadcast_in_dim3A, %slice3A_94 : vector<50x1xf32>
    %add3A_97 = arith.constant 768 : i32
    %add3A_98 = vector.broadcast %add3A_97 : i32 to vector<50x1xi32>
    %add3A_99 = arith.addi %broadcast_in_dim3A_80, %add3A_98 : vector<50x1xi32>
    %select_n3A_100 = arith.select %lt3A, %add3A_99, %convert_element_type3A : vector<50x1xi1>, vector<50x1xi32>
    %select_n3A_101 = arith.select %lt3A, %broadcast_in_dim3A_87, %slice3A_96 : vector<50x1xi1>, vector<50x1xf32>
    %iota3A_102 = tpu.iota {dimensions = array<i32: 1>} : vector<50x1000xi32>
    %eq3A_103 = vector.broadcast %select_n3A_100 : vector<50x1xi32> to vector<50x1000xi32>
    %eq3A_104 = arith.cmpi eq, %iota3A_102, %eq3A_103 : vector<50x1000xi32>
    %iota3A_105 = tpu.iota {dimensions = array<i32: 0>} : vector<50x1000xi32>
    %jit3A_106 = arith.constant -1 : i32
    %broadcast_in_dim3A_107 = vector.broadcast %jit3A_106 : i32 to vector<50x1000xi32>
    %select_n3A_108 = arith.select %eq3A_104, %iota3A_105, %broadcast_in_dim3A_107 : vector<50x1000xi1>, vector<50x1000xi32>
    %reduce_max3A = arith.constant dense<-2147483648> : vector<1000xi32>
    %reduce_max3A_109 = vector.multi_reduction <maxsi>, %select_n3A_108, %reduce_max3A [0] : vector<50x1000xi32> to vector<1000xi32>
    %broadcast_in_dim3A_110 = vector.shape_cast %reduce_max3A_109 : vector<1000xi32> to vector<1x1000xi32>
    %eq3A_111 = vector.broadcast %broadcast_in_dim3A_110 : vector<1x1000xi32> to vector<50x1000xi32>
    %eq3A_112 = arith.cmpi eq, %iota3A_105, %eq3A_111 : vector<50x1000xi32>
    %and3A = arith.andi %eq3A_104, %eq3A_112 : vector<50x1000xi1>
    %convert_element_type3A_113 = arith.extui %and3A : vector<50x1000xi1> to vector<50x1000xi32>
    %convert_element_type3A_114 = arith.sitofp %convert_element_type3A_113 : vector<50x1000xi32> to vector<50x1000xf32>
    %reduce_max3A_115 = arith.constant dense<0xFF800000> : vector<50xf32>
    %reduce_max3A_116 = vector.multi_reduction <maximumf>, %convert_element_type3A_114, %reduce_max3A_115 [1] : vector<50x1000xf32> to vector<50xf32>
    %broadcast_in_dim3A_117 = vector.shape_cast %reduce_max3A_116 : vector<50xf32> to vector<50x1xf32>
    %reduce_sum3A_118 = vector.shape_cast %broadcast_in_dim3A_117 : vector<50x1xf32> to vector<1x50x1xf32>
    %reduce_sum3A_119 = arith.constant dense<0.000000e+00> : vector<1xf32>
    %reduce_sum3A_120 = vector.multi_reduction <add>, %reduce_sum3A_118, %reduce_sum3A_119 [1, 2] : vector<1x50x1xf32> to vector<1xf32>
    %reduce_sum3A_121 = vector.shape_cast %reduce_sum3A_120 : vector<1xf32> to vector<1x1x1xf32>
    %reduce_sum3A_122 = vector.extract %reduce_sum3A_121[0, 0, 0] : f32 from vector<1x1x1xf32>
    %mul3A_123 = arith.mulf %broadcast_in_dim3A_117, %select_n3A_101 : vector<50x1xf32>
    %reduce_sum3A_124 = vector.shape_cast %mul3A_123 : vector<50x1xf32> to vector<1x50x1xf32>
    %reduce_sum3A_125 = arith.constant dense<0.000000e+00> : vector<1xf32>
    %reduce_sum3A_126 = vector.multi_reduction <add>, %reduce_sum3A_124, %reduce_sum3A_125 [1, 2] : vector<1x50x1xf32> to vector<1xf32>
    %reduce_sum3A_127 = vector.shape_cast %reduce_sum3A_126 : vector<1xf32> to vector<1x1x1xf32>
    %reduce_sum3A_128 = vector.extract %reduce_sum3A_127[0, 0, 0] : f32 from vector<1x1x1xf32>
    %mul3A_129 = arith.mulf %convert_element_type3A_114, %add3A_59 : vector<50x1000xf32>
    %reduce_sum3A_130 = vector.shape_cast %mul3A_129 : vector<50x1000xf32> to vector<1x50x1000xf32>
    %reduce_sum3A_131 = arith.constant dense<0.000000e+00> : vector<1xf32>
    %reduce_sum3A_132 = vector.multi_reduction <add>, %reduce_sum3A_130, %reduce_sum3A_131 [1, 2] : vector<1x50x1000xf32> to vector<1xf32>
    %reduce_sum3A_133 = vector.shape_cast %reduce_sum3A_132 : vector<1xf32> to vector<1x1x1xf32>
    %reduce_sum3A_134 = vector.extract %reduce_sum3A_133[0, 0, 0] : f32 from vector<1x1x1xf32>
    %dot_general3A = arith.constant dense<0.000000e+00> : vector<50x40xf32>
    %dot_general3A_135 = tpu.matmul %convert_element_type3A_114, %get3A_4, %dot_general3A {dimension_numbers = #tpu.dot_dimension_numbers<[1], [1], [0], [0], [0, 0, 1, 0], [], []>, transpose_lhs_hint = false} : vector<50x1000xf32>, vector<40x1000xf32>, vector<50x40xf32> -> vector<50x40xf32>
    %broadcast_in_dim3A_136 = arith.constant 3.400000e+38 : f32
    %broadcast_in_dim3A_137 = vector.broadcast %broadcast_in_dim3A_136 : f32 to vector<50x1xf32>
    %broadcast_in_dim3A_138 = arith.constant 0 : i32
    %broadcast_in_dim3A_139 = vector.broadcast %broadcast_in_dim3A_138 : i32 to vector<50x1xi32>
    %get3A_140 = arith.constant 0 : index
    %get3A_141 = arith.constant 0 : index
    %get3A_142 = arith.constant 0 : index
    %get3A_143 = arith.constant 0 : index
    %get3A_144 = vector.load %arg5[%get3A_140, %get3A_141, %get3A_142, %get3A_143] : memref<1x20x50x40xf32, #tpu.memory_space<vmem>>, vector<1x1x50x40xf32>
    %get3A_145 = vector.shape_cast %get3A_144 : vector<1x1x50x40xf32> to vector<50x40xf32>
    %sub3A_146 = arith.subf %dot_general3A_135, %get3A_145 : vector<50x40xf32>
    %abs3A = math.absf %sub3A_146 : vector<50x40xf32>
    %reduce_sum3A_147 = arith.constant dense<0.000000e+00> : vector<50xf32>
    %reduce_sum3A_148 = vector.multi_reduction <add>, %abs3A, %reduce_sum3A_147 [1] : vector<50x40xf32> to vector<50xf32>
    %broadcast_in_dim3A_149 = vector.shape_cast %reduce_sum3A_148 : vector<50xf32> to vector<50x1xf32>
    %lt3A_150 = arith.cmpf olt, %broadcast_in_dim3A_149, %broadcast_in_dim3A_137 : vector<50x1xf32>
    %jit3A_151 = arith.constant 0 : i32
    %broadcast_in_dim3A_152 = vector.broadcast %jit3A_151 : i32 to vector<50x1xi32>
    %select_n3A_153 = arith.select %lt3A_150, %broadcast_in_dim3A_152, %broadcast_in_dim3A_139 : vector<50x1xi1>, vector<50x1xi32>
    %min3A = arith.minimumf %broadcast_in_dim3A_137, %broadcast_in_dim3A_149 : vector<50x1xf32>
    %get3A_154 = arith.constant 0 : index
    %get3A_155 = arith.constant 1 : index
    %get3A_156 = arith.constant 0 : index
    %get3A_157 = arith.constant 0 : index
    %get3A_158 = vector.load %arg5[%get3A_154, %get3A_155, %get3A_156, %get3A_157] : memref<1x20x50x40xf32, #tpu.memory_space<vmem>>, vector<1x1x50x40xf32>
    %get3A_159 = vector.shape_cast %get3A_158 : vector<1x1x50x40xf32> to vector<50x40xf32>
    %sub3A_160 = arith.subf %dot_general3A_135, %get3A_159 : vector<50x40xf32>
    %abs3A_161 = math.absf %sub3A_160 : vector<50x40xf32>
    %reduce_sum3A_162 = arith.constant dense<0.000000e+00> : vector<50xf32>
    %reduce_sum3A_163 = vector.multi_reduction <add>, %abs3A_161, %reduce_sum3A_162 [1] : vector<50x40xf32> to vector<50xf32>
    %broadcast_in_dim3A_164 = vector.shape_cast %reduce_sum3A_163 : vector<50xf32> to vector<50x1xf32>
    %lt3A_165 = arith.cmpf olt, %broadcast_in_dim3A_164, %min3A : vector<50x1xf32>
    %jit3A_166 = arith.constant 1 : i32
    %broadcast_in_dim3A_167 = vector.broadcast %jit3A_166 : i32 to vector<50x1xi32>
    %select_n3A_168 = arith.select %lt3A_165, %broadcast_in_dim3A_167, %select_n3A_153 : vector<50x1xi1>, vector<50x1xi32>
    %min3A_169 = arith.minimumf %min3A, %broadcast_in_dim3A_164 : vector<50x1xf32>
    %get3A_170 = arith.constant 0 : index
    %get3A_171 = arith.constant 2 : index
    %get3A_172 = arith.constant 0 : index
    %get3A_173 = arith.constant 0 : index
    %get3A_174 = vector.load %arg5[%get3A_170, %get3A_171, %get3A_172, %get3A_173] : memref<1x20x50x40xf32, #tpu.memory_space<vmem>>, vector<1x1x50x40xf32>
    %get3A_175 = vector.shape_cast %get3A_174 : vector<1x1x50x40xf32> to vector<50x40xf32>
    %sub3A_176 = arith.subf %dot_general3A_135, %get3A_175 : vector<50x40xf32>
    %abs3A_177 = math.absf %sub3A_176 : vector<50x40xf32>
    %reduce_sum3A_178 = arith.constant dense<0.000000e+00> : vector<50xf32>
    %reduce_sum3A_179 = vector.multi_reduction <add>, %abs3A_177, %reduce_sum3A_178 [1] : vector<50x40xf32> to vector<50xf32>
    %broadcast_in_dim3A_180 = vector.shape_cast %reduce_sum3A_179 : vector<50xf32> to vector<50x1xf32>
    %lt3A_181 = arith.cmpf olt, %broadcast_in_dim3A_180, %min3A_169 : vector<50x1xf32>
    %jit3A_182 = arith.constant 2 : i32
    %broadcast_in_dim3A_183 = vector.broadcast %jit3A_182 : i32 to vector<50x1xi32>
    %select_n3A_184 = arith.select %lt3A_181, %broadcast_in_dim3A_183, %select_n3A_168 : vector<50x1xi1>, vector<50x1xi32>
    %min3A_185 = arith.minimumf %min3A_169, %broadcast_in_dim3A_180 : vector<50x1xf32>
    %get3A_186 = arith.constant 0 : index
    %get3A_187 = arith.constant 3 : index
    %get3A_188 = arith.constant 0 : index
    %get3A_189 = arith.constant 0 : index
    %get3A_190 = vector.load %arg5[%get3A_186, %get3A_187, %get3A_188, %get3A_189] : memref<1x20x50x40xf32, #tpu.memory_space<vmem>>, vector<1x1x50x40xf32>
    %get3A_191 = vector.shape_cast %get3A_190 : vector<1x1x50x40xf32> to vector<50x40xf32>
    %sub3A_192 = arith.subf %dot_general3A_135, %get3A_191 : vector<50x40xf32>
    %abs3A_193 = math.absf %sub3A_192 : vector<50x40xf32>
    %reduce_sum3A_194 = arith.constant dense<0.000000e+00> : vector<50xf32>
    %reduce_sum3A_195 = vector.multi_reduction <add>, %abs3A_193, %reduce_sum3A_194 [1] : vector<50x40xf32> to vector<50xf32>
    %broadcast_in_dim3A_196 = vector.shape_cast %reduce_sum3A_195 : vector<50xf32> to vector<50x1xf32>
    %lt3A_197 = arith.cmpf olt, %broadcast_in_dim3A_196, %min3A_185 : vector<50x1xf32>
    %jit3A_198 = arith.constant 3 : i32
    %broadcast_in_dim3A_199 = vector.broadcast %jit3A_198 : i32 to vector<50x1xi32>
    %select_n3A_200 = arith.select %lt3A_197, %broadcast_in_dim3A_199, %select_n3A_184 : vector<50x1xi1>, vector<50x1xi32>
    %min3A_201 = arith.minimumf %min3A_185, %broadcast_in_dim3A_196 : vector<50x1xf32>
    %get3A_202 = arith.constant 0 : index
    %get3A_203 = arith.constant 4 : index
    %get3A_204 = arith.constant 0 : index
    %get3A_205 = arith.constant 0 : index
    %get3A_206 = vector.load %arg5[%get3A_202, %get3A_203, %get3A_204, %get3A_205] : memref<1x20x50x40xf32, #tpu.memory_space<vmem>>, vector<1x1x50x40xf32>
    %get3A_207 = vector.shape_cast %get3A_206 : vector<1x1x50x40xf32> to vector<50x40xf32>
    %sub3A_208 = arith.subf %dot_general3A_135, %get3A_207 : vector<50x40xf32>
    %abs3A_209 = math.absf %sub3A_208 : vector<50x40xf32>
    %reduce_sum3A_210 = arith.constant dense<0.000000e+00> : vector<50xf32>
    %reduce_sum3A_211 = vector.multi_reduction <add>, %abs3A_209, %reduce_sum3A_210 [1] : vector<50x40xf32> to vector<50xf32>
    %broadcast_in_dim3A_212 = vector.shape_cast %reduce_sum3A_211 : vector<50xf32> to vector<50x1xf32>
    %lt3A_213 = arith.cmpf olt, %broadcast_in_dim3A_212, %min3A_201 : vector<50x1xf32>
    %jit3A_214 = arith.constant 4 : i32
    %broadcast_in_dim3A_215 = vector.broadcast %jit3A_214 : i32 to vector<50x1xi32>
    %select_n3A_216 = arith.select %lt3A_213, %broadcast_in_dim3A_215, %select_n3A_200 : vector<50x1xi1>, vector<50x1xi32>
    %min3A_217 = arith.minimumf %min3A_201, %broadcast_in_dim3A_212 : vector<50x1xf32>
    %get3A_218 = arith.constant 0 : index
    %get3A_219 = arith.constant 5 : index
    %get3A_220 = arith.constant 0 : index
    %get3A_221 = arith.constant 0 : index
    %get3A_222 = vector.load %arg5[%get3A_218, %get3A_219, %get3A_220, %get3A_221] : memref<1x20x50x40xf32, #tpu.memory_space<vmem>>, vector<1x1x50x40xf32>
    %get3A_223 = vector.shape_cast %get3A_222 : vector<1x1x50x40xf32> to vector<50x40xf32>
    %sub3A_224 = arith.subf %dot_general3A_135, %get3A_223 : vector<50x40xf32>
    %abs3A_225 = math.absf %sub3A_224 : vector<50x40xf32>
    %reduce_sum3A_226 = arith.constant dense<0.000000e+00> : vector<50xf32>
    %reduce_sum3A_227 = vector.multi_reduction <add>, %abs3A_225, %reduce_sum3A_226 [1] : vector<50x40xf32> to vector<50xf32>
    %broadcast_in_dim3A_228 = vector.shape_cast %reduce_sum3A_227 : vector<50xf32> to vector<50x1xf32>
    %lt3A_229 = arith.cmpf olt, %broadcast_in_dim3A_228, %min3A_217 : vector<50x1xf32>
    %jit3A_230 = arith.constant 5 : i32
    %broadcast_in_dim3A_231 = vector.broadcast %jit3A_230 : i32 to vector<50x1xi32>
    %select_n3A_232 = arith.select %lt3A_229, %broadcast_in_dim3A_231, %select_n3A_216 : vector<50x1xi1>, vector<50x1xi32>
    %min3A_233 = arith.minimumf %min3A_217, %broadcast_in_dim3A_228 : vector<50x1xf32>
    %get3A_234 = arith.constant 0 : index
    %get3A_235 = arith.constant 6 : index
    %get3A_236 = arith.constant 0 : index
    %get3A_237 = arith.constant 0 : index
    %get3A_238 = vector.load %arg5[%get3A_234, %get3A_235, %get3A_236, %get3A_237] : memref<1x20x50x40xf32, #tpu.memory_space<vmem>>, vector<1x1x50x40xf32>
    %get3A_239 = vector.shape_cast %get3A_238 : vector<1x1x50x40xf32> to vector<50x40xf32>
    %sub3A_240 = arith.subf %dot_general3A_135, %get3A_239 : vector<50x40xf32>
    %abs3A_241 = math.absf %sub3A_240 : vector<50x40xf32>
    %reduce_sum3A_242 = arith.constant dense<0.000000e+00> : vector<50xf32>
    %reduce_sum3A_243 = vector.multi_reduction <add>, %abs3A_241, %reduce_sum3A_242 [1] : vector<50x40xf32> to vector<50xf32>
    %broadcast_in_dim3A_244 = vector.shape_cast %reduce_sum3A_243 : vector<50xf32> to vector<50x1xf32>
    %lt3A_245 = arith.cmpf olt, %broadcast_in_dim3A_244, %min3A_233 : vector<50x1xf32>
    %jit3A_246 = arith.constant 6 : i32
    %broadcast_in_dim3A_247 = vector.broadcast %jit3A_246 : i32 to vector<50x1xi32>
    %select_n3A_248 = arith.select %lt3A_245, %broadcast_in_dim3A_247, %select_n3A_232 : vector<50x1xi1>, vector<50x1xi32>
    %min3A_249 = arith.minimumf %min3A_233, %broadcast_in_dim3A_244 : vector<50x1xf32>
    %get3A_250 = arith.constant 0 : index
    %get3A_251 = arith.constant 7 : index
    %get3A_252 = arith.constant 0 : index
    %get3A_253 = arith.constant 0 : index
    %get3A_254 = vector.load %arg5[%get3A_250, %get3A_251, %get3A_252, %get3A_253] : memref<1x20x50x40xf32, #tpu.memory_space<vmem>>, vector<1x1x50x40xf32>
    %get3A_255 = vector.shape_cast %get3A_254 : vector<1x1x50x40xf32> to vector<50x40xf32>
    %sub3A_256 = arith.subf %dot_general3A_135, %get3A_255 : vector<50x40xf32>
    %abs3A_257 = math.absf %sub3A_256 : vector<50x40xf32>
    %reduce_sum3A_258 = arith.constant dense<0.000000e+00> : vector<50xf32>
    %reduce_sum3A_259 = vector.multi_reduction <add>, %abs3A_257, %reduce_sum3A_258 [1] : vector<50x40xf32> to vector<50xf32>
    %broadcast_in_dim3A_260 = vector.shape_cast %reduce_sum3A_259 : vector<50xf32> to vector<50x1xf32>
    %lt3A_261 = arith.cmpf olt, %broadcast_in_dim3A_260, %min3A_249 : vector<50x1xf32>
    %jit3A_262 = arith.constant 7 : i32
    %broadcast_in_dim3A_263 = vector.broadcast %jit3A_262 : i32 to vector<50x1xi32>
    %select_n3A_264 = arith.select %lt3A_261, %broadcast_in_dim3A_263, %select_n3A_248 : vector<50x1xi1>, vector<50x1xi32>
    %min3A_265 = arith.minimumf %min3A_249, %broadcast_in_dim3A_260 : vector<50x1xf32>
    %get3A_266 = arith.constant 0 : index
    %get3A_267 = arith.constant 8 : index
    %get3A_268 = arith.constant 0 : index
    %get3A_269 = arith.constant 0 : index
    %get3A_270 = vector.load %arg5[%get3A_266, %get3A_267, %get3A_268, %get3A_269] : memref<1x20x50x40xf32, #tpu.memory_space<vmem>>, vector<1x1x50x40xf32>
    %get3A_271 = vector.shape_cast %get3A_270 : vector<1x1x50x40xf32> to vector<50x40xf32>
    %sub3A_272 = arith.subf %dot_general3A_135, %get3A_271 : vector<50x40xf32>
    %abs3A_273 = math.absf %sub3A_272 : vector<50x40xf32>
    %reduce_sum3A_274 = arith.constant dense<0.000000e+00> : vector<50xf32>
    %reduce_sum3A_275 = vector.multi_reduction <add>, %abs3A_273, %reduce_sum3A_274 [1] : vector<50x40xf32> to vector<50xf32>
    %broadcast_in_dim3A_276 = vector.shape_cast %reduce_sum3A_275 : vector<50xf32> to vector<50x1xf32>
    %lt3A_277 = arith.cmpf olt, %broadcast_in_dim3A_276, %min3A_265 : vector<50x1xf32>
    %jit3A_278 = arith.constant 8 : i32
    %broadcast_in_dim3A_279 = vector.broadcast %jit3A_278 : i32 to vector<50x1xi32>
    %select_n3A_280 = arith.select %lt3A_277, %broadcast_in_dim3A_279, %select_n3A_264 : vector<50x1xi1>, vector<50x1xi32>
    %min3A_281 = arith.minimumf %min3A_265, %broadcast_in_dim3A_276 : vector<50x1xf32>
    %get3A_282 = arith.constant 0 : index
    %get3A_283 = arith.constant 9 : index
    %get3A_284 = arith.constant 0 : index
    %get3A_285 = arith.constant 0 : index
    %get3A_286 = vector.load %arg5[%get3A_282, %get3A_283, %get3A_284, %get3A_285] : memref<1x20x50x40xf32, #tpu.memory_space<vmem>>, vector<1x1x50x40xf32>
    %get3A_287 = vector.shape_cast %get3A_286 : vector<1x1x50x40xf32> to vector<50x40xf32>
    %sub3A_288 = arith.subf %dot_general3A_135, %get3A_287 : vector<50x40xf32>
    %abs3A_289 = math.absf %sub3A_288 : vector<50x40xf32>
    %reduce_sum3A_290 = arith.constant dense<0.000000e+00> : vector<50xf32>
    %reduce_sum3A_291 = vector.multi_reduction <add>, %abs3A_289, %reduce_sum3A_290 [1] : vector<50x40xf32> to vector<50xf32>
    %broadcast_in_dim3A_292 = vector.shape_cast %reduce_sum3A_291 : vector<50xf32> to vector<50x1xf32>
    %lt3A_293 = arith.cmpf olt, %broadcast_in_dim3A_292, %min3A_281 : vector<50x1xf32>
    %jit3A_294 = arith.constant 9 : i32
    %broadcast_in_dim3A_295 = vector.broadcast %jit3A_294 : i32 to vector<50x1xi32>
    %select_n3A_296 = arith.select %lt3A_293, %broadcast_in_dim3A_295, %select_n3A_280 : vector<50x1xi1>, vector<50x1xi32>
    %min3A_297 = arith.minimumf %min3A_281, %broadcast_in_dim3A_292 : vector<50x1xf32>
    %get3A_298 = arith.constant 0 : index
    %get3A_299 = arith.constant 10 : index
    %get3A_300 = arith.constant 0 : index
    %get3A_301 = arith.constant 0 : index
    %get3A_302 = vector.load %arg5[%get3A_298, %get3A_299, %get3A_300, %get3A_301] : memref<1x20x50x40xf32, #tpu.memory_space<vmem>>, vector<1x1x50x40xf32>
    %get3A_303 = vector.shape_cast %get3A_302 : vector<1x1x50x40xf32> to vector<50x40xf32>
    %sub3A_304 = arith.subf %dot_general3A_135, %get3A_303 : vector<50x40xf32>
    %abs3A_305 = math.absf %sub3A_304 : vector<50x40xf32>
    %reduce_sum3A_306 = arith.constant dense<0.000000e+00> : vector<50xf32>
    %reduce_sum3A_307 = vector.multi_reduction <add>, %abs3A_305, %reduce_sum3A_306 [1] : vector<50x40xf32> to vector<50xf32>
    %broadcast_in_dim3A_308 = vector.shape_cast %reduce_sum3A_307 : vector<50xf32> to vector<50x1xf32>
    %lt3A_309 = arith.cmpf olt, %broadcast_in_dim3A_308, %min3A_297 : vector<50x1xf32>
    %jit3A_310 = arith.constant 10 : i32
    %broadcast_in_dim3A_311 = vector.broadcast %jit3A_310 : i32 to vector<50x1xi32>
    %select_n3A_312 = arith.select %lt3A_309, %broadcast_in_dim3A_311, %select_n3A_296 : vector<50x1xi1>, vector<50x1xi32>
    %min3A_313 = arith.minimumf %min3A_297, %broadcast_in_dim3A_308 : vector<50x1xf32>
    %get3A_314 = arith.constant 0 : index
    %get3A_315 = arith.constant 11 : index
    %get3A_316 = arith.constant 0 : index
    %get3A_317 = arith.constant 0 : index
    %get3A_318 = vector.load %arg5[%get3A_314, %get3A_315, %get3A_316, %get3A_317] : memref<1x20x50x40xf32, #tpu.memory_space<vmem>>, vector<1x1x50x40xf32>
    %get3A_319 = vector.shape_cast %get3A_318 : vector<1x1x50x40xf32> to vector<50x40xf32>
    %sub3A_320 = arith.subf %dot_general3A_135, %get3A_319 : vector<50x40xf32>
    %abs3A_321 = math.absf %sub3A_320 : vector<50x40xf32>
    %reduce_sum3A_322 = arith.constant dense<0.000000e+00> : vector<50xf32>
    %reduce_sum3A_323 = vector.multi_reduction <add>, %abs3A_321, %reduce_sum3A_322 [1] : vector<50x40xf32> to vector<50xf32>
    %broadcast_in_dim3A_324 = vector.shape_cast %reduce_sum3A_323 : vector<50xf32> to vector<50x1xf32>
    %lt3A_325 = arith.cmpf olt, %broadcast_in_dim3A_324, %min3A_313 : vector<50x1xf32>
    %jit3A_326 = arith.constant 11 : i32
    %broadcast_in_dim3A_327 = vector.broadcast %jit3A_326 : i32 to vector<50x1xi32>
    %select_n3A_328 = arith.select %lt3A_325, %broadcast_in_dim3A_327, %select_n3A_312 : vector<50x1xi1>, vector<50x1xi32>
    %min3A_329 = arith.minimumf %min3A_313, %broadcast_in_dim3A_324 : vector<50x1xf32>
    %get3A_330 = arith.constant 0 : index
    %get3A_331 = arith.constant 12 : index
    %get3A_332 = arith.constant 0 : index
    %get3A_333 = arith.constant 0 : index
    %get3A_334 = vector.load %arg5[%get3A_330, %get3A_331, %get3A_332, %get3A_333] : memref<1x20x50x40xf32, #tpu.memory_space<vmem>>, vector<1x1x50x40xf32>
    %get3A_335 = vector.shape_cast %get3A_334 : vector<1x1x50x40xf32> to vector<50x40xf32>
    %sub3A_336 = arith.subf %dot_general3A_135, %get3A_335 : vector<50x40xf32>
    %abs3A_337 = math.absf %sub3A_336 : vector<50x40xf32>
    %reduce_sum3A_338 = arith.constant dense<0.000000e+00> : vector<50xf32>
    %reduce_sum3A_339 = vector.multi_reduction <add>, %abs3A_337, %reduce_sum3A_338 [1] : vector<50x40xf32> to vector<50xf32>
    %broadcast_in_dim3A_340 = vector.shape_cast %reduce_sum3A_339 : vector<50xf32> to vector<50x1xf32>
    %lt3A_341 = arith.cmpf olt, %broadcast_in_dim3A_340, %min3A_329 : vector<50x1xf32>
    %jit3A_342 = arith.constant 12 : i32
    %broadcast_in_dim3A_343 = vector.broadcast %jit3A_342 : i32 to vector<50x1xi32>
    %select_n3A_344 = arith.select %lt3A_341, %broadcast_in_dim3A_343, %select_n3A_328 : vector<50x1xi1>, vector<50x1xi32>
    %min3A_345 = arith.minimumf %min3A_329, %broadcast_in_dim3A_340 : vector<50x1xf32>
    %get3A_346 = arith.constant 0 : index
    %get3A_347 = arith.constant 13 : index
    %get3A_348 = arith.constant 0 : index
    %get3A_349 = arith.constant 0 : index
    %get3A_350 = vector.load %arg5[%get3A_346, %get3A_347, %get3A_348, %get3A_349] : memref<1x20x50x40xf32, #tpu.memory_space<vmem>>, vector<1x1x50x40xf32>
    %get3A_351 = vector.shape_cast %get3A_350 : vector<1x1x50x40xf32> to vector<50x40xf32>
    %sub3A_352 = arith.subf %dot_general3A_135, %get3A_351 : vector<50x40xf32>
    %abs3A_353 = math.absf %sub3A_352 : vector<50x40xf32>
    %reduce_sum3A_354 = arith.constant dense<0.000000e+00> : vector<50xf32>
    %reduce_sum3A_355 = vector.multi_reduction <add>, %abs3A_353, %reduce_sum3A_354 [1] : vector<50x40xf32> to vector<50xf32>
    %broadcast_in_dim3A_356 = vector.shape_cast %reduce_sum3A_355 : vector<50xf32> to vector<50x1xf32>
    %lt3A_357 = arith.cmpf olt, %broadcast_in_dim3A_356, %min3A_345 : vector<50x1xf32>
    %jit3A_358 = arith.constant 13 : i32
    %broadcast_in_dim3A_359 = vector.broadcast %jit3A_358 : i32 to vector<50x1xi32>
    %select_n3A_360 = arith.select %lt3A_357, %broadcast_in_dim3A_359, %select_n3A_344 : vector<50x1xi1>, vector<50x1xi32>
    %min3A_361 = arith.minimumf %min3A_345, %broadcast_in_dim3A_356 : vector<50x1xf32>
    %get3A_362 = arith.constant 0 : index
    %get3A_363 = arith.constant 14 : index
    %get3A_364 = arith.constant 0 : index
    %get3A_365 = arith.constant 0 : index
    %get3A_366 = vector.load %arg5[%get3A_362, %get3A_363, %get3A_364, %get3A_365] : memref<1x20x50x40xf32, #tpu.memory_space<vmem>>, vector<1x1x50x40xf32>
    %get3A_367 = vector.shape_cast %get3A_366 : vector<1x1x50x40xf32> to vector<50x40xf32>
    %sub3A_368 = arith.subf %dot_general3A_135, %get3A_367 : vector<50x40xf32>
    %abs3A_369 = math.absf %sub3A_368 : vector<50x40xf32>
    %reduce_sum3A_370 = arith.constant dense<0.000000e+00> : vector<50xf32>
    %reduce_sum3A_371 = vector.multi_reduction <add>, %abs3A_369, %reduce_sum3A_370 [1] : vector<50x40xf32> to vector<50xf32>
    %broadcast_in_dim3A_372 = vector.shape_cast %reduce_sum3A_371 : vector<50xf32> to vector<50x1xf32>
    %lt3A_373 = arith.cmpf olt, %broadcast_in_dim3A_372, %min3A_361 : vector<50x1xf32>
    %jit3A_374 = arith.constant 14 : i32
    %broadcast_in_dim3A_375 = vector.broadcast %jit3A_374 : i32 to vector<50x1xi32>
    %select_n3A_376 = arith.select %lt3A_373, %broadcast_in_dim3A_375, %select_n3A_360 : vector<50x1xi1>, vector<50x1xi32>
    %min3A_377 = arith.minimumf %min3A_361, %broadcast_in_dim3A_372 : vector<50x1xf32>
    %get3A_378 = arith.constant 0 : index
    %get3A_379 = arith.constant 15 : index
    %get3A_380 = arith.constant 0 : index
    %get3A_381 = arith.constant 0 : index
    %get3A_382 = vector.load %arg5[%get3A_378, %get3A_379, %get3A_380, %get3A_381] : memref<1x20x50x40xf32, #tpu.memory_space<vmem>>, vector<1x1x50x40xf32>
    %get3A_383 = vector.shape_cast %get3A_382 : vector<1x1x50x40xf32> to vector<50x40xf32>
    %sub3A_384 = arith.subf %dot_general3A_135, %get3A_383 : vector<50x40xf32>
    %abs3A_385 = math.absf %sub3A_384 : vector<50x40xf32>
    %reduce_sum3A_386 = arith.constant dense<0.000000e+00> : vector<50xf32>
    %reduce_sum3A_387 = vector.multi_reduction <add>, %abs3A_385, %reduce_sum3A_386 [1] : vector<50x40xf32> to vector<50xf32>
    %broadcast_in_dim3A_388 = vector.shape_cast %reduce_sum3A_387 : vector<50xf32> to vector<50x1xf32>
    %lt3A_389 = arith.cmpf olt, %broadcast_in_dim3A_388, %min3A_377 : vector<50x1xf32>
    %jit3A_390 = arith.constant 15 : i32
    %broadcast_in_dim3A_391 = vector.broadcast %jit3A_390 : i32 to vector<50x1xi32>
    %select_n3A_392 = arith.select %lt3A_389, %broadcast_in_dim3A_391, %select_n3A_376 : vector<50x1xi1>, vector<50x1xi32>
    %min3A_393 = arith.minimumf %min3A_377, %broadcast_in_dim3A_388 : vector<50x1xf32>
    %get3A_394 = arith.constant 0 : index
    %get3A_395 = arith.constant 16 : index
    %get3A_396 = arith.constant 0 : index
    %get3A_397 = arith.constant 0 : index
    %get3A_398 = vector.load %arg5[%get3A_394, %get3A_395, %get3A_396, %get3A_397] : memref<1x20x50x40xf32, #tpu.memory_space<vmem>>, vector<1x1x50x40xf32>
    %get3A_399 = vector.shape_cast %get3A_398 : vector<1x1x50x40xf32> to vector<50x40xf32>
    %sub3A_400 = arith.subf %dot_general3A_135, %get3A_399 : vector<50x40xf32>
    %abs3A_401 = math.absf %sub3A_400 : vector<50x40xf32>
    %reduce_sum3A_402 = arith.constant dense<0.000000e+00> : vector<50xf32>
    %reduce_sum3A_403 = vector.multi_reduction <add>, %abs3A_401, %reduce_sum3A_402 [1] : vector<50x40xf32> to vector<50xf32>
    %broadcast_in_dim3A_404 = vector.shape_cast %reduce_sum3A_403 : vector<50xf32> to vector<50x1xf32>
    %lt3A_405 = arith.cmpf olt, %broadcast_in_dim3A_404, %min3A_393 : vector<50x1xf32>
    %jit3A_406 = arith.constant 16 : i32
    %broadcast_in_dim3A_407 = vector.broadcast %jit3A_406 : i32 to vector<50x1xi32>
    %select_n3A_408 = arith.select %lt3A_405, %broadcast_in_dim3A_407, %select_n3A_392 : vector<50x1xi1>, vector<50x1xi32>
    %min3A_409 = arith.minimumf %min3A_393, %broadcast_in_dim3A_404 : vector<50x1xf32>
    %get3A_410 = arith.constant 0 : index
    %get3A_411 = arith.constant 17 : index
    %get3A_412 = arith.constant 0 : index
    %get3A_413 = arith.constant 0 : index
    %get3A_414 = vector.load %arg5[%get3A_410, %get3A_411, %get3A_412, %get3A_413] : memref<1x20x50x40xf32, #tpu.memory_space<vmem>>, vector<1x1x50x40xf32>
    %get3A_415 = vector.shape_cast %get3A_414 : vector<1x1x50x40xf32> to vector<50x40xf32>
    %sub3A_416 = arith.subf %dot_general3A_135, %get3A_415 : vector<50x40xf32>
    %abs3A_417 = math.absf %sub3A_416 : vector<50x40xf32>
    %reduce_sum3A_418 = arith.constant dense<0.000000e+00> : vector<50xf32>
    %reduce_sum3A_419 = vector.multi_reduction <add>, %abs3A_417, %reduce_sum3A_418 [1] : vector<50x40xf32> to vector<50xf32>
    %broadcast_in_dim3A_420 = vector.shape_cast %reduce_sum3A_419 : vector<50xf32> to vector<50x1xf32>
    %lt3A_421 = arith.cmpf olt, %broadcast_in_dim3A_420, %min3A_409 : vector<50x1xf32>
    %jit3A_422 = arith.constant 17 : i32
    %broadcast_in_dim3A_423 = vector.broadcast %jit3A_422 : i32 to vector<50x1xi32>
    %select_n3A_424 = arith.select %lt3A_421, %broadcast_in_dim3A_423, %select_n3A_408 : vector<50x1xi1>, vector<50x1xi32>
    %min3A_425 = arith.minimumf %min3A_409, %broadcast_in_dim3A_420 : vector<50x1xf32>
    %get3A_426 = arith.constant 0 : index
    %get3A_427 = arith.constant 18 : index
    %get3A_428 = arith.constant 0 : index
    %get3A_429 = arith.constant 0 : index
    %get3A_430 = vector.load %arg5[%get3A_426, %get3A_427, %get3A_428, %get3A_429] : memref<1x20x50x40xf32, #tpu.memory_space<vmem>>, vector<1x1x50x40xf32>
    %get3A_431 = vector.shape_cast %get3A_430 : vector<1x1x50x40xf32> to vector<50x40xf32>
    %sub3A_432 = arith.subf %dot_general3A_135, %get3A_431 : vector<50x40xf32>
    %abs3A_433 = math.absf %sub3A_432 : vector<50x40xf32>
    %reduce_sum3A_434 = arith.constant dense<0.000000e+00> : vector<50xf32>
    %reduce_sum3A_435 = vector.multi_reduction <add>, %abs3A_433, %reduce_sum3A_434 [1] : vector<50x40xf32> to vector<50xf32>
    %broadcast_in_dim3A_436 = vector.shape_cast %reduce_sum3A_435 : vector<50xf32> to vector<50x1xf32>
    %lt3A_437 = arith.cmpf olt, %broadcast_in_dim3A_436, %min3A_425 : vector<50x1xf32>
    %jit3A_438 = arith.constant 18 : i32
    %broadcast_in_dim3A_439 = vector.broadcast %jit3A_438 : i32 to vector<50x1xi32>
    %select_n3A_440 = arith.select %lt3A_437, %broadcast_in_dim3A_439, %select_n3A_424 : vector<50x1xi1>, vector<50x1xi32>
    %min3A_441 = arith.minimumf %min3A_425, %broadcast_in_dim3A_436 : vector<50x1xf32>
    %get3A_442 = arith.constant 0 : index
    %get3A_443 = arith.constant 19 : index
    %get3A_444 = arith.constant 0 : index
    %get3A_445 = arith.constant 0 : index
    %get3A_446 = vector.load %arg5[%get3A_442, %get3A_443, %get3A_444, %get3A_445] : memref<1x20x50x40xf32, #tpu.memory_space<vmem>>, vector<1x1x50x40xf32>
    %get3A_447 = vector.shape_cast %get3A_446 : vector<1x1x50x40xf32> to vector<50x40xf32>
    %sub3A_448 = arith.subf %dot_general3A_135, %get3A_447 : vector<50x40xf32>
    %abs3A_449 = math.absf %sub3A_448 : vector<50x40xf32>
    %reduce_sum3A_450 = arith.constant dense<0.000000e+00> : vector<50xf32>
    %reduce_sum3A_451 = vector.multi_reduction <add>, %abs3A_449, %reduce_sum3A_450 [1] : vector<50x40xf32> to vector<50xf32>
    %broadcast_in_dim3A_452 = vector.shape_cast %reduce_sum3A_451 : vector<50xf32> to vector<50x1xf32>
    %lt3A_453 = arith.cmpf olt, %broadcast_in_dim3A_452, %min3A_441 : vector<50x1xf32>
    %jit3A_454 = arith.constant 19 : i32
    %broadcast_in_dim3A_455 = vector.broadcast %jit3A_454 : i32 to vector<50x1xi32>
    %select_n3A_456 = arith.select %lt3A_453, %broadcast_in_dim3A_455, %select_n3A_440 : vector<50x1xi1>, vector<50x1xi32>
    %iota3A_457 = tpu.iota {dimensions = array<i32: 0>} : vector<50x1xi32>
    %mul3A_458 = arith.constant 20 : i32
    %mul3A_459 = vector.broadcast %mul3A_458 : i32 to vector<50x1xi32>
    %mul3A_460 = arith.muli %iota3A_457, %mul3A_459 : vector<50x1xi32>
    %add3A_461 = arith.addi %mul3A_460, %select_n3A_456 : vector<50x1xi32>
    %iota3A_462 = tpu.iota {dimensions = array<i32: 1>} : vector<50x1000xi32>
    %eq3A_463 = vector.broadcast %add3A_461 : vector<50x1xi32> to vector<50x1000xi32>
    %eq3A_464 = arith.cmpi eq, %iota3A_462, %eq3A_463 : vector<50x1000xi32>
    %convert_element_type3A_465 = arith.extui %eq3A_464 : vector<50x1000xi1> to vector<50x1000xi32>
    %convert_element_type3A_466 = arith.sitofp %convert_element_type3A_465 : vector<50x1000xi32> to vector<50x1000xf32>
    %get3A_467 = arith.constant 0 : index
    %get3A_468 = arith.constant 0 : index
    %get3A_469 = arith.constant 0 : index
    %get3A_470 = vector.load %arg6[%get3A_467, %get3A_468, %get3A_469] : memref<1x1000x40xf32, #tpu.memory_space<vmem>>, vector<1x1000x40xf32>
    %get3A_471 = vector.shape_cast %get3A_470 : vector<1x1000x40xf32> to vector<1000x40xf32>
    %dot_general3A_472 = arith.constant dense<0.000000e+00> : vector<50x40xf32>
    %dot_general3A_473 = tpu.matmul %convert_element_type3A_466, %get3A_471, %dot_general3A_472 {dimension_numbers = #tpu.dot_dimension_numbers<[1], [0], [0], [1], [0, 0, 1, 1], [], []>, transpose_lhs_hint = false} : vector<50x1000xf32>, vector<1000x40xf32>, vector<50x40xf32> -> vector<50x40xf32>
    %slice3A_474 = vector.extract_strided_slice %dot_general3A_135 {offsets = [0, 2], sizes = [50, 38], strides = [1, 1]} : vector<50x40xf32> to vector<50x38xf32>
    %slice3A_475 = vector.extract_strided_slice %dot_general3A_135 {offsets = [0, 0], sizes = [50, 38], strides = [1, 1]} : vector<50x40xf32> to vector<50x38xf32>
    %sub3A_476 = arith.subf %slice3A_474, %slice3A_475 : vector<50x38xf32>
    %slice3A_477 = vector.extract_strided_slice %dot_general3A_473 {offsets = [0, 2], sizes = [50, 38], strides = [1, 1]} : vector<50x40xf32> to vector<50x38xf32>
    %slice3A_478 = vector.extract_strided_slice %dot_general3A_473 {offsets = [0, 0], sizes = [50, 38], strides = [1, 1]} : vector<50x40xf32> to vector<50x38xf32>
    %sub3A_479 = arith.subf %slice3A_477, %slice3A_478 : vector<50x38xf32>
    %iota3A_480 = tpu.iota {dimensions = array<i32: 0>} : vector<38x19xi32>
    %jit3A_481 = arith.constant 2 : i32
    %div3A = vector.broadcast %jit3A_481 : i32 to vector<38x19xi32>
    %div3A_482 = arith.divsi %iota3A_480, %div3A : vector<38x19xi32>
    %sign3A = arith.constant 0 : i32
    %sign3A_483 = vector.broadcast %sign3A : i32 to vector<38x19xi32>
    %sign3A_484 = arith.cmpi sgt, %iota3A_480, %sign3A_483 : vector<38x19xi32>
    %sign3A_485 = arith.extui %sign3A_484 : vector<38x19xi1> to vector<38x19xi32>
    %sign3A_486 = arith.constant 0 : i32
    %sign3A_487 = vector.broadcast %sign3A_486 : i32 to vector<38x19xi32>
    %sign3A_488 = arith.cmpi slt, %iota3A_480, %sign3A_487 : vector<38x19xi32>
    %sign3A_489 = arith.extui %sign3A_488 : vector<38x19xi1> to vector<38x19xi32>
    %sign3A_490 = arith.subi %sign3A_485, %sign3A_489 : vector<38x19xi32>
    %sign3A_491 = arith.constant 0 : i32
    %sign3A_492 = arith.cmpi sgt, %jit3A_481, %sign3A_491 : i32
    %sign3A_493 = arith.extui %sign3A_492 : i1 to i32
    %sign3A_494 = arith.constant 0 : i32
    %sign3A_495 = arith.cmpi slt, %jit3A_481, %sign3A_494 : i32
    %sign3A_496 = arith.extui %sign3A_495 : i1 to i32
    %sign3A_497 = arith.subi %sign3A_493, %sign3A_496 : i32
    %ne3A = vector.broadcast %sign3A_497 : i32 to vector<38x19xi32>
    %ne3A_498 = arith.cmpi ne, %sign3A_490, %ne3A : vector<38x19xi32>
    %rem3A = vector.broadcast %jit3A_481 : i32 to vector<38x19xi32>
    %rem3A_499 = arith.remsi %iota3A_480, %rem3A : vector<38x19xi32>
    %ne3A_500 = arith.constant 0 : i32
    %ne3A_501 = vector.broadcast %ne3A_500 : i32 to vector<38x19xi32>
    %ne3A_502 = arith.cmpi ne, %rem3A_499, %ne3A_501 : vector<38x19xi32>
    %and3A_503 = arith.andi %ne3A_498, %ne3A_502 : vector<38x19xi1>
    %sub3A_504 = arith.constant 1 : i32
    %sub3A_505 = vector.broadcast %sub3A_504 : i32 to vector<38x19xi32>
    %sub3A_506 = arith.subi %div3A_482, %sub3A_505 : vector<38x19xi32>
    %select_n3A_507 = arith.select %and3A_503, %sub3A_506, %div3A_482 : vector<38x19xi1>, vector<38x19xi32>
    %iota3A_508 = tpu.iota {dimensions = array<i32: 1>} : vector<38x19xi32>
    %eq3A_509 = arith.cmpi eq, %select_n3A_507, %iota3A_508 : vector<38x19xi32>
    %convert_element_type3A_510 = arith.extui %eq3A_509 : vector<38x19xi1> to vector<38x19xi32>
    %convert_element_type3A_511 = arith.sitofp %convert_element_type3A_510 : vector<38x19xi32> to vector<38x19xf32>
    %mul3A_512 = arith.mulf %sub3A_476, %sub3A_479 : vector<50x38xf32>
    %mul3A_513 = arith.mulf %sub3A_476, %sub3A_476 : vector<50x38xf32>
    %mul3A_514 = arith.mulf %sub3A_479, %sub3A_479 : vector<50x38xf32>
    %concatenate3A = tpu.concatenate %mul3A_512, %mul3A_513, %mul3A_514 in 0 : vector<50x38xf32>, vector<50x38xf32>, vector<50x38xf32> -> vector<150x38xf32>
    %dot_general3A_515 = arith.constant dense<0.000000e+00> : vector<150x19xf32>
    %dot_general3A_516 = tpu.matmul %concatenate3A, %convert_element_type3A_511, %dot_general3A_515 {dimension_numbers = #tpu.dot_dimension_numbers<[1], [0], [0], [1], [0, 0, 1, 1], [], []>, transpose_lhs_hint = false} : vector<150x38xf32>, vector<38x19xf32>, vector<150x19xf32> -> vector<150x19xf32>
    %slice3A_517 = vector.extract_strided_slice %dot_general3A_516 {offsets = [0, 0], sizes = [50, 19], strides = [1, 1]} : vector<150x19xf32> to vector<50x19xf32>
    %slice3A_518 = vector.extract_strided_slice %dot_general3A_516 {offsets = [50, 0], sizes = [50, 19], strides = [1, 1]} : vector<150x19xf32> to vector<50x19xf32>
    %slice3A_519 = vector.extract_strided_slice %dot_general3A_516 {offsets = [100, 0], sizes = [50, 19], strides = [1, 1]} : vector<150x19xf32> to vector<50x19xf32>
    %sqrt3A = math.sqrt %slice3A_518 : vector<50x19xf32>
    %sqrt3A_520 = math.sqrt %slice3A_519 : vector<50x19xf32>
    %mul3A_521 = arith.mulf %sqrt3A, %sqrt3A_520 : vector<50x19xf32>
    %add3A_522 = arith.constant 9.99999993E-9 : f32
    %add3A_523 = vector.broadcast %add3A_522 : f32 to vector<50x19xf32>
    %add3A_524 = arith.addf %mul3A_521, %add3A_523 : vector<50x19xf32>
    %div3A_525 = arith.divf %slice3A_517, %add3A_524 : vector<50x19xf32>
    %sub3A_526 = arith.constant 1.000000e+00 : f32
    %sub3A_527 = vector.broadcast %sub3A_526 : f32 to vector<50x19xf32>
    %sub3A_528 = arith.subf %sub3A_527, %div3A_525 : vector<50x19xf32>
    %mul3A_529 = vector.broadcast %broadcast_in_dim3A_117 : vector<50x1xf32> to vector<50x19xf32>
    %mul3A_530 = arith.mulf %sub3A_528, %mul3A_529 : vector<50x19xf32>
    %reduce_sum3A_531 = vector.shape_cast %mul3A_530 : vector<50x19xf32> to vector<1x50x19xf32>
    %reduce_sum3A_532 = arith.constant dense<0.000000e+00> : vector<1xf32>
    %reduce_sum3A_533 = vector.multi_reduction <add>, %reduce_sum3A_531, %reduce_sum3A_532 [1, 2] : vector<1x50x19xf32> to vector<1xf32>
    %reduce_sum3A_534 = vector.shape_cast %reduce_sum3A_533 : vector<1xf32> to vector<1x1x1xf32>
    %reduce_sum3A_535 = vector.extract %reduce_sum3A_534[0, 0, 0] : f32 from vector<1x1x1xf32>
    %iota3A_536 = tpu.iota {dimensions = array<i32: 0>} : vector<8x128xi32>
    %eq3A_537 = arith.constant 0 : i32
    %eq3A_538 = vector.broadcast %eq3A_537 : i32 to vector<8x128xi32>
    %eq3A_539 = arith.cmpi eq, %iota3A_536, %eq3A_538 : vector<8x128xi32>
    %jit3A_540 = arith.constant 0.000000e+00 : f32
    %broadcast_in_dim3A_541 = vector.broadcast %reduce_sum3A_122 : f32 to vector<8x128xf32>
    %broadcast_in_dim3A_542 = vector.broadcast %jit3A_540 : f32 to vector<8x128xf32>
    %select_n3A_543 = arith.select %eq3A_539, %broadcast_in_dim3A_541, %broadcast_in_dim3A_542 : vector<8x128xi1>, vector<8x128xf32>
    %eq3A_544 = arith.constant 1 : i32
    %eq3A_545 = vector.broadcast %eq3A_544 : i32 to vector<8x128xi32>
    %eq3A_546 = arith.cmpi eq, %iota3A_536, %eq3A_545 : vector<8x128xi32>
    %jit3A_547 = arith.constant 0.000000e+00 : f32
    %broadcast_in_dim3A_548 = vector.broadcast %reduce_sum3A_128 : f32 to vector<8x128xf32>
    %broadcast_in_dim3A_549 = vector.broadcast %jit3A_547 : f32 to vector<8x128xf32>
    %select_n3A_550 = arith.select %eq3A_546, %broadcast_in_dim3A_548, %broadcast_in_dim3A_549 : vector<8x128xi1>, vector<8x128xf32>
    %add3A_551 = arith.addf %select_n3A_543, %select_n3A_550 : vector<8x128xf32>
    %eq3A_552 = arith.constant 2 : i32
    %eq3A_553 = vector.broadcast %eq3A_552 : i32 to vector<8x128xi32>
    %eq3A_554 = arith.cmpi eq, %iota3A_536, %eq3A_553 : vector<8x128xi32>
    %jit3A_555 = arith.constant 0.000000e+00 : f32
    %broadcast_in_dim3A_556 = vector.broadcast %reduce_sum3A_134 : f32 to vector<8x128xf32>
    %broadcast_in_dim3A_557 = vector.broadcast %jit3A_555 : f32 to vector<8x128xf32>
    %select_n3A_558 = arith.select %eq3A_554, %broadcast_in_dim3A_556, %broadcast_in_dim3A_557 : vector<8x128xi1>, vector<8x128xf32>
    %add3A_559 = arith.addf %add3A_551, %select_n3A_558 : vector<8x128xf32>
    %eq3A_560 = arith.constant 4 : i32
    %eq3A_561 = vector.broadcast %eq3A_560 : i32 to vector<8x128xi32>
    %eq3A_562 = arith.cmpi eq, %iota3A_536, %eq3A_561 : vector<8x128xi32>
    %jit3A_563 = arith.constant 0.000000e+00 : f32
    %broadcast_in_dim3A_564 = vector.broadcast %reduce_sum3A_535 : f32 to vector<8x128xf32>
    %broadcast_in_dim3A_565 = vector.broadcast %jit3A_563 : f32 to vector<8x128xf32>
    %select_n3A_566 = arith.select %eq3A_562, %broadcast_in_dim3A_564, %broadcast_in_dim3A_565 : vector<8x128xi1>, vector<8x128xf32>
    %add3A_567 = arith.addf %add3A_559, %select_n3A_566 : vector<8x128xf32>
    %swap3A = arith.constant 0 : index
    %swap3A_568 = arith.constant 0 : index
    %swap3A_569 = arith.constant 0 : index
    %swap3A_570 = arith.constant 0 : index
    %swap3A_571 = vector.load %arg9[%swap3A, %swap3A_568, %swap3A_569, %swap3A_570] : memref<1x1x8x128xf32, #tpu.memory_space<vmem>>, vector<1x1x8x128xf32>
    %swap3A_572 = vector.shape_cast %swap3A_571 : vector<1x1x8x128xf32> to vector<8x128xf32>
    %swap3A_573 = vector.shape_cast %add3A_567 : vector<8x128xf32> to vector<1x1x8x128xf32>
    tpu.vector_store %arg9[%swap3A, %swap3A_568, %swap3A_569, %swap3A_570], %swap3A_573 {strides = array<i32>} : memref<1x1x8x128xf32, #tpu.memory_space<vmem>>, vector<1x1x8x128xf32>,
    return
  }
  func.func @transform_0(%arg0: i32, %arg1: i32) -> (i32, i32, i32, i32) {
    %c0_i32 = arith.constant 0 : i32
    %c0_i32_0 = arith.constant 0 : i32
    %c0_i32_1 = arith.constant 0 : i32
    return %arg1, %arg0, %c0_i32, %c0_i32_0 : i32, i32, i32, i32
  }
  func.func @transform_1(%arg0: i32, %arg1: i32) -> (i32, i32, i32, i32) {
    %c0_i32 = arith.constant 0 : i32
    %c0_i32_0 = arith.constant 0 : i32
    %c0_i32_1 = arith.constant 0 : i32
    return %arg1, %arg0, %c0_i32, %c0_i32_0 : i32, i32, i32, i32
  }
  func.func @transform_2(%arg0: i32, %arg1: i32) -> (i32, i32, i32, i32) {
    %c0_i32 = arith.constant 0 : i32
    %c0_i32_0 = arith.constant 0 : i32
    %c0_i32_1 = arith.constant 0 : i32
    return %arg1, %arg0, %c0_i32, %c0_i32_0 : i32, i32, i32, i32
  }
  func.func @transform_3(%arg0: i32, %arg1: i32) -> (i32, i32, i32, i32) {
    %c0_i32 = arith.constant 0 : i32
    %c0_i32_0 = arith.constant 0 : i32
    %c0_i32_1 = arith.constant 0 : i32
    %c0_i32_2 = arith.constant 0 : i32
    return %arg0, %c0_i32, %c0_i32_0, %c0_i32_1 : i32, i32, i32, i32
  }
  func.func @transform_4(%arg0: i32, %arg1: i32) -> (i32, i32, i32) {
    %c0_i32 = arith.constant 0 : i32
    %c0_i32_0 = arith.constant 0 : i32
    %c0_i32_1 = arith.constant 0 : i32
    return %arg0, %c0_i32, %c0_i32_0 : i32, i32, i32
  }
  func.func @transform_5(%arg0: i32, %arg1: i32) -> (i32, i32, i32, i32) {
    %c0_i32 = arith.constant 0 : i32
    %c0_i32_0 = arith.constant 0 : i32
    %c0_i32_1 = arith.constant 0 : i32
    return %arg1, %arg0, %c0_i32, %c0_i32_0 : i32, i32, i32, i32
  }
  func.func @transform_6(%arg0: i32, %arg1: i32) -> (i32, i32, i32) {
    %c0_i32 = arith.constant 0 : i32
    %c0_i32_0 = arith.constant 0 : i32
    %c0_i32_1 = arith.constant 0 : i32
    return %arg0, %c0_i32, %c0_i32_0 : i32, i32, i32
  }
  func.func @transform_7(%arg0: i32, %arg1: i32) -> (i32, i32, i32, i32) {
    %c0_i32 = arith.constant 0 : i32
    %c0_i32_0 = arith.constant 0 : i32
    %c0_i32_1 = arith.constant 0 : i32
    return %arg1, %arg0, %c0_i32, %c0_i32_0 : i32, i32, i32, i32
  }
}

</mosaic_0001>

<sc_bundles>
// kernel: kernel.5.cloned.1.call-start
scs
__scs_entry_jumppad:
0x0: {  	(pc) =	sbr.rel $0x88, $3  }
0x1: {  	(tag) =	ssettag $0x0;
	lr =	simm.s32 $0x1  }
0x2: {  	[smem:$0x3F9D] =	sst lr;
	_ =	strace $0xD0000000  }
0x3: {  	_ = 	snop  }
0x4: {  	_ = 	snop  }
0x5: {  	_ = 	snop  }
0x6: {  	_ = 	snop  }
0x7: {  	_ = 	snop  }
__scs_overlays_trampoline_lowered:
0x8: {  	[smem:$0x3FAC] =	sst s0  }
0x9: {  	[smem:$0x3FAD] =	sst s1  }
0xa: {  	[smem:$0x3FAE] =	sst s2  }
0xb: {  	[smem:$0x3FAF] =	sst s3  }
0xc: {  	[smem:$0x3FB0] =	sst s4  }
0xd: {  	[smem:$0x3FB1] =	sst s5  }
0xe: {  	[smem:$0x3FB2] =	sst s6  }
0xf: {  	[smem:$0x3FB3] =	sst s7  }
0x10: {  	[smem:$0x3FB4] =	sst s8  }
0x11: {  	[smem:$0x3FB5] =	sst s9;
	s0 =	simm.s32 @!p0 $0x0  }
0x12: {  	s1 =	sld [smem:$0x3F9B];
	s0 =	simm.s32 @p0 $0x1  }
0x13: {  	[smem:$0x3FB6] =	sst s0;
	s0 =	simm.s32 @!p1 $0x0  }
0x14: {  	s2 =	sld [smem:$0x3F9A];
	s0 =	simm.s32 @p1 $0x1  }
0x15: {  	[smem:$0x3FB7] =	sst s0;
	s0 =	simm.s32 @!p2 $0x0  }
0x16: {  	s3 =	sld [smem:$0x3FDB];
	s0 =	simm.s32 @p2 $0x1  }
0x17: {  	s4 =	simm.s32 $0x1BF5;
	[smem:$0x3FB9] =	sst s0  }
0x18: {  	s0 =	sld [smem:$0x3F9C];
	_ =	swait.ge [sflag:s4], $0x0  }
0x19: {  	s7 =	sld [smem:$0x3F9D]  }
0x1a: {  	s8 =	sadd.s32 $0xFFFFE003, lr  }
0x1b: {  	s9 =	sadd.s32 $0xFFFFFEF7, lr;
	s5 =	simm.s32 $0xFFFFFFFF;
	p2 =	slt.u32 s8, $0xFFFFF086  }
0x1c: {  	p1 =	slt.u32 s9, $0xF7A;
	s5 =	simm.s32 @!p2 $0x0  }
0x1d: {  	s5 =	simm.s32 @p1 $0x1;
	p0 =	seq.s32 s7, s2  }
0x1e: {  	s7 =	smul.u32 @!p0 $0xF7A, s2;
	p2 =	seq.s32 @!p0 s5, $0x0  }
0x1f: {  	s9 =	smul.u32 $0xF7A, s1;
	s8 =	simm.s32 @!p0 $0x1BF5;
	p2 =	por !p2, p0  }
0x20: {  	[sflag:s8] =	ssyncset.s32 @!p0 $0xFFFFF086;
	s6 =	sadd.s32 @!p0 s3, s7;
	s7 =	simm.s32 @!p0 $0x108  }
0x21: {  	s3 =	sadd.s32 s3, s9;
	s6 =	sadd.s32 @!p0 $0x88, s6;
	s7 =	simm.s32 @p2 $0x1082  }
0x22: {  	[simem:s7], [sflag:s8] =	dma.local @!p0 [hbm:s6], $0xF7A  }
0x23: {  	s9 =	sor.u32 $0xD0000000, s2;
	s6 =	simm.s32 $0x108;
	_ =	swait.ge @!p0 [sflag:s8], $0x0  }
0x24: {  	s3 =	sadd.s32 $0x88, s3;
	s6 =	simm.s32 @!p1 $0x1082;
	[sflag:s4] =	ssyncset.s32 $0xFFFFF086  }
0x25: {  	[simem:s6], [sflag:s4] =	dma.local [hbm:s3], $0xF7A  }
0x26: {  	[smem:$0x3F9D] =	sst s1;
	(tag) =	ssettag s2;
	_ =	strace s9  }
0x27: {  	s1 =	sld [smem:$0x3FAD]  }
0x28: {  	s2 =	sld [smem:$0x3FAE]  }
0x29: {  	s4 =	sld [smem:$0x3FB0]  }
0x2a: {  	p0 =	seq.s32 s5, $0x0;
	s5 =	sld [smem:$0x3FB1]  }
0x2b: {  	s6 =	sld [smem:$0x3FB2]  }
0x2c: {  	s7 =	sld [smem:$0x3FB3]  }
0x2d: {  	s3 =	simm.s32 $0x108;
	s8 =	sld [smem:$0x3FB4]  }
0x2e: {  	s3 =	simm.s32 @!p0 $0x1082;
	s9 =	sld [smem:$0x3FB5]  }
0x2f: {  	lr =	sadd.s32 s0, s3;
	s0 =	sld [smem:$0x3FAC]  }
0x30: {  	s3 =	sld [smem:$0x3FAF]  }
0x31: {  	[smem:$0x3FB8] =	sst s10  }
0x32: {  	s10 =	sld [smem:$0x3FB6];
	_ =	sdelay $0x3  }
0x33: {  	p0 =	seq.s32 s10, $0x1;
	s10 =	sld [smem:$0x3FB8];
	_ =	sdelay $0x3  }
0x34: {  	[smem:$0x3FB8] =	sst s10  }
0x35: {  	s10 =	sld [smem:$0x3FB7];
	_ =	sdelay $0x3  }
0x36: {  	p1 =	seq.s32 s10, $0x1;
	s10 =	sld [smem:$0x3FB8];
	_ =	sdelay $0x3  }
0x37: {  	[smem:$0x3FB8] =	sst s10  }
0x38: {  	s10 =	sld [smem:$0x3FB9]  }
0x39: {  	_ = 	snop;
	(pc) =	sbr.ind lr, $3  }
0x3a: {  	_ = 	snop  }
0x3b: {  	_ = 	snop  }
0x3c: {  	p2 =	seq.s32 s10, $0x1;
	s10 =	sld [smem:$0x3FB8]  }
0x3d: {  	_ =	shalt  }
0x3e: {  	_ =	shalt  }
0x3f: {  	_ =	shalt  }
0x40: {  	_ =	shalt  }
0x41: {  	_ =	shalt  }
0x42: {  	_ =	shalt  }
0x43: {  	_ =	shalt  }
0x44: {  	_ =	shalt  }
0x45: {  	_ =	shalt  }
0x46: {  	_ =	shalt  }
0x47: {  	_ =	shalt  }
0x48: {  	_ =	shalt  }
0x49: {  	_ =	shalt  }
0x4a: {  	_ =	shalt  }
0x4b: {  	_ =	shalt  }
0x4c: {  	_ =	shalt  }
0x4d: {  	_ =	shalt  }
0x4e: {  	_ =	shalt  }
0x4f: {  	_ =	shalt  }
0x50: {  	_ =	shalt  }
0x51: {  	_ =	shalt  }
0x52: {  	_ =	shalt  }
0x53: {  	_ =	shalt  }
0x54: {  	_ =	shalt  }
0x55: {  	_ =	shalt  }
0x56: {  	_ =	shalt  }
0x57: {  	_ =	shalt  }
0x58: {  	_ =	shalt  }
0x59: {  	_ =	shalt  }
0x5a: {  	_ =	shalt  }
0x5b: {  	_ =	shalt  }
0x5c: {  	_ =	shalt  }
0x5d: {  	_ =	shalt  }
0x5e: {  	_ =	shalt  }
0x5f: {  	_ =	shalt  }
0x60: {  	_ =	shalt  }
0x61: {  	_ =	shalt  }
0x62: {  	_ =	shalt  }
0x63: {  	_ =	shalt  }
0x64: {  	_ =	shalt  }
0x65: {  	_ =	shalt  }
0x66: {  	_ =	shalt  }
0x67: {  	_ =	shalt  }
0x68: {  	_ =	shalt  }
0x69: {  	_ =	shalt  }
0x6a: {  	_ =	shalt  }
0x6b: {  	_ =	shalt  }
0x6c: {  	_ =	shalt  }
0x6d: {  	_ =	shalt  }
0x6e: {  	_ =	shalt  }
0x6f: {  	_ =	shalt  }
0x70: {  	_ =	shalt  }
0x71: {  	_ =	shalt  }
0x72: {  	_ =	shalt  }
0x73: {  	_ =	shalt  }
0x74: {  	_ =	shalt  }
0x75: {  	_ =	shalt  }
0x76: {  	_ =	shalt  }
0x77: {  	_ =	shalt  }
0x78: {  	_ =	shalt  }
0x79: {  	_ =	shalt  }
0x7a: {  	_ =	shalt  }
0x7b: {  	_ =	shalt  }
0x7c: {  	_ =	shalt  }
0x7d: {  	_ =	shalt  }
0x7e: {  	_ =	shalt  }
0x7f: {  	_ =	shalt  }
0x80: {  	_ =	shalt  }
0x81: {  	_ =	shalt  }
0x82: {  	_ =	shalt  }
0x83: {  	_ =	shalt  }
0x84: {  	_ =	shalt  }
0x85: {  	_ =	shalt  }
0x86: {  	_ =	shalt  }
0x87: {  	_ =	shalt  }
.Lfunc_end0:
.L_simem_size_0:
called_computation_lowered:
.L_overlay_start_0:
0x88: {  	s2 =	sld [smem:$0x3FD9]  }
0x89: {  	s3 =	sld [smem:$0x3FFE];
	_ =	sdelay $0x1  }
0x8a: {  	s1 =	srdreg.scid  }
0x8b: {  	s0 =	sand.u32 $0x1, s1  }
0x8c: {  	s16 =	sshll.u32 s0, $0xA;
	s2 =	sadd.s32 s3, s2  }
0x8d: {  	s2 =	sadd.s32 s2, s16  }
0x8e: {  	[smem:$0x3FC4] =	sst s2  }
0x8f: {  	_ = 	snop  }
0x90: {  	(tm) =	ssettm $0x1  }
0x91: {  	s17 =	sld [smem:$0x3FFB];
	_ =	sdelay $0x3  }
0x92: {  	_ =	strace s17  }
0x93: {  	s2 =	sld [smem:$0x3FFC];
	_ =	sdelay $0x3  }
0x94: {  	_ =	strace s2  }
0x95: {  	s2 =	sld [smem:$0x3FFD];
	_ =	sdelay $0x3  }
0x96: {  	_ =	strace s2  }
0x97: {  	_ =	strace $0x8FFFFFFF  }
0x98: {  	s18 =	sld [smem:$0x3FDB];
	_ =	sdelay $0x1  }
0x99: {  	s19 =	simm.s32 $_scs_section_size  }
0x9a: {  	s4 =	simm.s32 $_size__tile_overlayer_lowered;
	s5 =	simm.s32 $_tile_overlayer_lowered  }
0x9b: {  	s22 =	simm.s32 $0x1BFF;
	s21 =	sshll.u32 s5, $0x1;
	s2 =	sadd.s32 s19, s18  }
0x9c: {  	s6 =	simm.s32 $0x0;
	s20 =	sshll.u32 s4, $0x1;
	s4 =	sadd.s32 s21, s2  }
0x9d: {  	[timem:s6], [sflag:s22] =	dma.local [hbm:s4], s20  }
0x9e: {  	_ =	swait.ge [sflag:s22], s20  }
0x9f: {  	s3 =	ssub.s32 $0x0, s20;
	[sflag:s22] =	ssyncset.done $0x0  }
0xa0: {  	[sflag:s22] =	ssyncadd.s32 s3;
	_ =	sdelay $0x1  }
0xa1: {  	s23 =	simm.s32 $0x1B8B  }
0xa2: {  	_ =	swait.ge [sflag:s23], $0x1  }
0xa3: {  	[sflag:s23] =	ssyncset.done $0x0  }
0xa4: {  	s25 =	simm.s32 $0x1B8E;
	s24 =	sld [smem:$0x3FFE];
	[sflag:s23] =	ssyncadd.s32 $0xFFFFFFFF  }
0xa5: {  	s26 =	simm.s32 $execute0_lowered;
	[smem:$0x3FD2] =	sst s25  }
0xa6: {  	s4 =	sshll.u32 s26, $0x1;
	_ =	strace $0x80000046;
	[dreg:$0x1] =	wrdreg $0xFFFFFFFF  }
0xa7: {  	s28 =	simm.s32 $_size_execute0_lowered;
	s2 =	sadd.s32 s2, s4;
	[dreg:$0x0] =	wrdreg $0x0  }
0xa8: {  	s4 =	sshll.u32 s28, $0x1;
	[dreg:$0x2] =	wrdreg s2  }
0xa9: {  	[dreg:$0x3] =	wrdreg s4  }
0xaa: {  	[dreg:$0x4] =	wrdreg $0xC0  }
0xab: {  	_ =	task [dreg:s6], $0x5FFFF  }
0xac: {  	[dreg:$0x1] =	wrdreg $0xFFFFFFFF  }
0xad: {  	[dreg:$0x0] =	wrdreg $0x60  }
0xae: {  	[dreg:$0x2] =	wrdreg s24  }
0xaf: {  	[dreg:$0x3] =	wrdreg $0x9  }
0xb0: {  	_ =	task.clear_ibuf [dreg:s6], $0x4FFFF;
	_ =	strace $0x90000046  }
0xb1: {  	s29 =	simm.s32 $0x9;
	_ =	strace $0x80000048  }
0xb2: {  	_ =	swait.ge [sflag:s29], $0x1  }
0xb3: {  	[sflag:s29] =	ssyncadd.s32 $0xFFFFFFFF  }
0xb4: {  	_ =	strace $0x90000048  }
0xb5: {  	_ =	sfence  }
0xb6: {  	s30 =	sld [smem:$0x0];
	_ =	sdelay $0x2  }
0xb7: {  	s31 =	sshll.u32 s1, $0xD;
	s1 =	sshrl.u32 s1, $0x2  }
0xb8: {  	s3 =	sand.u32 $0x4000, s31;
	s1 =	sadd.s32 s1, s30  }
0xb9: {  	s0 =	sor.u32 s3, s0;
	s1 =	sshll.u32 s1, $0x11  }
0xba: {  	s0 =	sor.u32 s1, s0  }
0xbb: {  	s0 =	sadd.s32 $0x8F2B, s0  }
0xbc: {  	[sflag:s0] =	ssyncadd.remote.s32 $0x1  }
0xbd: {  	_ =	sfence.sel $0xFFFF  }
0xbe: {  	[dreg:$0x0] =	wrdreg $0xFFFFFFFF;
	(pc) =	sbr.abs _section_cstart, $3  }
0xbf: {  	[dreg:$0x1] =	wrdreg $0xFFFFFFFF  }
0xc0: {  	_ =	task.clear_ibuf [dreg:s6], $0x2FFFF;
	_ =	strace $0x9FFFFFFF  }
0xc1: {  	(tm) =	ssettm $0x7FFFFFFF  }
tec
execute0_lowered:
.L_overlay_start_1:
0x0: {  	(tag) =	ssettag $0x1  }
0x1: {  	s1 =	rddreg [dreg:$0x0]  }
0x2: {  	s0 =	rddreg [dreg:$0x1]  }
0x3: {  	s2 =	simm.s32 $0x0;
	s3 =	srdreg.scid;
	s10 =	simm.s32 $0x6400  }
0x4: {  	s11 =	simm.s32 $0x1;
	s12 =	simm.s32 $0x7800;
	s4 =	sand.u32 $0x1, s3  }
0x5: {  	s13 =	simm.s32 $0x0;
	[smem:$0x7FF] =	sst s2;
	s7 =	ssub.s32 $0x2, s4  }
0x6: {  	s5 =	sadd.s32 $0xFA00, s1;
	s3 =	stileid.u32;
	s8 =	sshrl.u32 s7, $0x1  }
0x7: {  	s6 =	sadd.s32 $0x4BA00, s1;
	s9 =	ssub.s32 s7, s8;
	s7 =	smul.u32 $0x1400, s3  }
0x8: {  	_ =	strace $0x80000047;
	s8 =	smul.u32 $0x1C00, s3;
	s9 =	smax.u32 s9, $0x1  }
.LBB2_1:
0x9: {  	s14 =	simm.s32 $0x0  }
.LBB2_2:
0xa: {  	s15 =	sshll.u32 s14, $0x1  }
0xb: {  	s15 =	sor.u32 s4, s15  }
0xc: {  	s16 =	smul.u32 $0x14000, s15;
	_ =	sdelay $0x1  }
0xd: {  	s16 =	sadd.s32 s7, s16  }
0xe: {  	s16 =	sshrl.u32 s16, $0x3  }
0xf: {  	s17 =	sadd.s32 s5, s16;
	s16 =	simm.s32 $0x0  }
0x10: {  	[tilespmem:s10], [sflag:$0x1] =	stream.linear.gather [hbm4b:s17+s16], $0x1400, $0x38;
	[tilespmem:$0x9400] =	vst v63  }
0x11: {  	_ =	swait.ge [sflag:s11], $0x1400  }
0x12: {  	s31 =	sand.u32 $0x3, s15;
	[sflag:s11] =	ssyncset.done $0x0  }
0x13: {  	s18 =	simm.s32 $0x0;
	s17 =	smul.u32 $0x1F400, s31;
	[sflag:s11] =	ssyncadd.s32 $0xFFFFEC00  }
.LBB2_3:
0x14: {  	s19 =	smul.u32 $0x6400, s18;
	_ =	sdelay $0x1  }
0x15: {  	s19 =	sadd.s32 s17, s19  }
0x16: {  	s19 =	sshrl.u32 s19, $0x3  }
0x17: {  	s19 =	sadd.s32 s1, s19  }
0x18: {  	[tilespmem:s16], [sflag:$0x1] =	stream.linear.gather [hbm4b:s19+s16], $0x6400, $0x38;
	[tilespmem:$0x9400] =	vst v63  }
0x19: {  	_ =	swait.ge [sflag:s11], $0x6400  }
0x1a: {  	s20 =	simm.s32 $0x0;
	[sflag:s11] =	ssyncset.done $0x0  }
0x1b: {  	s21 =	simm.s32 $0x0;
	s19 =	smul.u32 $0xA, s18;
	[sflag:s11] =	ssyncadd.s32 $0xFFFF9C00  }
.LBB2_4:
0x1c: {  	v0 =	vmov s20;
	_ =	sdelay $0x3  }
0x1d: {  	s22 =	simm.s32 $0x0  }
0x1e: {  	v1 =	vld.idx.msk [tilespmem:v0+s22+$0x0 ss:$0x1], $0xffff  }
0x1f: {  	v35 =	vld [tilespmem:$0x6400]  }
0x20: {  	v36 =	vld [tilespmem:$0x6480];
	_ =	sdelay $0x1  }
0x21: {  	v37 =	vld [tilespmem:$0x6500]  }
0x22: {  	v2 =	vbroadcast v1, $0x0;
	v3 =	vbroadcast v1, $0x1  }
0x23: {  	v31 =	vld [tilespmem:$0x6580]  }
0x24: {  	v4 =	vbroadcast v1, $0x2;
	v2 =	vsub.f32 v35, v2;
	v3 =	vsub.f32 v36, v3  }
0x25: {  	v29 =	vld [tilespmem:$0x6600];
	v5 =	vbroadcast v1, $0x3  }
0x26: {  	v4 =	vsub.f32 v37, v4;
	v2 =	vand.u32 $0x7FFFFFFF, v2;
	v3 =	vand.u32 $0x7FFFFFFF, v3  }
0x27: {  	v30 =	vld [tilespmem:$0x6680];
	v2 =	vadd.f32 v3, v2  }
0x28: {  	v5 =	vsub.f32 v31, v5;
	v4 =	vand.u32 $0x7FFFFFFF, v4;
	v3 =	vbroadcast v1, $0x4  }
0x29: {  	v32 =	vld [tilespmem:$0x6700];
	v2 =	vadd.f32 v4, v2  }
0x2a: {  	v5 =	vand.u32 $0x7FFFFFFF, v5;
	v4 =	vbroadcast v1, $0x5;
	v3 =	vsub.f32 v29, v3  }
0x2b: {  	v33 =	vld [tilespmem:$0x6780];
	v2 =	vadd.f32 v5, v2  }
0x2c: {  	v5 =	vbroadcast v1, $0x6;
	v3 =	vand.u32 $0x7FFFFFFF, v3;
	v4 =	vsub.f32 v30, v4  }
0x2d: {  	v38 =	vld [tilespmem:$0x6800];
	v2 =	vadd.f32 v3, v2  }
0x2e: {  	v3 =	vbroadcast v1, $0x7;
	v4 =	vand.u32 $0x7FFFFFFF, v4;
	v5 =	vsub.f32 v32, v5  }
0x2f: {  	v40 =	vld [tilespmem:$0x6880];
	v2 =	vadd.f32 v4, v2  }
0x30: {  	v4 =	vbroadcast v1, $0x8;
	v5 =	vand.u32 $0x7FFFFFFF, v5;
	v3 =	vsub.f32 v33, v3  }
0x31: {  	v41 =	vld [tilespmem:$0x6900];
	v2 =	vadd.f32 v5, v2  }
0x32: {  	v5 =	vbroadcast v1, $0x9;
	v3 =	vand.u32 $0x7FFFFFFF, v3;
	v4 =	vsub.f32 v38, v4  }
0x33: {  	v39 =	vld [tilespmem:$0x6980];
	v2 =	vadd.f32 v3, v2  }
0x34: {  	v3 =	vbroadcast v1, $0xA;
	v4 =	vand.u32 $0x7FFFFFFF, v4;
	v5 =	vsub.f32 v40, v5  }
0x35: {  	v34 =	vld [tilespmem:$0x6A00];
	v2 =	vadd.f32 v4, v2  }
0x36: {  	v27 =	vld [tilespmem:$0x6A80];
	v4 =	vbroadcast v1, $0xB;
	v5 =	vand.u32 $0x7FFFFFFF, v5;
	v3 =	vsub.f32 v41, v3  }
0x37: {  	v28 =	vld [tilespmem:$0x6B00];
	v2 =	vadd.f32 v5, v2  }
0x38: {  	v26 =	vld [tilespmem:$0x6B80];
	v5 =	vbroadcast v1, $0xC;
	v3 =	vand.u32 $0x7FFFFFFF, v3;
	v4 =	vsub.f32 v39, v4  }
0x39: {  	v25 =	vld [tilespmem:$0x6C00];
	v2 =	vadd.f32 v3, v2  }
0x3a: {  	v46 =	vld.idx.msk [tilespmem:v0+s22+$0x10 ss:$0x1], $0xffff;
	v3 =	vbroadcast v1, $0xD;
	v4 =	vand.u32 $0x7FFFFFFF, v4;
	v5 =	vsub.f32 v34, v5  }
0x3b: {  	v23 =	vld [tilespmem:$0x6C80];
	v2 =	vadd.f32 v4, v2  }
0x3c: {  	v6 =	vbroadcast v1, $0xE;
	v4 =	vld.idx.msk [tilespmem:v0+s22+$0x20 ss:$0x1], $0xffff;
	v5 =	vand.u32 $0x7FFFFFFF, v5;
	v3 =	vsub.f32 v27, v3  }
0x3d: {  	v22 =	vld [tilespmem:$0x6D00];
	v2 =	vadd.f32 v5, v2  }
0x3e: {  	v20 =	vld [tilespmem:$0x6D80];
	v3 =	vand.u32 $0x7FFFFFFF, v3;
	v5 =	vsub.f32 v28, v6;
	v6 =	vbroadcast v1, $0xF  }
0x3f: {  	v24 =	vld [tilespmem:$0x6E00];
	v15 =	vbroadcast v46, $0x3;
	v2 =	vadd.f32 v3, v2  }
0x40: {  	v21 =	vld [tilespmem:$0x6E80];
	v3 =	vand.u32 $0x7FFFFFFF, v5;
	v5 =	vsub.f32 v26, v6;
	v6 =	vbroadcast v46, $0x0  }
0x41: {  	v19 =	vld [tilespmem:$0x6F00];
	v47 =	vbroadcast v46, $0x6;
	v11 =	vbroadcast v4, $0x6;
	v2 =	vadd.f32 v3, v2  }
0x42: {  	v17 =	vld [tilespmem:$0x6F80];
	v3 =	vand.u32 $0x7FFFFFFF, v5;
	v5 =	vsub.f32 v25, v6;
	v6 =	vbroadcast v46, $0x1  }
0x43: {  	v16 =	vld [tilespmem:$0x7000];
	v13 =	vbroadcast v4, $0x7;
	v45 =	vbroadcast v4, $0x4;
	v2 =	vadd.f32 v3, v2  }
0x44: {  	v14 =	vld [tilespmem:$0x7080];
	v3 =	vand.u32 $0x7FFFFFFF, v5;
	v5 =	vsub.f32 v23, v6;
	v6 =	vbroadcast v46, $0x2  }
0x45: {  	v12 =	vld [tilespmem:$0x7100];
	v44 =	vbroadcast v4, $0x5;
	v54 =	vbroadcast v4, $0x2;
	v2 =	vadd.f32 v3, v2  }
0x46: {  	v10 =	vld [tilespmem:$0x7180];
	v56 =	vbroadcast v4, $0x3;
	v3 =	vand.u32 $0x7FFFFFFF, v5;
	v5 =	vsub.f32 v22, v6  }
0x47: {  	v9 =	vld [tilespmem:$0x7200];
	v51 =	vbroadcast v4, $0x0;
	v55 =	vbroadcast v4, $0x1;
	v3 =	vadd.f32 v3, v2  }
0x48: {  	v8 =	vld [tilespmem:$0x7280];
	v4 =	vand.u32 $0x7FFFFFFF, v5;
	v5 =	vsub.f32 v20, v15;
	v15 =	vbroadcast v46, $0x4  }
0x49: {  	v7 =	vld [tilespmem:$0x7300];
	v42 =	vbroadcast v46, $0x5;
	v18 =	vadd.f32 v4, v3  }
0x4a: {  	v47 =	vsub.f32 v19, v47;
	v3 =	vld [tilespmem:$0x7700];
	v5 =	vand.u32 $0x7FFFFFFF, v5;
	v15 =	vsub.f32 v24, v15  }
0x4b: {  	s22 =	simm.s32 $0x80;
	v2 =	vld [tilespmem:$0x7780];
	v43 =	vadd.f32 v5, v18  }
0x4c: {  	v42 =	vsub.f32 v21, v42;
	v61 =	vand.u32 $0x7FFFFFFF, v47;
	v47 =	vld.idx.msk [tilespmem:v0+s22+$0x0 ss:$0x1], $0xffff;
	v15 =	vand.u32 $0x7FFFFFFF, v15  }
0x4d: {  	v4 =	vld [tilespmem:$0x7680];
	v43 =	vadd.f32 v15, v43  }
0x4e: {  	v49 =	vbroadcast v46, $0xE;
	v58 =	vand.u32 $0x7FFFFFFF, v42;
	v5 =	vld [tilespmem:$0x7600]  }
0x4f: {  	v57 =	vbroadcast v46, $0x7;
	v59 =	vadd.f32 v58, v43;
	v43 =	vsub.f32 v3, v11;
	v11 =	vld [tilespmem:$0x7580]  }
0x50: {  	v52 =	vbroadcast v46, $0xF;
	v48 =	vbroadcast v46, $0xC;
	v42 =	vsub.f32 v2, v13;
	v13 =	vld [tilespmem:$0x7500]  }
0x51: {  	v50 =	vbroadcast v46, $0xD;
	v53 =	vbroadcast v46, $0xB;
	v60 =	vsub.f32 v17, v57;
	v15 =	vld [tilespmem:$0x7480]  }
0x52: {  	v57 =	vbroadcast v46, $0x9;
	v18 =	vld [tilespmem:$0x7400];
	v44 =	vsub.f32 v4, v44;
	v58 =	vbroadcast v46, $0x8  }
0x53: {  	s23 =	simm.s32 $0x400;
	v1 =	vimm.f32 $3.399999950e+38;
	v6 =	vld [tilespmem:$0x7380];
	v45 =	vsub.f32 v5, v45;
	v59 =	vadd.f32 v61, v59  }
.LBB2_5:
0x54: {  	p0 =	sne.s32 s23, $0x2600;
	v60 =	vand.u32 $0x7FFFFFFF, v60;
	v58 =	vsub.f32 v16, v58;
	v56 =	vsub.f32 v11, v56  }
0x55: {  	v46 =	vbroadcast v46, $0xA;
	v54 =	vsub.f32 v13, v54;
	v59 =	vadd.f32 v60, v59  }
0x56: {  	v55 =	vsub.f32 v15, v55;
	v57 =	vsub.f32 v14, v57;
	v58 =	vand.u32 $0x7FFFFFFF, v58  }
0x57: {  	v51 =	vsub.f32 v18, v51;
	v60 =	vbroadcast v47, $0x0;
	v58 =	vadd.f32 v58, v59  }
0x58: {  	v52 =	vsub.f32 v6, v52;
	v46 =	vsub.f32 v12, v46;
	v57 =	vand.u32 $0x7FFFFFFF, v57  }
0x59: {  	v49 =	vsub.f32 v7, v49;
	v59 =	vbroadcast v47, $0x1;
	v57 =	vadd.f32 v57, v58  }
0x5a: {  	v53 =	vsub.f32 v10, v53;
	v50 =	vsub.f32 v8, v50;
	v46 =	vand.u32 $0x7FFFFFFF, v46  }
0x5b: {  	v48 =	vsub.f32 v9, v48;
	v58 =	vbroadcast v47, $0x2;
	v46 =	vadd.f32 v46, v57  }
0x5c: {  	v53 =	vand.u32 $0x7FFFFFFF, v53;
	v59 =	vsub.f32 v36, v59;
	v57 =	vsub.f32 v35, v60  }
0x5d: {  	v58 =	vsub.f32 v37, v58;
	v60 =	vbroadcast v47, $0x3;
	v46 =	vadd.f32 v53, v46  }
0x5e: {  	v48 =	vand.u32 $0x7FFFFFFF, v48;
	v53 =	vand.u32 $0x7FFFFFFF, v57;
	v57 =	vand.u32 $0x7FFFFFFF, v59  }
0x5f: {  	v53 =	vadd.f32 v57, v53;
	v57 =	vbroadcast v47, $0x4;
	v46 =	vadd.f32 v48, v46  }
0x60: {  	v50 =	vand.u32 $0x7FFFFFFF, v50;
	v48 =	vand.u32 $0x7FFFFFFF, v58;
	v58 =	vsub.f32 v31, v60  }
0x61: {  	v48 =	vadd.f32 v48, v53;
	v53 =	vbroadcast v47, $0x5;
	v46 =	vadd.f32 v50, v46  }
0x62: {  	v49 =	vand.u32 $0x7FFFFFFF, v49;
	v57 =	vsub.f32 v29, v57;
	v50 =	vand.u32 $0x7FFFFFFF, v58  }
0x63: {  	v48 =	vadd.f32 v50, v48;
	v50 =	vbroadcast v47, $0x6;
	v46 =	vadd.f32 v49, v46  }
0x64: {  	v52 =	vand.u32 $0x7FFFFFFF, v52;
	v53 =	vsub.f32 v30, v53;
	v49 =	vand.u32 $0x7FFFFFFF, v57  }
0x65: {  	v48 =	vadd.f32 v49, v48;
	v49 =	vbroadcast v47, $0x7;
	v46 =	vadd.f32 v52, v46  }
0x66: {  	v51 =	vand.u32 $0x7FFFFFFF, v51;
	v50 =	vsub.f32 v32, v50;
	v52 =	vand.u32 $0x7FFFFFFF, v53  }
0x67: {  	v48 =	vadd.f32 v52, v48;
	v52 =	vbroadcast v47, $0x8;
	v46 =	vadd.f32 v51, v46  }
0x68: {  	v50 =	vand.u32 $0x7FFFFFFF, v50;
	v49 =	vsub.f32 v33, v49;
	v51 =	vand.u32 $0x7FFFFFFF, v55  }
0x69: {  	v48 =	vadd.f32 v50, v48;
	v50 =	vbroadcast v47, $0x9;
	v46 =	vadd.f32 v51, v46  }
0x6a: {  	v49 =	vand.u32 $0x7FFFFFFF, v49;
	v51 =	vsub.f32 v38, v52;
	v52 =	vand.u32 $0x7FFFFFFF, v54  }
0x6b: {  	v48 =	vadd.f32 v49, v48;
	v49 =	vbroadcast v47, $0xA;
	v46 =	vadd.f32 v52, v46  }
0x6c: {  	v50 =	vsub.f32 v40, v50;
	v51 =	vand.u32 $0x7FFFFFFF, v51;
	v52 =	vand.u32 $0x7FFFFFFF, v56  }
0x6d: {  	v48 =	vadd.f32 v51, v48;
	v51 =	vbroadcast v47, $0xB;
	v46 =	vadd.f32 v52, v46  }
0x6e: {  	v45 =	vand.u32 $0x7FFFFFFF, v45;
	v50 =	vand.u32 $0x7FFFFFFF, v50;
	v49 =	vsub.f32 v41, v49  }
0x6f: {  	v48 =	vadd.f32 v50, v48;
	v50 =	vbroadcast v47, $0xC;
	v45 =	vadd.f32 v45, v46  }
0x70: {  	v44 =	vand.u32 $0x7FFFFFFF, v44;
	v46 =	vand.u32 $0x7FFFFFFF, v49;
	v49 =	vsub.f32 v39, v51  }
0x71: {  	v51 =	vbroadcast v47, $0xD;
	v48 =	vadd.f32 v46, v48;
	v44 =	vadd.f32 v44, v45  }
0x72: {  	v43 =	vand.u32 $0x7FFFFFFF, v43;
	v45 =	vand.u32 $0x7FFFFFFF, v49;
	v49 =	vsub.f32 v34, v50;
	v46 =	vld.idx.msk [tilespmem:v0+s22+$0x10 ss:$0x1], $0xffff  }
0x73: {  	v45 =	vadd.f32 v45, v48;
	v48 =	vbroadcast v47, $0xE;
	v50 =	vld.idx.msk [tilespmem:v0+s22+$0x20 ss:$0x1], $0xffff;
	v43 =	vadd.f32 v43, v44  }
0x74: {  	v42 =	vand.u32 $0x7FFFFFFF, v42;
	v44 =	vand.u32 $0x7FFFFFFF, v49;
	v49 =	vsub.f32 v27, v51  }
0x75: {  	v44 =	vadd.f32 v44, v45;
	v42 =	vadd.f32 v42, v43  }
0x76: {  	v47 =	vbroadcast v47, $0xF;
	v45 =	vsub.f32 v28, v48;
	v43 =	vand.u32 $0x7FFFFFFF, v49  }
0x77: {  	v43 =	vadd.f32 v43, v44;
	v1 =	vmin.f32 v1, v42  }
0x78: {  	v44 =	vsub.f32 v26, v47;
	v42 =	vand.u32 $0x7FFFFFFF, v45;
	v45 =	vbroadcast v46, $0x0  }
0x79: {  	v42 =	vadd.f32 v42, v43;
	v43 =	vbroadcast v50, $0x6;
	v47 =	vbroadcast v50, $0x7  }
0x7a: {  	v48 =	vbroadcast v46, $0x1;
	v44 =	vand.u32 $0x7FFFFFFF, v44;
	v45 =	vsub.f32 v25, v45  }
0x7b: {  	v61 =	vbroadcast v50, $0x4;
	v42 =	vadd.f32 v44, v42;
	v44 =	vbroadcast v50, $0x5  }
0x7c: {  	v49 =	vbroadcast v46, $0x2;
	v48 =	vsub.f32 v23, v48;
	v45 =	vand.u32 $0x7FFFFFFF, v45  }
0x7d: {  	v54 =	vbroadcast v50, $0x2;
	v56 =	vbroadcast v50, $0x3;
	v42 =	vadd.f32 v45, v42  }
0x7e: {  	v45 =	vand.u32 $0x7FFFFFFF, v48;
	v48 =	vsub.f32 v22, v49;
	v49 =	vbroadcast v46, $0x3  }
0x7f: {  	v51 =	vbroadcast v50, $0x0;
	v55 =	vbroadcast v50, $0x1;
	v42 =	vadd.f32 v45, v42  }
0x80: {  	v50 =	vbroadcast v46, $0x4;
	v45 =	vand.u32 $0x7FFFFFFF, v48;
	v48 =	vsub.f32 v20, v49  }
0x81: {  	v52 =	vbroadcast v46, $0xF;
	v49 =	vbroadcast v46, $0xE;
	v42 =	vadd.f32 v45, v42  }
0x82: {  	v57 =	vbroadcast v46, $0x5;
	v53 =	vsub.f32 v24, v50;
	v45 =	vand.u32 $0x7FFFFFFF, v48  }
0x83: {  	v50 =	vbroadcast v46, $0xD;
	v48 =	vbroadcast v46, $0xC;
	v42 =	vadd.f32 v45, v42  }
0x84: {  	v58 =	vbroadcast v46, $0x6;
	v57 =	vsub.f32 v21, v57;
	v45 =	vand.u32 $0x7FFFFFFF, v53  }
.Ltmp0:
0x85: {  	v59 =	vbroadcast v46, $0x7;
	v53 =	vbroadcast v46, $0xB;
	v45 =	vadd.f32 v45, v42;
	(pc) =	sbr.rel @p0 .LBB2_5-.Ltmp0, $4  }
0x86: {  	s22 =	sshra.s32 s23, $0x2;
	v60 =	vsub.f32 v19, v58;
	v57 =	vand.u32 $0x7FFFFFFF, v57;
	v42 =	vsub.f32 v2, v47  }
0x87: {  	v58 =	vbroadcast v46, $0x8;
	v43 =	vsub.f32 v3, v43;
	v45 =	vadd.f32 v57, v45;
	v47 =	vld.idx.msk [tilespmem:v0+s22+$0x0 ss:$0x1], $0xffff  }
0x88: {  	v44 =	vsub.f32 v4, v44;
	v57 =	vand.u32 $0x7FFFFFFF, v60;
	v60 =	vsub.f32 v17, v59  }
0x89: {  	s23 =	sadd.s32 $0x200, s23;
	v59 =	vadd.f32 v57, v45;
	v57 =	vbroadcast v46, $0x9;
	v45 =	vsub.f32 v5, v61  }
0x8a: {  	_ =	sdelay $0x1  }
0x8b: {  	v61 =	vbroadcast v47, $0x0;
	v62 =	vbroadcast v47, $0x1  }
0x8c: {  	v63 =	vbroadcast v47, $0x2  }
0x8d: {  	v35 =	vsub.f32 v35, v61;
	v36 =	vsub.f32 v36, v62  }
0x8e: {  	v37 =	vsub.f32 v37, v63  }
0x8f: {  	v61 =	vbroadcast v47, $0x3;
	v35 =	vand.u32 $0x7FFFFFFF, v35;
	v36 =	vand.u32 $0x7FFFFFFF, v36  }
0x90: {  	v35 =	vadd.f32 v36, v35  }
0x91: {  	v63 =	vbroadcast v47, $0x4;
	v31 =	vsub.f32 v31, v61;
	v37 =	vand.u32 $0x7FFFFFFF, v37  }
0x92: {  	v35 =	vadd.f32 v37, v35  }
0x93: {  	v61 =	vbroadcast v47, $0x5;
	v29 =	vsub.f32 v29, v63;
	v31 =	vand.u32 $0x7FFFFFFF, v31  }
0x94: {  	v31 =	vadd.f32 v31, v35  }
0x95: {  	v62 =	vbroadcast v47, $0x6;
	v29 =	vand.u32 $0x7FFFFFFF, v29;
	v30 =	vsub.f32 v30, v61  }
0x96: {  	v29 =	vadd.f32 v29, v31  }
0x97: {  	v63 =	vbroadcast v47, $0x7;
	v32 =	vsub.f32 v32, v62;
	v30 =	vand.u32 $0x7FFFFFFF, v30  }
0x98: {  	v29 =	vadd.f32 v30, v29  }
0x99: {  	v36 =	vbroadcast v47, $0x8;
	v32 =	vand.u32 $0x7FFFFFFF, v32;
	v31 =	vsub.f32 v33, v63  }
0x9a: {  	v29 =	vadd.f32 v32, v29  }
0x9b: {  	v37 =	vbroadcast v47, $0x9;
	v31 =	vand.u32 $0x7FFFFFFF, v31;
	v30 =	vsub.f32 v38, v36  }
0x9c: {  	v29 =	vadd.f32 v31, v29  }
0x9d: {  	v38 =	vbroadcast v47, $0xA;
	v30 =	vand.u32 $0x7FFFFFFF, v30;
	v32 =	vsub.f32 v40, v37  }
0x9e: {  	v29 =	vadd.f32 v30, v29  }
0x9f: {  	v40 =	vbroadcast v47, $0xB;
	v32 =	vand.u32 $0x7FFFFFFF, v32;
	v31 =	vsub.f32 v41, v38  }
0xa0: {  	v29 =	vadd.f32 v32, v29  }
0xa1: {  	v41 =	vbroadcast v47, $0xC;
	v31 =	vand.u32 $0x7FFFFFFF, v31;
	v30 =	vsub.f32 v39, v40  }
0xa2: {  	v29 =	vadd.f32 v31, v29  }
0xa3: {  	v62 =	vbroadcast v47, $0xD;
	v30 =	vand.u32 $0x7FFFFFFF, v30;
	v32 =	vsub.f32 v34, v41  }
0xa4: {  	v36 =	vld.idx.msk [tilespmem:v0+s22+$0x10 ss:$0x1], $0xffff;
	v29 =	vadd.f32 v30, v29  }
0xa5: {  	v27 =	vsub.f32 v27, v62;
	v37 =	vbroadcast v47, $0xE;
	v32 =	vand.u32 $0x7FFFFFFF, v32  }
0xa6: {  	v29 =	vadd.f32 v32, v29  }
0xa7: {  	v27 =	vand.u32 $0x7FFFFFFF, v27;
	v28 =	vsub.f32 v28, v37;
	v39 =	vbroadcast v47, $0xF  }
0xa8: {  	v27 =	vadd.f32 v27, v29  }
0xa9: {  	v28 =	vand.u32 $0x7FFFFFFF, v28;
	v40 =	vbroadcast v36, $0x0;
	v26 =	vsub.f32 v26, v39  }
0xaa: {  	v61 =	vsub.f32 v16, v58;
	v27 =	vadd.f32 v28, v27  }
0xab: {  	v47 =	vbroadcast v36, $0x1;
	v25 =	vsub.f32 v25, v40;
	v26 =	vand.u32 $0x7FFFFFFF, v26  }
0xac: {  	v35 =	vsub.f32 v11, v56;
	v26 =	vadd.f32 v26, v27  }
0xad: {  	v56 =	vbroadcast v36, $0x2;
	v23 =	vsub.f32 v23, v47;
	v25 =	vand.u32 $0x7FFFFFFF, v25  }
0xae: {  	v63 =	vand.u32 $0x7FFFFFFF, v60;
	v33 =	vsub.f32 v15, v55;
	v25 =	vadd.f32 v25, v26  }
0xaf: {  	v58 =	vbroadcast v36, $0x3;
	v22 =	vsub.f32 v22, v56;
	v23 =	vand.u32 $0x7FFFFFFF, v23  }
0xb0: {  	v38 =	vadd.f32 v63, v59;
	v23 =	vadd.f32 v23, v25  }
0xb1: {  	v60 =	vbroadcast v36, $0x4;
	v20 =	vsub.f32 v20, v58;
	v22 =	vand.u32 $0x7FFFFFFF, v22  }
0xb2: {  	v59 =	vbroadcast v46, $0xA;
	v63 =	vbroadcast v36, $0x5;
	v22 =	vadd.f32 v22, v23  }
0xb3: {  	v37 =	vbroadcast v36, $0x6;
	v62 =	vsub.f32 v24, v60;
	v20 =	vand.u32 $0x7FFFFFFF, v20  }
0xb4: {  	v46 =	vsub.f32 v10, v53;
	v53 =	vbroadcast v36, $0xA;
	v20 =	vadd.f32 v20, v22  }
0xb5: {  	v21 =	vsub.f32 v21, v63;
	v19 =	vsub.f32 v19, v37;
	v34 =	vand.u32 $0x7FFFFFFF, v62  }
0xb6: {  	v56 =	vbroadcast v36, $0xB;
	v58 =	vsub.f32 v9, v48;
	v20 =	vadd.f32 v34, v20  }
0xb7: {  	v41 =	vsub.f32 v14, v57;
	v39 =	vbroadcast v36, $0x7;
	v21 =	vand.u32 $0x7FFFFFFF, v21  }
0xb8: {  	v60 =	vbroadcast v36, $0xC;
	v19 =	vand.u32 $0x7FFFFFFF, v19;
	v20 =	vadd.f32 v21, v20  }
0xb9: {  	v31 =	vand.u32 $0x7FFFFFFF, v41;
	v41 =	vbroadcast v36, $0x8;
	v17 =	vsub.f32 v17, v39  }
0xba: {  	v40 =	vsub.f32 v7, v49;
	v47 =	vbroadcast v36, $0x9;
	v19 =	vadd.f32 v19, v20  }
0xbb: {  	v17 =	vand.u32 $0x7FFFFFFF, v17;
	v49 =	vsub.f32 v16, v41;
	v32 =	vsub.f32 v13, v54  }
0xbc: {  	v54 =	vand.u32 $0x7FFFFFFF, v61;
	v61 =	vsub.f32 v12, v59;
	v17 =	vadd.f32 v17, v19  }
0xbd: {  	v16 =	vand.u32 $0x7FFFFFFF, v49;
	v57 =	vadd.f32 v54, v38;
	v54 =	vsub.f32 v14, v47  }
0xbe: {  	v63 =	vbroadcast v36, $0xD;
	v29 =	vsub.f32 v18, v51;
	v16 =	vadd.f32 v16, v17  }
0xbf: {  	v38 =	vadd.f32 v31, v57;
	v14 =	vand.u32 $0x7FFFFFFF, v54;
	v57 =	vsub.f32 v12, v53  }
0xc0: {  	v51 =	vand.u32 $0x7FFFFFFF, v61;
	v61 =	vsub.f32 v10, v56;
	v14 =	vadd.f32 v14, v16  }
0xc1: {  	v55 =	vadd.f32 v51, v38;
	v12 =	vand.u32 $0x7FFFFFFF, v57;
	v27 =	vsub.f32 v6, v52  }
0xc2: {  	v59 =	vand.u32 $0x7FFFFFFF, v46;
	v52 =	vsub.f32 v8, v50;
	v12 =	vadd.f32 v12, v14  }
0xc3: {  	v24 =	vld.idx.msk [tilespmem:v0+s22+$0x20 ss:$0x1], $0xffff;
	v10 =	vand.u32 $0x7FFFFFFF, v61;
	v62 =	vadd.f32 v59, v55;
	v20 =	vsub.f32 v9, v60  }
0xc4: {  	v26 =	vsub.f32 v8, v63;
	v19 =	vand.u32 $0x7FFFFFFF, v58;
	v10 =	vadd.f32 v10, v12  }
0xc5: {  	v25 =	vbroadcast v36, $0xE;
	v9 =	vand.u32 $0x7FFFFFFF, v20;
	v21 =	vadd.f32 v19, v62  }
0xc6: {  	v31 =	vbroadcast v36, $0xF;
	v22 =	vand.u32 $0x7FFFFFFF, v52;
	v9 =	vadd.f32 v9, v10  }
0xc7: {  	v8 =	vand.u32 $0x7FFFFFFF, v26;
	v34 =	vsub.f32 v7, v25;
	v28 =	vadd.f32 v22, v21  }
0xc8: {  	v30 =	vand.u32 $0x7FFFFFFF, v40;
	v38 =	vbroadcast v24, $0x0;
	v8 =	vadd.f32 v8, v9  }
0xc9: {  	v39 =	vsub.f32 v6, v31;
	v7 =	vand.u32 $0x7FFFFFFF, v34;
	v36 =	vadd.f32 v30, v28  }
0xca: {  	v46 =	vbroadcast v24, $0x1;
	v37 =	vand.u32 $0x7FFFFFFF, v27;
	v7 =	vadd.f32 v7, v8  }
0xcb: {  	v6 =	vand.u32 $0x7FFFFFFF, v39;
	v40 =	vadd.f32 v37, v36;
	v9 =	vsub.f32 v18, v38  }
0xcc: {  	v48 =	vbroadcast v24, $0x2;
	v41 =	vand.u32 $0x7FFFFFFF, v29;
	v6 =	vadd.f32 v6, v7  }
0xcd: {  	v10 =	vadd.f32 v41, v40;
	v8 =	vsub.f32 v15, v46;
	v9 =	vand.u32 $0x7FFFFFFF, v9  }
0xce: {  	v47 =	vand.u32 $0x7FFFFFFF, v33;
	v50 =	vbroadcast v24, $0x3;
	v6 =	vadd.f32 v9, v6  }
0xcf: {  	v10 =	vadd.f32 v47, v10;
	v7 =	vsub.f32 v13, v48;
	v8 =	vand.u32 $0x7FFFFFFF, v8  }
0xd0: {  	v49 =	vand.u32 $0x7FFFFFFF, v32;
	v52 =	vbroadcast v24, $0x4;
	v6 =	vadd.f32 v8, v6  }
0xd1: {  	v10 =	vadd.f32 v49, v10;
	v9 =	vsub.f32 v11, v50;
	v7 =	vand.u32 $0x7FFFFFFF, v7  }
0xd2: {  	v54 =	vbroadcast v24, $0x5;
	v51 =	vand.u32 $0x7FFFFFFF, v35;
	v6 =	vadd.f32 v7, v6  }
0xd3: {  	v5 =	vsub.f32 v5, v52;
	v10 =	vadd.f32 v51, v10;
	v55 =	vand.u32 $0x7FFFFFFF, v9  }
0xd4: {  	v53 =	vand.u32 $0x7FFFFFFF, v45;
	v4 =	vsub.f32 v4, v54;
	v6 =	vadd.f32 v55, v6  }
0xd5: {  	v5 =	vand.u32 $0x7FFFFFFF, v5;
	v58 =	vbroadcast v24, $0x6;
	v56 =	vadd.f32 v53, v10  }
0xd6: {  	v0 =	vbroadcast v24, $0x7;
	v57 =	vand.u32 $0x7FFFFFFF, v44;
	v5 =	vadd.f32 v5, v6  }
0xd7: {  	v4 =	vand.u32 $0x7FFFFFFF, v4;
	v3 =	vsub.f32 v3, v58;
	v59 =	vadd.f32 v57, v56  }
0xd8: {  	v60 =	vand.u32 $0x7FFFFFFF, v43;
	v4 =	vadd.f32 v4, v5  }
0xd9: {  	s31 =	sadd.s32 s19, s21;
	s21 =	sadd.s32 $0x1, s21;
	v0 =	vsub.f32 v2, v0;
	v62 =	vand.u32 $0x7FFFFFFF, v3;
	v61 =	vadd.f32 v60, v59  }
0xda: {  	p0 =	sne.s32 s21, $0xA;
	v63 =	vand.u32 $0x7FFFFFFF, v42;
	v2 =	vadd.f32 v62, v4  }
.Ltmp1:
0xdb: {  	v0 =	vand.u32 $0x7FFFFFFF, v0;
	v3 =	vadd.f32 v63, v61;
	(pc) =	sbr.rel @p0 .LBB2_4-.Ltmp1, $4  }
0xdc: {  	v0 =	vadd.f32 v0, v2  }
0xdd: {  	s22 =	sshll.u32 s31, $0x7;
	v1 =	vmin.f32 v1, v3  }
0xde: {  	s22 =	sand.u32 $0x3FFFFF80, s22;
	v0 =	vmin.f32 v1, v0  }
0xdf: {  	s20 =	sadd.s32 $0xA00, s20;
	[tilespmem:s22+$0x7800] =	vst v0  }
0xe0: {  	s18 =	sadd.s32 $0x1, s18  }
0xe1: {  	p0 =	sne.s32 s18, $0x5  }
.Ltmp2:
0xe2: {  	_ = 	snop;
	(pc) =	sbr.rel @p0 .LBB2_3-.Ltmp2, $1  }
0xe3: {  	_ =	sdelay $0x3  }
0xe4: {  	s15 =	smul.u32 $0x1C000, s15;
	_ =	sdelay $0x1  }
0xe5: {  	s14 =	sadd.s32 $0x1, s14;
	s15 =	sadd.s32 s8, s15  }
0xe6: {  	p0 =	sne.s32 s14, $0xC;
	s15 =	sshrl.u32 s15, $0x3  }
.Ltmp3:
0xe7: {  	s15 =	sadd.s32 s6, s15;
	(pc) =	sbr.rel @p0 .LBB2_2-.Ltmp3, $4  }
0xe8: {  	[hbm4b:s15+s2] =	stream.linear.scatter [tilespmem:s12], [sflag:$0x1], $0x1900, $0x38;
	[tilespmem:$0x9400] =	vst v63  }
0xe9: {  	_ =	swait.ge [sflag:s11], $0x1900  }
0xea: {  	[sflag:s11] =	ssyncset.done $0x0  }
0xeb: {  	[sflag:s11] =	ssyncadd.s32 $0xFFFFE700  }
0xec: {  	s13 =	sadd.s32 $0x1, s13  }
0xed: {  	p0 =	sne.s32 s13, s9  }
.Ltmp4:
0xee: {  	_ = 	snop;
	(pc) =	sbr.rel @p0 .LBB2_1-.Ltmp4, $1  }
0xef: {  	_ =	sdelay $0x3  }
0xf0: {  	_ =	sfence.sel $0x180000  }
0xf1: {  	[bflag:$0x0] =	sbarrier.arrive $0xFFFF  }
0xf2: {  	p0 =	sne.s32 s3, $0x0;
	_ =	strace $0x90000047  }
0xf3: {  	s0 =	sadd.s32 @!p0 $0x100000, s0;
	[bflag:$0x2] =	sbarrier.arrive $0xFFFF  }
0xf4: {  	[sflag:s0] =	ssyncadd.tile.s32 @!p0 $0x1;
	_ =	shalt  }
.Lfunc_end2:
_tile_overlayer_lowered:
.L_overlay_start_2:
0xf5: {  	(tag) =	ssettag $0x2  }
0xf6: {  	s0 =	rddreg [dreg:$0x0];
	s2 =	stileid.u32  }
0xf7: {  	s1 =	rddreg [dreg:$0x1];
	p0 =	sne.s32 s2, $0x0  }
0xf8: {  	s3 =	rddreg [dreg:$0x2];
	[bflag:$0x3] =	sbarrier.arrive $0xFFFF;
	s2 =	simm.s32 @!p0 $0x1C01  }
0xf9: {  	[timem:s3], [sflag:s2] =	dma.local @!p0 [hbm:s0], s1  }
0xfa: {  	s0 =	simm.s32 @!p0 $0x1  }
0xfb: {  	_ =	swait.ge @!p0 [sflag:s0], s1  }
0xfc: {  	s1 =	ssub.s32 @!p0 $0x0, s1;
	[sflag:s0] =	ssyncset.done @!p0 $0x0  }
0xfd: {  	[sflag:s0] =	ssyncadd.s32 @!p0 s1  }
0xfe: {  	[bflag:$0x3] =	sbarrier.arrive $0xFFFF  }
0xff: {  	_ =	shalt  }

</sc_bundles>
